<compile_context>
chip_gen: v7x
topology: tpu7x:2x2x1
jax: 0.10.2.dev20260603
libtpu: 0.0.44.dev20260713+nightly
codegen_flags: <defaults>
</compile_context>

<pallas_src>
import functools

import jax
import jax.numpy as jnp
from jax import lax
from jax.experimental import pallas as pl
from jax.experimental.pallas import tpu as pltpu
from jax.experimental.pallas import tpu_sc as plsc

B = 16384
NW = 32
BPW = B // NW
NU = 1000000


def _sc_gather_one(idx, embf):
    mesh = plsc.VectorSubcoreMesh(core_axis_name="c", subcore_axis_name="s")

    @functools.partial(
        pl.kernel,
        mesh=mesh,
        compiler_params=pltpu.CompilerParams(use_tc_tiling_on_sc=False),
        out_type=jax.ShapeDtypeStruct((3, B), jnp.float32),
        scratch_types=[
            pltpu.VMEM((3, BPW), jnp.int32),
            pltpu.VMEM((3, BPW), jnp.float32),
            pltpu.SemaphoreType.DMA,
        ],
    )
    def gather_kernel(idx_hbm, embf_hbm, out_hbm, idx_v, row_v, sem):
        wid = lax.axis_index("s") * 2 + lax.axis_index("c")
        base = wid * BPW
        pltpu.sync_copy(idx_hbm.at[pl.ds(base, BPW)], idx_v.at[0])
        for g in range(BPW // 16):
            v = idx_v[0, pl.ds(16 * g, 16)]
            idx_v[1, pl.ds(16 * g, 16)] = v + NU
            idx_v[2, pl.ds(16 * g, 16)] = v + 2 * NU
        copies = [
            pltpu.async_copy(embf_hbm.at[idx_v.at[c]], row_v.at[c], sem)
            for c in range(3)
        ]
        for cp in copies:
            cp.wait()
        for c in range(3):
            pltpu.sync_copy(row_v.at[c], out_hbm.at[c, pl.ds(base, BPW)])

    return gather_kernel(idx, embf)


def _lrelu(v):
    return jnp.where(v >= 0, v, 0.1 * v)


def _mlp_t_body(u_ref, i_ref, a_ref, w1u, w1i, w1a, w2, w3,
                w4, w5, w6, w7, ball, out_ref):
    dot = functools.partial(
        lax.dot_general,
        dimension_numbers=(((0,), (0,)), ((), ())),
        preferred_element_type=jnp.float32,
    )
    bs = ball[...]
    h = (dot(w1u[...], u_ref[...]) + dot(w1i[...], i_ref[...])
         + dot(w1a[...], a_ref[...]) + bs[:, 0:1])
    h = _lrelu(h)
    h = _lrelu(dot(w2[...], h) + bs[:, 1:2])
    h = _lrelu(dot(w3[...], h) + bs[:, 2:3])
    h = dot(w4[...], h) + bs[:, 3:4]
    h = _lrelu(dot(w5[...], h) + bs[:, 4:5])
    h = _lrelu(dot(w6[...], h) + bs[:, 5:6])
    h = dot(w7[...], h) + bs[0:1, 6:7]
    out_ref[...] = 5.0 / (1.0 + jnp.exp(-h))


def _mlp_t(u, i, a, *ws, tb=16384):
    def _full(arr):
        return pl.BlockSpec(arr.shape, lambda j: (0,) * arr.ndim)

    in_specs = [
        pl.BlockSpec((3, tb), lambda j: (0, j)),
        pl.BlockSpec((3, tb), lambda j: (0, j)),
        pl.BlockSpec((5, tb), lambda j: (0, j)),
    ] + [_full(w) for w in ws]
    return pl.pallas_call(
        _mlp_t_body,
        grid=(B // tb,),
        in_specs=in_specs,
        out_specs=pl.BlockSpec((1, tb), lambda j: (0, j)),
        out_shape=jax.ShapeDtypeStruct((1, B), jnp.float32),
    )(u, i, a, *ws)


def kernel(x, a, user_emb, item_emb, W1, b1, W2, b2, W3, b3, W4, b4,
           W5, b5, W6, b6, W7, b7):
    user_idx = x[:, 0]
    item_idx = x[:, 1]
    iembf = item_emb.T.reshape(-1)
    i = _sc_gather_one(item_idx, iembf)
    uembf = user_emb.T.reshape(-1)
    u = _sc_gather_one(user_idx, uembf)
    ball = jnp.stack(
        [b1, b2, b3, b4, b5, b6,
         jnp.broadcast_to(b7, (10,))], axis=1)
    out = _mlp_t(
        u, i, a.T,
        W1[0:3], W1[3:6], W1[6:11], W2, W3, W4, W5, W6, W7, ball,
    )
    return out[0]

# --- scband reference (transcript-rebuilt; emitter-appended) ---
"""Pipeline reference for scband-neural-matrix-factorization-22299470201243 (READ-ONLY COPY).

The authoritative reference and input builder live on the scoring server;
editing this copy changes nothing except your own understanding.
"""

import jax, jax.numpy as jnp
import numpy as np

B = 16384
NUM_USERS = 1000000
NUM_ITEMS = 1000000
USER_K = 3
ITEM_K = 3
ADD_FEATURE = 5
HIDDEN = 10


def setup_inputs(seed: int = 0) -> dict:
    key = jax.random.key(seed)
    ks = jax.random.split(key, 24)
    x = jax.random.randint(ks[0], (B, 2), 0, NUM_USERS, dtype=jnp.int32)
    a = jax.random.normal(ks[1], (B, ADD_FEATURE), dtype=jnp.float32)
    user_emb = (jax.random.normal(ks[2], (NUM_USERS, USER_K), dtype=jnp.float32)).at[0].set(0.0)  # padding_idx=0
    item_emb = (jax.random.normal(ks[3], (NUM_ITEMS, ITEM_K), dtype=jnp.float32)).at[0].set(0.0)  # padding_idx=0
    d_in = USER_K + ITEM_K + ADD_FEATURE
    dims = [(d_in, HIDDEN), (HIDDEN, HIDDEN), (HIDDEN, HIDDEN), (HIDDEN, HIDDEN), (HIDDEN, HIDDEN), (HIDDEN, HIDDEN), (HIDDEN, 1)]
    params = {}
    for i, (fi, fo) in enumerate(dims):
        bound = 1.0 / np.sqrt(fi)
        params[f"W{i+1}"] = jax.random.uniform(ks[4 + 2 * i], (fi, fo), minval=-bound, maxval=bound, dtype=jnp.float32)
        params[f"b{i+1}"] = jax.random.uniform(ks[5 + 2 * i], (fo,), minval=-bound, maxval=bound, dtype=jnp.float32)
    out = {"x": x, "a": a, "user_emb": user_emb, "item_emb": item_emb}
    out.update(params)
    return out


def reference(x, a, user_emb, item_emb, W1, b1, W2, b2, W3, b3, W4, b4, W5, b5, W6, b6, W7, b7):
    user_idx = x[:, 0]
    item_idx = x[:, 1]
    user_feature = jnp.take(user_emb, user_idx, axis=0)
    item_feature = jnp.take(item_emb, item_idx, axis=0)
    h = jnp.concatenate([user_feature, item_feature, a], axis=1)
    lr = lambda v: jax.nn.leaky_relu(v, negative_slope=0.1)
    h = lr(h @ W1 + b1)
    h = lr(h @ W2 + b2)
    h = lr(h @ W3 + b3)
    h = h @ W4 + b4
    h = lr(h @ W5 + b5)
    h = lr(h @ W6 + b6)
    h = h @ W7 + b7
    out = jax.nn.sigmoid(h) * 5.0
    return jnp.squeeze(out, axis=-1)

if __name__ == "__main__":
    import jax
    _d = setup_inputs()
    print(jax.jit(kernel)(*tuple(_d.values())))

</pallas_src>

<mosaic_0001>
#map = affine_map<(d0, d1) -> (0)>
#map1 = affine_map<(d0, d1) -> (0, 0)>
module attributes {stable_mosaic.version = 14 : i64} {
  func.func @gather_kernel(%arg0: i32, %arg1: i32, %arg2: memref<16384xi32, #tpu.memory_space<hbm>>, %arg3: memref<3000000xf32, #tpu.memory_space<hbm>>, %arg4: memref<3x16384xf32, #tpu.memory_space<hbm>>, %arg5: memref<3x512xi32, #tpu.memory_space<vmem>>, %arg6: memref<3x512xf32, #tpu.memory_space<vmem>>, %arg7: memref<!tpu.dma_semaphore, #tpu.memory_space<semaphore_mem>>) attributes {dimension_semantics = [#tpu.dimension_semantics<core_parallel>, #tpu.dimension_semantics<subcore_parallel>], iteration_bounds = array<i64: 2, 16>, scalar_prefetch = 0 : i64, scratch_operands = 3 : i64, tpu.core_type = #tpu.core_type<sc_vector_subcore>, window_params = [{transform_indices = #map}, {transform_indices = #map}, {transform_indices = #map1}]} {
    %mul3A = arith.constant 2 : i32
    %mul3A_0 = arith.muli %arg1, %mul3A : i32
    %add3A = arith.addi %mul3A_0, %arg0 : i32
    %mul3A_1 = arith.constant 512 : i32
    %mul3A_2 = arith.muli %add3A, %mul3A_1 : i32
    %run_scoped3A = arith.constant 0 : i32
    "tpu.region"() ({
      %run_scoped3A_801 = tpu.sem_alloc : memref<!tpu.dma_semaphore, #tpu.memory_space<semaphore_mem>>
      %dma_start3A_802 = arith.constant 0 : i32
      %dma_start3A_803 = tpu.memref_slice %arg5[%run_scoped3A, %dma_start3A_802] : memref<3x512xi32, #tpu.memory_space<vmem>> -> memref<1x512xi32, #tpu.memory_space<vmem>>
      %dma_start3A_804 = tpu.memref_squeeze %dma_start3A_803 : memref<1x512xi32, #tpu.memory_space<vmem>> -> memref<512xi32, #tpu.memory_space<vmem>>
      %dma_start3A_805 = tpu.memref_slice %arg2[%mul3A_2] : memref<16384xi32, #tpu.memory_space<hbm>> -> memref<512xi32, #tpu.memory_space<hbm>>
      %dma_start3A_806 = arith.constant 0 : i32
      %dma_start3A_807 = tpu.memref_slice %arg5[%run_scoped3A, %dma_start3A_806] : memref<3x512xi32, #tpu.memory_space<vmem>> -> memref<1x512xi32, #tpu.memory_space<vmem>>
      %dma_start3A_808 = tpu.memref_squeeze %dma_start3A_807 : memref<1x512xi32, #tpu.memory_space<vmem>> -> memref<512xi32, #tpu.memory_space<vmem>>
      %dma_start3A_809 = tpu.memref_slice %arg2[%mul3A_2] : memref<16384xi32, #tpu.memory_space<hbm>> -> memref<512xi32, #tpu.memory_space<hbm>>
      tpu.enqueue_dma source(%dma_start3A_809 : memref<512xi32, #tpu.memory_space<hbm>>) target(%dma_start3A_808 : memref<512xi32, #tpu.memory_space<vmem>>) target_semaphore(%run_scoped3A_801 : memref<!tpu.dma_semaphore, #tpu.memory_space<semaphore_mem>>)
      %dma_wait3A_810 = arith.constant 0 : i32
      %dma_wait3A_811 = tpu.memref_slice %arg5[%run_scoped3A, %dma_wait3A_810] : memref<3x512xi32, #tpu.memory_space<vmem>> -> memref<1x512xi32, #tpu.memory_space<vmem>>
      %dma_wait3A_812 = tpu.memref_squeeze %dma_wait3A_811 : memref<1x512xi32, #tpu.memory_space<vmem>> -> memref<512xi32, #tpu.memory_space<vmem>>
      %dma_wait3A_813 = tpu.memref_slice %arg2[%mul3A_2] : memref<16384xi32, #tpu.memory_space<hbm>> -> memref<512xi32, #tpu.memory_space<hbm>>
      %dma_wait3A_814 = arith.constant 0 : i32
      %dma_wait3A_815 = tpu.memref_slice %arg5[%run_scoped3A, %dma_wait3A_814] : memref<3x512xi32, #tpu.memory_space<vmem>> -> memref<1x512xi32, #tpu.memory_space<vmem>>
      %dma_wait3A_816 = tpu.memref_squeeze %dma_wait3A_815 : memref<1x512xi32, #tpu.memory_space<vmem>> -> memref<512xi32, #tpu.memory_space<vmem>>
      %dma_wait3A_817 = tpu.memref_slice %arg2[%mul3A_2] : memref<16384xi32, #tpu.memory_space<hbm>> -> memref<512xi32, #tpu.memory_space<hbm>>
      tpu.wait_dma2 semaphore(%run_scoped3A_801 : memref<!tpu.dma_semaphore, #tpu.memory_space<semaphore_mem>>) src(%dma_wait3A_817 : memref<512xi32, #tpu.memory_space<hbm>>) dst(%dma_wait3A_816 : memref<512xi32, #tpu.memory_space<vmem>>)
      tpu.yield
    }) : () -> ()
    %get3A = arith.constant 0 : i32
    %get3A_3 = arith.index_cast %get3A : i32 to index
    %get3A_4 = arith.constant 0 : index
    %get3A_5 = tpu.vector_load %arg5[%get3A_3, %get3A_4] {strides = array<i32>} : memref<3x512xi32, #tpu.memory_space<vmem>>, vector<1x16xi32>,
    %get3A_6 = vector.shape_cast %get3A_5 : vector<1x16xi32> to vector<16xi32>
    %add3A_7 = arith.constant 1000000 : i32
    %add3A_8 = vector.broadcast %add3A_7 : i32 to vector<16xi32>
    %add3A_9 = arith.addi %get3A_6, %add3A_8 : vector<16xi32>
    %swap3A = arith.constant 1 : i32
    %swap3A_10 = arith.index_cast %swap3A : i32 to index
    %swap3A_11 = arith.constant 0 : index
    %swap3A_12 = tpu.vector_load %arg5[%swap3A_10, %swap3A_11] {strides = array<i32>} : memref<3x512xi32, #tpu.memory_space<vmem>>, vector<1x16xi32>,
    %swap3A_13 = vector.shape_cast %swap3A_12 : vector<1x16xi32> to vector<16xi32>
    %swap3A_14 = vector.shape_cast %add3A_9 : vector<16xi32> to vector<1x16xi32>
    tpu.vector_store %arg5[%swap3A_10, %swap3A_11], %swap3A_14 {strides = array<i32>} : memref<3x512xi32, #tpu.memory_space<vmem>>, vector<1x16xi32>,
    %add3A_15 = arith.constant 2000000 : i32
    %add3A_16 = vector.broadcast %add3A_15 : i32 to vector<16xi32>
    %add3A_17 = arith.addi %get3A_6, %add3A_16 : vector<16xi32>
    %swap3A_18 = arith.constant 2 : i32
    %swap3A_19 = arith.index_cast %swap3A_18 : i32 to index
    %swap3A_20 = arith.constant 0 : index
    %swap3A_21 = tpu.vector_load %arg5[%swap3A_19, %swap3A_20] {strides = array<i32>} : memref<3x512xi32, #tpu.memory_space<vmem>>, vector<1x16xi32>,
    %swap3A_22 = vector.shape_cast %swap3A_21 : vector<1x16xi32> to vector<16xi32>
    %swap3A_23 = vector.shape_cast %add3A_17 : vector<16xi32> to vector<1x16xi32>
    tpu.vector_store %arg5[%swap3A_19, %swap3A_20], %swap3A_23 {strides = array<i32>} : memref<3x512xi32, #tpu.memory_space<vmem>>, vector<1x16xi32>,
    %get3A_24 = arith.constant 0 : i32
    %get3A_25 = arith.index_cast %get3A_24 : i32 to index
    %get3A_26 = arith.constant 16 : index
    %get3A_27 = tpu.vector_load %arg5[%get3A_25, %get3A_26] {strides = array<i32>} : memref<3x512xi32, #tpu.memory_space<vmem>>, vector<1x16xi32>,
    %get3A_28 = vector.shape_cast %get3A_27 : vector<1x16xi32> to vector<16xi32>
    %add3A_29 = arith.constant 1000000 : i32
    %add3A_30 = vector.broadcast %add3A_29 : i32 to vector<16xi32>
    %add3A_31 = arith.addi %get3A_28, %add3A_30 : vector<16xi32>
    %swap3A_32 = arith.constant 1 : i32
    %swap3A_33 = arith.index_cast %swap3A_32 : i32 to index
    %swap3A_34 = arith.constant 16 : index
    %swap3A_35 = tpu.vector_load %arg5[%swap3A_33, %swap3A_34] {strides = array<i32>} : memref<3x512xi32, #tpu.memory_space<vmem>>, vector<1x16xi32>,
    %swap3A_36 = vector.shape_cast %swap3A_35 : vector<1x16xi32> to vector<16xi32>
    %swap3A_37 = vector.shape_cast %add3A_31 : vector<16xi32> to vector<1x16xi32>
    tpu.vector_store %arg5[%swap3A_33, %swap3A_34], %swap3A_37 {strides = array<i32>} : memref<3x512xi32, #tpu.memory_space<vmem>>, vector<1x16xi32>,
    %add3A_38 = arith.constant 2000000 : i32
    %add3A_39 = vector.broadcast %add3A_38 : i32 to vector<16xi32>
    %add3A_40 = arith.addi %get3A_28, %add3A_39 : vector<16xi32>
    %swap3A_41 = arith.constant 2 : i32
    %swap3A_42 = arith.index_cast %swap3A_41 : i32 to index
    %swap3A_43 = arith.constant 16 : index
    %swap3A_44 = tpu.vector_load %arg5[%swap3A_42, %swap3A_43] {strides = array<i32>} : memref<3x512xi32, #tpu.memory_space<vmem>>, vector<1x16xi32>,
    %swap3A_45 = vector.shape_cast %swap3A_44 : vector<1x16xi32> to vector<16xi32>
    %swap3A_46 = vector.shape_cast %add3A_40 : vector<16xi32> to vector<1x16xi32>
    tpu.vector_store %arg5[%swap3A_42, %swap3A_43], %swap3A_46 {strides = array<i32>} : memref<3x512xi32, #tpu.memory_space<vmem>>, vector<1x16xi32>,
    %get3A_47 = arith.constant 0 : i32
    %get3A_48 = arith.index_cast %get3A_47 : i32 to index
    %get3A_49 = arith.constant 32 : index
    %get3A_50 = tpu.vector_load %arg5[%get3A_48, %get3A_49] {strides = array<i32>} : memref<3x512xi32, #tpu.memory_space<vmem>>, vector<1x16xi32>,
    %get3A_51 = vector.shape_cast %get3A_50 : vector<1x16xi32> to vector<16xi32>
    %add3A_52 = arith.constant 1000000 : i32
    %add3A_53 = vector.broadcast %add3A_52 : i32 to vector<16xi32>
    %add3A_54 = arith.addi %get3A_51, %add3A_53 : vector<16xi32>
    %swap3A_55 = arith.constant 1 : i32
    %swap3A_56 = arith.index_cast %swap3A_55 : i32 to index
    %swap3A_57 = arith.constant 32 : index
    %swap3A_58 = tpu.vector_load %arg5[%swap3A_56, %swap3A_57] {strides = array<i32>} : memref<3x512xi32, #tpu.memory_space<vmem>>, vector<1x16xi32>,
    %swap3A_59 = vector.shape_cast %swap3A_58 : vector<1x16xi32> to vector<16xi32>
    %swap3A_60 = vector.shape_cast %add3A_54 : vector<16xi32> to vector<1x16xi32>
    tpu.vector_store %arg5[%swap3A_56, %swap3A_57], %swap3A_60 {strides = array<i32>} : memref<3x512xi32, #tpu.memory_space<vmem>>, vector<1x16xi32>,
    %add3A_61 = arith.constant 2000000 : i32
    %add3A_62 = vector.broadcast %add3A_61 : i32 to vector<16xi32>
    %add3A_63 = arith.addi %get3A_51, %add3A_62 : vector<16xi32>
    %swap3A_64 = arith.constant 2 : i32
    %swap3A_65 = arith.index_cast %swap3A_64 : i32 to index
    %swap3A_66 = arith.constant 32 : index
    %swap3A_67 = tpu.vector_load %arg5[%swap3A_65, %swap3A_66] {strides = array<i32>} : memref<3x512xi32, #tpu.memory_space<vmem>>, vector<1x16xi32>,
    %swap3A_68 = vector.shape_cast %swap3A_67 : vector<1x16xi32> to vector<16xi32>
    %swap3A_69 = vector.shape_cast %add3A_63 : vector<16xi32> to vector<1x16xi32>
    tpu.vector_store %arg5[%swap3A_65, %swap3A_66], %swap3A_69 {strides = array<i32>} : memref<3x512xi32, #tpu.memory_space<vmem>>, vector<1x16xi32>,
    %get3A_70 = arith.constant 0 : i32
    %get3A_71 = arith.index_cast %get3A_70 : i32 to index
    %get3A_72 = arith.constant 48 : index
    %get3A_73 = tpu.vector_load %arg5[%get3A_71, %get3A_72] {strides = array<i32>} : memref<3x512xi32, #tpu.memory_space<vmem>>, vector<1x16xi32>,
    %get3A_74 = vector.shape_cast %get3A_73 : vector<1x16xi32> to vector<16xi32>
    %add3A_75 = arith.constant 1000000 : i32
    %add3A_76 = vector.broadcast %add3A_75 : i32 to vector<16xi32>
    %add3A_77 = arith.addi %get3A_74, %add3A_76 : vector<16xi32>
    %swap3A_78 = arith.constant 1 : i32
    %swap3A_79 = arith.index_cast %swap3A_78 : i32 to index
    %swap3A_80 = arith.constant 48 : index
    %swap3A_81 = tpu.vector_load %arg5[%swap3A_79, %swap3A_80] {strides = array<i32>} : memref<3x512xi32, #tpu.memory_space<vmem>>, vector<1x16xi32>,
    %swap3A_82 = vector.shape_cast %swap3A_81 : vector<1x16xi32> to vector<16xi32>
    %swap3A_83 = vector.shape_cast %add3A_77 : vector<16xi32> to vector<1x16xi32>
    tpu.vector_store %arg5[%swap3A_79, %swap3A_80], %swap3A_83 {strides = array<i32>} : memref<3x512xi32, #tpu.memory_space<vmem>>, vector<1x16xi32>,
    %add3A_84 = arith.constant 2000000 : i32
    %add3A_85 = vector.broadcast %add3A_84 : i32 to vector<16xi32>
    %add3A_86 = arith.addi %get3A_74, %add3A_85 : vector<16xi32>
    %swap3A_87 = arith.constant 2 : i32
    %swap3A_88 = arith.index_cast %swap3A_87 : i32 to index
    %swap3A_89 = arith.constant 48 : index
    %swap3A_90 = tpu.vector_load %arg5[%swap3A_88, %swap3A_89] {strides = array<i32>} : memref<3x512xi32, #tpu.memory_space<vmem>>, vector<1x16xi32>,
    %swap3A_91 = vector.shape_cast %swap3A_90 : vector<1x16xi32> to vector<16xi32>
    %swap3A_92 = vector.shape_cast %add3A_86 : vector<16xi32> to vector<1x16xi32>
    tpu.vector_store %arg5[%swap3A_88, %swap3A_89], %swap3A_92 {strides = array<i32>} : memref<3x512xi32, #tpu.memory_space<vmem>>, vector<1x16xi32>,
    %get3A_93 = arith.constant 0 : i32
    %get3A_94 = arith.index_cast %get3A_93 : i32 to index
    %get3A_95 = arith.constant 64 : index
    %get3A_96 = tpu.vector_load %arg5[%get3A_94, %get3A_95] {strides = array<i32>} : memref<3x512xi32, #tpu.memory_space<vmem>>, vector<1x16xi32>,
    %get3A_97 = vector.shape_cast %get3A_96 : vector<1x16xi32> to vector<16xi32>
    %add3A_98 = arith.constant 1000000 : i32
    %add3A_99 = vector.broadcast %add3A_98 : i32 to vector<16xi32>
    %add3A_100 = arith.addi %get3A_97, %add3A_99 : vector<16xi32>
    %swap3A_101 = arith.constant 1 : i32
    %swap3A_102 = arith.index_cast %swap3A_101 : i32 to index
    %swap3A_103 = arith.constant 64 : index
    %swap3A_104 = tpu.vector_load %arg5[%swap3A_102, %swap3A_103] {strides = array<i32>} : memref<3x512xi32, #tpu.memory_space<vmem>>, vector<1x16xi32>,
    %swap3A_105 = vector.shape_cast %swap3A_104 : vector<1x16xi32> to vector<16xi32>
    %swap3A_106 = vector.shape_cast %add3A_100 : vector<16xi32> to vector<1x16xi32>
    tpu.vector_store %arg5[%swap3A_102, %swap3A_103], %swap3A_106 {strides = array<i32>} : memref<3x512xi32, #tpu.memory_space<vmem>>, vector<1x16xi32>,
    %add3A_107 = arith.constant 2000000 : i32
    %add3A_108 = vector.broadcast %add3A_107 : i32 to vector<16xi32>
    %add3A_109 = arith.addi %get3A_97, %add3A_108 : vector<16xi32>
    %swap3A_110 = arith.constant 2 : i32
    %swap3A_111 = arith.index_cast %swap3A_110 : i32 to index
    %swap3A_112 = arith.constant 64 : index
    %swap3A_113 = tpu.vector_load %arg5[%swap3A_111, %swap3A_112] {strides = array<i32>} : memref<3x512xi32, #tpu.memory_space<vmem>>, vector<1x16xi32>,
    %swap3A_114 = vector.shape_cast %swap3A_113 : vector<1x16xi32> to vector<16xi32>
    %swap3A_115 = vector.shape_cast %add3A_109 : vector<16xi32> to vector<1x16xi32>
    tpu.vector_store %arg5[%swap3A_111, %swap3A_112], %swap3A_115 {strides = array<i32>} : memref<3x512xi32, #tpu.memory_space<vmem>>, vector<1x16xi32>,
    %get3A_116 = arith.constant 0 : i32
    %get3A_117 = arith.index_cast %get3A_116 : i32 to index
    %get3A_118 = arith.constant 80 : index
    %get3A_119 = tpu.vector_load %arg5[%get3A_117, %get3A_118] {strides = array<i32>} : memref<3x512xi32, #tpu.memory_space<vmem>>, vector<1x16xi32>,
    %get3A_120 = vector.shape_cast %get3A_119 : vector<1x16xi32> to vector<16xi32>
    %add3A_121 = arith.constant 1000000 : i32
    %add3A_122 = vector.broadcast %add3A_121 : i32 to vector<16xi32>
    %add3A_123 = arith.addi %get3A_120, %add3A_122 : vector<16xi32>
    %swap3A_124 = arith.constant 1 : i32
    %swap3A_125 = arith.index_cast %swap3A_124 : i32 to index
    %swap3A_126 = arith.constant 80 : index
    %swap3A_127 = tpu.vector_load %arg5[%swap3A_125, %swap3A_126] {strides = array<i32>} : memref<3x512xi32, #tpu.memory_space<vmem>>, vector<1x16xi32>,
    %swap3A_128 = vector.shape_cast %swap3A_127 : vector<1x16xi32> to vector<16xi32>
    %swap3A_129 = vector.shape_cast %add3A_123 : vector<16xi32> to vector<1x16xi32>
    tpu.vector_store %arg5[%swap3A_125, %swap3A_126], %swap3A_129 {strides = array<i32>} : memref<3x512xi32, #tpu.memory_space<vmem>>, vector<1x16xi32>,
    %add3A_130 = arith.constant 2000000 : i32
    %add3A_131 = vector.broadcast %add3A_130 : i32 to vector<16xi32>
    %add3A_132 = arith.addi %get3A_120, %add3A_131 : vector<16xi32>
    %swap3A_133 = arith.constant 2 : i32
    %swap3A_134 = arith.index_cast %swap3A_133 : i32 to index
    %swap3A_135 = arith.constant 80 : index
    %swap3A_136 = tpu.vector_load %arg5[%swap3A_134, %swap3A_135] {strides = array<i32>} : memref<3x512xi32, #tpu.memory_space<vmem>>, vector<1x16xi32>,
    %swap3A_137 = vector.shape_cast %swap3A_136 : vector<1x16xi32> to vector<16xi32>
    %swap3A_138 = vector.shape_cast %add3A_132 : vector<16xi32> to vector<1x16xi32>
    tpu.vector_store %arg5[%swap3A_134, %swap3A_135], %swap3A_138 {strides = array<i32>} : memref<3x512xi32, #tpu.memory_space<vmem>>, vector<1x16xi32>,
    %get3A_139 = arith.constant 0 : i32
    %get3A_140 = arith.index_cast %get3A_139 : i32 to index
    %get3A_141 = arith.constant 96 : index
    %get3A_142 = tpu.vector_load %arg5[%get3A_140, %get3A_141] {strides = array<i32>} : memref<3x512xi32, #tpu.memory_space<vmem>>, vector<1x16xi32>,
    %get3A_143 = vector.shape_cast %get3A_142 : vector<1x16xi32> to vector<16xi32>
    %add3A_144 = arith.constant 1000000 : i32
    %add3A_145 = vector.broadcast %add3A_144 : i32 to vector<16xi32>
    %add3A_146 = arith.addi %get3A_143, %add3A_145 : vector<16xi32>
    %swap3A_147 = arith.constant 1 : i32
    %swap3A_148 = arith.index_cast %swap3A_147 : i32 to index
    %swap3A_149 = arith.constant 96 : index
    %swap3A_150 = tpu.vector_load %arg5[%swap3A_148, %swap3A_149] {strides = array<i32>} : memref<3x512xi32, #tpu.memory_space<vmem>>, vector<1x16xi32>,
    %swap3A_151 = vector.shape_cast %swap3A_150 : vector<1x16xi32> to vector<16xi32>
    %swap3A_152 = vector.shape_cast %add3A_146 : vector<16xi32> to vector<1x16xi32>
    tpu.vector_store %arg5[%swap3A_148, %swap3A_149], %swap3A_152 {strides = array<i32>} : memref<3x512xi32, #tpu.memory_space<vmem>>, vector<1x16xi32>,
    %add3A_153 = arith.constant 2000000 : i32
    %add3A_154 = vector.broadcast %add3A_153 : i32 to vector<16xi32>
    %add3A_155 = arith.addi %get3A_143, %add3A_154 : vector<16xi32>
    %swap3A_156 = arith.constant 2 : i32
    %swap3A_157 = arith.index_cast %swap3A_156 : i32 to index
    %swap3A_158 = arith.constant 96 : index
    %swap3A_159 = tpu.vector_load %arg5[%swap3A_157, %swap3A_158] {strides = array<i32>} : memref<3x512xi32, #tpu.memory_space<vmem>>, vector<1x16xi32>,
    %swap3A_160 = vector.shape_cast %swap3A_159 : vector<1x16xi32> to vector<16xi32>
    %swap3A_161 = vector.shape_cast %add3A_155 : vector<16xi32> to vector<1x16xi32>
    tpu.vector_store %arg5[%swap3A_157, %swap3A_158], %swap3A_161 {strides = array<i32>} : memref<3x512xi32, #tpu.memory_space<vmem>>, vector<1x16xi32>,
    %get3A_162 = arith.constant 0 : i32
    %get3A_163 = arith.index_cast %get3A_162 : i32 to index
    %get3A_164 = arith.constant 112 : index
    %get3A_165 = tpu.vector_load %arg5[%get3A_163, %get3A_164] {strides = array<i32>} : memref<3x512xi32, #tpu.memory_space<vmem>>, vector<1x16xi32>,
    %get3A_166 = vector.shape_cast %get3A_165 : vector<1x16xi32> to vector<16xi32>
    %add3A_167 = arith.constant 1000000 : i32
    %add3A_168 = vector.broadcast %add3A_167 : i32 to vector<16xi32>
    %add3A_169 = arith.addi %get3A_166, %add3A_168 : vector<16xi32>
    %swap3A_170 = arith.constant 1 : i32
    %swap3A_171 = arith.index_cast %swap3A_170 : i32 to index
    %swap3A_172 = arith.constant 112 : index
    %swap3A_173 = tpu.vector_load %arg5[%swap3A_171, %swap3A_172] {strides = array<i32>} : memref<3x512xi32, #tpu.memory_space<vmem>>, vector<1x16xi32>,
    %swap3A_174 = vector.shape_cast %swap3A_173 : vector<1x16xi32> to vector<16xi32>
    %swap3A_175 = vector.shape_cast %add3A_169 : vector<16xi32> to vector<1x16xi32>
    tpu.vector_store %arg5[%swap3A_171, %swap3A_172], %swap3A_175 {strides = array<i32>} : memref<3x512xi32, #tpu.memory_space<vmem>>, vector<1x16xi32>,
    %add3A_176 = arith.constant 2000000 : i32
    %add3A_177 = vector.broadcast %add3A_176 : i32 to vector<16xi32>
    %add3A_178 = arith.addi %get3A_166, %add3A_177 : vector<16xi32>
    %swap3A_179 = arith.constant 2 : i32
    %swap3A_180 = arith.index_cast %swap3A_179 : i32 to index
    %swap3A_181 = arith.constant 112 : index
    %swap3A_182 = tpu.vector_load %arg5[%swap3A_180, %swap3A_181] {strides = array<i32>} : memref<3x512xi32, #tpu.memory_space<vmem>>, vector<1x16xi32>,
    %swap3A_183 = vector.shape_cast %swap3A_182 : vector<1x16xi32> to vector<16xi32>
    %swap3A_184 = vector.shape_cast %add3A_178 : vector<16xi32> to vector<1x16xi32>
    tpu.vector_store %arg5[%swap3A_180, %swap3A_181], %swap3A_184 {strides = array<i32>} : memref<3x512xi32, #tpu.memory_space<vmem>>, vector<1x16xi32>,
    %get3A_185 = arith.constant 0 : i32
    %get3A_186 = arith.index_cast %get3A_185 : i32 to index
    %get3A_187 = arith.constant 128 : index
    %get3A_188 = tpu.vector_load %arg5[%get3A_186, %get3A_187] {strides = array<i32>} : memref<3x512xi32, #tpu.memory_space<vmem>>, vector<1x16xi32>,
    %get3A_189 = vector.shape_cast %get3A_188 : vector<1x16xi32> to vector<16xi32>
    %add3A_190 = arith.constant 1000000 : i32
    %add3A_191 = vector.broadcast %add3A_190 : i32 to vector<16xi32>
    %add3A_192 = arith.addi %get3A_189, %add3A_191 : vector<16xi32>
    %swap3A_193 = arith.constant 1 : i32
    %swap3A_194 = arith.index_cast %swap3A_193 : i32 to index
    %swap3A_195 = arith.constant 128 : index
    %swap3A_196 = tpu.vector_load %arg5[%swap3A_194, %swap3A_195] {strides = array<i32>} : memref<3x512xi32, #tpu.memory_space<vmem>>, vector<1x16xi32>,
    %swap3A_197 = vector.shape_cast %swap3A_196 : vector<1x16xi32> to vector<16xi32>
    %swap3A_198 = vector.shape_cast %add3A_192 : vector<16xi32> to vector<1x16xi32>
    tpu.vector_store %arg5[%swap3A_194, %swap3A_195], %swap3A_198 {strides = array<i32>} : memref<3x512xi32, #tpu.memory_space<vmem>>, vector<1x16xi32>,
    %add3A_199 = arith.constant 2000000 : i32
    %add3A_200 = vector.broadcast %add3A_199 : i32 to vector<16xi32>
    %add3A_201 = arith.addi %get3A_189, %add3A_200 : vector<16xi32>
    %swap3A_202 = arith.constant 2 : i32
    %swap3A_203 = arith.index_cast %swap3A_202 : i32 to index
    %swap3A_204 = arith.constant 128 : index
    %swap3A_205 = tpu.vector_load %arg5[%swap3A_203, %swap3A_204] {strides = array<i32>} : memref<3x512xi32, #tpu.memory_space<vmem>>, vector<1x16xi32>,
    %swap3A_206 = vector.shape_cast %swap3A_205 : vector<1x16xi32> to vector<16xi32>
    %swap3A_207 = vector.shape_cast %add3A_201 : vector<16xi32> to vector<1x16xi32>
    tpu.vector_store %arg5[%swap3A_203, %swap3A_204], %swap3A_207 {strides = array<i32>} : memref<3x512xi32, #tpu.memory_space<vmem>>, vector<1x16xi32>,
    %get3A_208 = arith.constant 0 : i32
    %get3A_209 = arith.index_cast %get3A_208 : i32 to index
    %get3A_210 = arith.constant 144 : index
    %get3A_211 = tpu.vector_load %arg5[%get3A_209, %get3A_210] {strides = array<i32>} : memref<3x512xi32, #tpu.memory_space<vmem>>, vector<1x16xi32>,
    %get3A_212 = vector.shape_cast %get3A_211 : vector<1x16xi32> to vector<16xi32>
    %add3A_213 = arith.constant 1000000 : i32
    %add3A_214 = vector.broadcast %add3A_213 : i32 to vector<16xi32>
    %add3A_215 = arith.addi %get3A_212, %add3A_214 : vector<16xi32>
    %swap3A_216 = arith.constant 1 : i32
    %swap3A_217 = arith.index_cast %swap3A_216 : i32 to index
    %swap3A_218 = arith.constant 144 : index
    %swap3A_219 = tpu.vector_load %arg5[%swap3A_217, %swap3A_218] {strides = array<i32>} : memref<3x512xi32, #tpu.memory_space<vmem>>, vector<1x16xi32>,
    %swap3A_220 = vector.shape_cast %swap3A_219 : vector<1x16xi32> to vector<16xi32>
    %swap3A_221 = vector.shape_cast %add3A_215 : vector<16xi32> to vector<1x16xi32>
    tpu.vector_store %arg5[%swap3A_217, %swap3A_218], %swap3A_221 {strides = array<i32>} : memref<3x512xi32, #tpu.memory_space<vmem>>, vector<1x16xi32>,
    %add3A_222 = arith.constant 2000000 : i32
    %add3A_223 = vector.broadcast %add3A_222 : i32 to vector<16xi32>
    %add3A_224 = arith.addi %get3A_212, %add3A_223 : vector<16xi32>
    %swap3A_225 = arith.constant 2 : i32
    %swap3A_226 = arith.index_cast %swap3A_225 : i32 to index
    %swap3A_227 = arith.constant 144 : index
    %swap3A_228 = tpu.vector_load %arg5[%swap3A_226, %swap3A_227] {strides = array<i32>} : memref<3x512xi32, #tpu.memory_space<vmem>>, vector<1x16xi32>,
    %swap3A_229 = vector.shape_cast %swap3A_228 : vector<1x16xi32> to vector<16xi32>
    %swap3A_230 = vector.shape_cast %add3A_224 : vector<16xi32> to vector<1x16xi32>
    tpu.vector_store %arg5[%swap3A_226, %swap3A_227], %swap3A_230 {strides = array<i32>} : memref<3x512xi32, #tpu.memory_space<vmem>>, vector<1x16xi32>,
    %get3A_231 = arith.constant 0 : i32
    %get3A_232 = arith.index_cast %get3A_231 : i32 to index
    %get3A_233 = arith.constant 160 : index
    %get3A_234 = tpu.vector_load %arg5[%get3A_232, %get3A_233] {strides = array<i32>} : memref<3x512xi32, #tpu.memory_space<vmem>>, vector<1x16xi32>,
    %get3A_235 = vector.shape_cast %get3A_234 : vector<1x16xi32> to vector<16xi32>
    %add3A_236 = arith.constant 1000000 : i32
    %add3A_237 = vector.broadcast %add3A_236 : i32 to vector<16xi32>
    %add3A_238 = arith.addi %get3A_235, %add3A_237 : vector<16xi32>
    %swap3A_239 = arith.constant 1 : i32
    %swap3A_240 = arith.index_cast %swap3A_239 : i32 to index
    %swap3A_241 = arith.constant 160 : index
    %swap3A_242 = tpu.vector_load %arg5[%swap3A_240, %swap3A_241] {strides = array<i32>} : memref<3x512xi32, #tpu.memory_space<vmem>>, vector<1x16xi32>,
    %swap3A_243 = vector.shape_cast %swap3A_242 : vector<1x16xi32> to vector<16xi32>
    %swap3A_244 = vector.shape_cast %add3A_238 : vector<16xi32> to vector<1x16xi32>
    tpu.vector_store %arg5[%swap3A_240, %swap3A_241], %swap3A_244 {strides = array<i32>} : memref<3x512xi32, #tpu.memory_space<vmem>>, vector<1x16xi32>,
    %add3A_245 = arith.constant 2000000 : i32
    %add3A_246 = vector.broadcast %add3A_245 : i32 to vector<16xi32>
    %add3A_247 = arith.addi %get3A_235, %add3A_246 : vector<16xi32>
    %swap3A_248 = arith.constant 2 : i32
    %swap3A_249 = arith.index_cast %swap3A_248 : i32 to index
    %swap3A_250 = arith.constant 160 : index
    %swap3A_251 = tpu.vector_load %arg5[%swap3A_249, %swap3A_250] {strides = array<i32>} : memref<3x512xi32, #tpu.memory_space<vmem>>, vector<1x16xi32>,
    %swap3A_252 = vector.shape_cast %swap3A_251 : vector<1x16xi32> to vector<16xi32>
    %swap3A_253 = vector.shape_cast %add3A_247 : vector<16xi32> to vector<1x16xi32>
    tpu.vector_store %arg5[%swap3A_249, %swap3A_250], %swap3A_253 {strides = array<i32>} : memref<3x512xi32, #tpu.memory_space<vmem>>, vector<1x16xi32>,
    %get3A_254 = arith.constant 0 : i32
    %get3A_255 = arith.index_cast %get3A_254 : i32 to index
    %get3A_256 = arith.constant 176 : index
    %get3A_257 = tpu.vector_load %arg5[%get3A_255, %get3A_256] {strides = array<i32>} : memref<3x512xi32, #tpu.memory_space<vmem>>, vector<1x16xi32>,
    %get3A_258 = vector.shape_cast %get3A_257 : vector<1x16xi32> to vector<16xi32>
    %add3A_259 = arith.constant 1000000 : i32
    %add3A_260 = vector.broadcast %add3A_259 : i32 to vector<16xi32>
    %add3A_261 = arith.addi %get3A_258, %add3A_260 : vector<16xi32>
    %swap3A_262 = arith.constant 1 : i32
    %swap3A_263 = arith.index_cast %swap3A_262 : i32 to index
    %swap3A_264 = arith.constant 176 : index
    %swap3A_265 = tpu.vector_load %arg5[%swap3A_263, %swap3A_264] {strides = array<i32>} : memref<3x512xi32, #tpu.memory_space<vmem>>, vector<1x16xi32>,
    %swap3A_266 = vector.shape_cast %swap3A_265 : vector<1x16xi32> to vector<16xi32>
    %swap3A_267 = vector.shape_cast %add3A_261 : vector<16xi32> to vector<1x16xi32>
    tpu.vector_store %arg5[%swap3A_263, %swap3A_264], %swap3A_267 {strides = array<i32>} : memref<3x512xi32, #tpu.memory_space<vmem>>, vector<1x16xi32>,
    %add3A_268 = arith.constant 2000000 : i32
    %add3A_269 = vector.broadcast %add3A_268 : i32 to vector<16xi32>
    %add3A_270 = arith.addi %get3A_258, %add3A_269 : vector<16xi32>
    %swap3A_271 = arith.constant 2 : i32
    %swap3A_272 = arith.index_cast %swap3A_271 : i32 to index
    %swap3A_273 = arith.constant 176 : index
    %swap3A_274 = tpu.vector_load %arg5[%swap3A_272, %swap3A_273] {strides = array<i32>} : memref<3x512xi32, #tpu.memory_space<vmem>>, vector<1x16xi32>,
    %swap3A_275 = vector.shape_cast %swap3A_274 : vector<1x16xi32> to vector<16xi32>
    %swap3A_276 = vector.shape_cast %add3A_270 : vector<16xi32> to vector<1x16xi32>
    tpu.vector_store %arg5[%swap3A_272, %swap3A_273], %swap3A_276 {strides = array<i32>} : memref<3x512xi32, #tpu.memory_space<vmem>>, vector<1x16xi32>,
    %get3A_277 = arith.constant 0 : i32
    %get3A_278 = arith.index_cast %get3A_277 : i32 to index
    %get3A_279 = arith.constant 192 : index
    %get3A_280 = tpu.vector_load %arg5[%get3A_278, %get3A_279] {strides = array<i32>} : memref<3x512xi32, #tpu.memory_space<vmem>>, vector<1x16xi32>,
    %get3A_281 = vector.shape_cast %get3A_280 : vector<1x16xi32> to vector<16xi32>
    %add3A_282 = arith.constant 1000000 : i32
    %add3A_283 = vector.broadcast %add3A_282 : i32 to vector<16xi32>
    %add3A_284 = arith.addi %get3A_281, %add3A_283 : vector<16xi32>
    %swap3A_285 = arith.constant 1 : i32
    %swap3A_286 = arith.index_cast %swap3A_285 : i32 to index
    %swap3A_287 = arith.constant 192 : index
    %swap3A_288 = tpu.vector_load %arg5[%swap3A_286, %swap3A_287] {strides = array<i32>} : memref<3x512xi32, #tpu.memory_space<vmem>>, vector<1x16xi32>,
    %swap3A_289 = vector.shape_cast %swap3A_288 : vector<1x16xi32> to vector<16xi32>
    %swap3A_290 = vector.shape_cast %add3A_284 : vector<16xi32> to vector<1x16xi32>
    tpu.vector_store %arg5[%swap3A_286, %swap3A_287], %swap3A_290 {strides = array<i32>} : memref<3x512xi32, #tpu.memory_space<vmem>>, vector<1x16xi32>,
    %add3A_291 = arith.constant 2000000 : i32
    %add3A_292 = vector.broadcast %add3A_291 : i32 to vector<16xi32>
    %add3A_293 = arith.addi %get3A_281, %add3A_292 : vector<16xi32>
    %swap3A_294 = arith.constant 2 : i32
    %swap3A_295 = arith.index_cast %swap3A_294 : i32 to index
    %swap3A_296 = arith.constant 192 : index
    %swap3A_297 = tpu.vector_load %arg5[%swap3A_295, %swap3A_296] {strides = array<i32>} : memref<3x512xi32, #tpu.memory_space<vmem>>, vector<1x16xi32>,
    %swap3A_298 = vector.shape_cast %swap3A_297 : vector<1x16xi32> to vector<16xi32>
    %swap3A_299 = vector.shape_cast %add3A_293 : vector<16xi32> to vector<1x16xi32>
    tpu.vector_store %arg5[%swap3A_295, %swap3A_296], %swap3A_299 {strides = array<i32>} : memref<3x512xi32, #tpu.memory_space<vmem>>, vector<1x16xi32>,
    %get3A_300 = arith.constant 0 : i32
    %get3A_301 = arith.index_cast %get3A_300 : i32 to index
    %get3A_302 = arith.constant 208 : index
    %get3A_303 = tpu.vector_load %arg5[%get3A_301, %get3A_302] {strides = array<i32>} : memref<3x512xi32, #tpu.memory_space<vmem>>, vector<1x16xi32>,
    %get3A_304 = vector.shape_cast %get3A_303 : vector<1x16xi32> to vector<16xi32>
    %add3A_305 = arith.constant 1000000 : i32
    %add3A_306 = vector.broadcast %add3A_305 : i32 to vector<16xi32>
    %add3A_307 = arith.addi %get3A_304, %add3A_306 : vector<16xi32>
    %swap3A_308 = arith.constant 1 : i32
    %swap3A_309 = arith.index_cast %swap3A_308 : i32 to index
    %swap3A_310 = arith.constant 208 : index
    %swap3A_311 = tpu.vector_load %arg5[%swap3A_309, %swap3A_310] {strides = array<i32>} : memref<3x512xi32, #tpu.memory_space<vmem>>, vector<1x16xi32>,
    %swap3A_312 = vector.shape_cast %swap3A_311 : vector<1x16xi32> to vector<16xi32>
    %swap3A_313 = vector.shape_cast %add3A_307 : vector<16xi32> to vector<1x16xi32>
    tpu.vector_store %arg5[%swap3A_309, %swap3A_310], %swap3A_313 {strides = array<i32>} : memref<3x512xi32, #tpu.memory_space<vmem>>, vector<1x16xi32>,
    %add3A_314 = arith.constant 2000000 : i32
    %add3A_315 = vector.broadcast %add3A_314 : i32 to vector<16xi32>
    %add3A_316 = arith.addi %get3A_304, %add3A_315 : vector<16xi32>
    %swap3A_317 = arith.constant 2 : i32
    %swap3A_318 = arith.index_cast %swap3A_317 : i32 to index
    %swap3A_319 = arith.constant 208 : index
    %swap3A_320 = tpu.vector_load %arg5[%swap3A_318, %swap3A_319] {strides = array<i32>} : memref<3x512xi32, #tpu.memory_space<vmem>>, vector<1x16xi32>,
    %swap3A_321 = vector.shape_cast %swap3A_320 : vector<1x16xi32> to vector<16xi32>
    %swap3A_322 = vector.shape_cast %add3A_316 : vector<16xi32> to vector<1x16xi32>
    tpu.vector_store %arg5[%swap3A_318, %swap3A_319], %swap3A_322 {strides = array<i32>} : memref<3x512xi32, #tpu.memory_space<vmem>>, vector<1x16xi32>,
    %get3A_323 = arith.constant 0 : i32
    %get3A_324 = arith.index_cast %get3A_323 : i32 to index
    %get3A_325 = arith.constant 224 : index
    %get3A_326 = tpu.vector_load %arg5[%get3A_324, %get3A_325] {strides = array<i32>} : memref<3x512xi32, #tpu.memory_space<vmem>>, vector<1x16xi32>,
    %get3A_327 = vector.shape_cast %get3A_326 : vector<1x16xi32> to vector<16xi32>
    %add3A_328 = arith.constant 1000000 : i32
    %add3A_329 = vector.broadcast %add3A_328 : i32 to vector<16xi32>
    %add3A_330 = arith.addi %get3A_327, %add3A_329 : vector<16xi32>
    %swap3A_331 = arith.constant 1 : i32
    %swap3A_332 = arith.index_cast %swap3A_331 : i32 to index
    %swap3A_333 = arith.constant 224 : index
    %swap3A_334 = tpu.vector_load %arg5[%swap3A_332, %swap3A_333] {strides = array<i32>} : memref<3x512xi32, #tpu.memory_space<vmem>>, vector<1x16xi32>,
    %swap3A_335 = vector.shape_cast %swap3A_334 : vector<1x16xi32> to vector<16xi32>
    %swap3A_336 = vector.shape_cast %add3A_330 : vector<16xi32> to vector<1x16xi32>
    tpu.vector_store %arg5[%swap3A_332, %swap3A_333], %swap3A_336 {strides = array<i32>} : memref<3x512xi32, #tpu.memory_space<vmem>>, vector<1x16xi32>,
    %add3A_337 = arith.constant 2000000 : i32
    %add3A_338 = vector.broadcast %add3A_337 : i32 to vector<16xi32>
    %add3A_339 = arith.addi %get3A_327, %add3A_338 : vector<16xi32>
    %swap3A_340 = arith.constant 2 : i32
    %swap3A_341 = arith.index_cast %swap3A_340 : i32 to index
    %swap3A_342 = arith.constant 224 : index
    %swap3A_343 = tpu.vector_load %arg5[%swap3A_341, %swap3A_342] {strides = array<i32>} : memref<3x512xi32, #tpu.memory_space<vmem>>, vector<1x16xi32>,
    %swap3A_344 = vector.shape_cast %swap3A_343 : vector<1x16xi32> to vector<16xi32>
    %swap3A_345 = vector.shape_cast %add3A_339 : vector<16xi32> to vector<1x16xi32>
    tpu.vector_store %arg5[%swap3A_341, %swap3A_342], %swap3A_345 {strides = array<i32>} : memref<3x512xi32, #tpu.memory_space<vmem>>, vector<1x16xi32>,
    %get3A_346 = arith.constant 0 : i32
    %get3A_347 = arith.index_cast %get3A_346 : i32 to index
    %get3A_348 = arith.constant 240 : index
    %get3A_349 = tpu.vector_load %arg5[%get3A_347, %get3A_348] {strides = array<i32>} : memref<3x512xi32, #tpu.memory_space<vmem>>, vector<1x16xi32>,
    %get3A_350 = vector.shape_cast %get3A_349 : vector<1x16xi32> to vector<16xi32>
    %add3A_351 = arith.constant 1000000 : i32
    %add3A_352 = vector.broadcast %add3A_351 : i32 to vector<16xi32>
    %add3A_353 = arith.addi %get3A_350, %add3A_352 : vector<16xi32>
    %swap3A_354 = arith.constant 1 : i32
    %swap3A_355 = arith.index_cast %swap3A_354 : i32 to index
    %swap3A_356 = arith.constant 240 : index
    %swap3A_357 = tpu.vector_load %arg5[%swap3A_355, %swap3A_356] {strides = array<i32>} : memref<3x512xi32, #tpu.memory_space<vmem>>, vector<1x16xi32>,
    %swap3A_358 = vector.shape_cast %swap3A_357 : vector<1x16xi32> to vector<16xi32>
    %swap3A_359 = vector.shape_cast %add3A_353 : vector<16xi32> to vector<1x16xi32>
    tpu.vector_store %arg5[%swap3A_355, %swap3A_356], %swap3A_359 {strides = array<i32>} : memref<3x512xi32, #tpu.memory_space<vmem>>, vector<1x16xi32>,
    %add3A_360 = arith.constant 2000000 : i32
    %add3A_361 = vector.broadcast %add3A_360 : i32 to vector<16xi32>
    %add3A_362 = arith.addi %get3A_350, %add3A_361 : vector<16xi32>
    %swap3A_363 = arith.constant 2 : i32
    %swap3A_364 = arith.index_cast %swap3A_363 : i32 to index
    %swap3A_365 = arith.constant 240 : index
    %swap3A_366 = tpu.vector_load %arg5[%swap3A_364, %swap3A_365] {strides = array<i32>} : memref<3x512xi32, #tpu.memory_space<vmem>>, vector<1x16xi32>,
    %swap3A_367 = vector.shape_cast %swap3A_366 : vector<1x16xi32> to vector<16xi32>
    %swap3A_368 = vector.shape_cast %add3A_362 : vector<16xi32> to vector<1x16xi32>
    tpu.vector_store %arg5[%swap3A_364, %swap3A_365], %swap3A_368 {strides = array<i32>} : memref<3x512xi32, #tpu.memory_space<vmem>>, vector<1x16xi32>,
    %get3A_369 = arith.constant 0 : i32
    %get3A_370 = arith.index_cast %get3A_369 : i32 to index
    %get3A_371 = arith.constant 256 : index
    %get3A_372 = tpu.vector_load %arg5[%get3A_370, %get3A_371] {strides = array<i32>} : memref<3x512xi32, #tpu.memory_space<vmem>>, vector<1x16xi32>,
    %get3A_373 = vector.shape_cast %get3A_372 : vector<1x16xi32> to vector<16xi32>
    %add3A_374 = arith.constant 1000000 : i32
    %add3A_375 = vector.broadcast %add3A_374 : i32 to vector<16xi32>
    %add3A_376 = arith.addi %get3A_373, %add3A_375 : vector<16xi32>
    %swap3A_377 = arith.constant 1 : i32
    %swap3A_378 = arith.index_cast %swap3A_377 : i32 to index
    %swap3A_379 = arith.constant 256 : index
    %swap3A_380 = tpu.vector_load %arg5[%swap3A_378, %swap3A_379] {strides = array<i32>} : memref<3x512xi32, #tpu.memory_space<vmem>>, vector<1x16xi32>,
    %swap3A_381 = vector.shape_cast %swap3A_380 : vector<1x16xi32> to vector<16xi32>
    %swap3A_382 = vector.shape_cast %add3A_376 : vector<16xi32> to vector<1x16xi32>
    tpu.vector_store %arg5[%swap3A_378, %swap3A_379], %swap3A_382 {strides = array<i32>} : memref<3x512xi32, #tpu.memory_space<vmem>>, vector<1x16xi32>,
    %add3A_383 = arith.constant 2000000 : i32
    %add3A_384 = vector.broadcast %add3A_383 : i32 to vector<16xi32>
    %add3A_385 = arith.addi %get3A_373, %add3A_384 : vector<16xi32>
    %swap3A_386 = arith.constant 2 : i32
    %swap3A_387 = arith.index_cast %swap3A_386 : i32 to index
    %swap3A_388 = arith.constant 256 : index
    %swap3A_389 = tpu.vector_load %arg5[%swap3A_387, %swap3A_388] {strides = array<i32>} : memref<3x512xi32, #tpu.memory_space<vmem>>, vector<1x16xi32>,
    %swap3A_390 = vector.shape_cast %swap3A_389 : vector<1x16xi32> to vector<16xi32>
    %swap3A_391 = vector.shape_cast %add3A_385 : vector<16xi32> to vector<1x16xi32>
    tpu.vector_store %arg5[%swap3A_387, %swap3A_388], %swap3A_391 {strides = array<i32>} : memref<3x512xi32, #tpu.memory_space<vmem>>, vector<1x16xi32>,
    %get3A_392 = arith.constant 0 : i32
    %get3A_393 = arith.index_cast %get3A_392 : i32 to index
    %get3A_394 = arith.constant 272 : index
    %get3A_395 = tpu.vector_load %arg5[%get3A_393, %get3A_394] {strides = array<i32>} : memref<3x512xi32, #tpu.memory_space<vmem>>, vector<1x16xi32>,
    %get3A_396 = vector.shape_cast %get3A_395 : vector<1x16xi32> to vector<16xi32>
    %add3A_397 = arith.constant 1000000 : i32
    %add3A_398 = vector.broadcast %add3A_397 : i32 to vector<16xi32>
    %add3A_399 = arith.addi %get3A_396, %add3A_398 : vector<16xi32>
    %swap3A_400 = arith.constant 1 : i32
    %swap3A_401 = arith.index_cast %swap3A_400 : i32 to index
    %swap3A_402 = arith.constant 272 : index
    %swap3A_403 = tpu.vector_load %arg5[%swap3A_401, %swap3A_402] {strides = array<i32>} : memref<3x512xi32, #tpu.memory_space<vmem>>, vector<1x16xi32>,
    %swap3A_404 = vector.shape_cast %swap3A_403 : vector<1x16xi32> to vector<16xi32>
    %swap3A_405 = vector.shape_cast %add3A_399 : vector<16xi32> to vector<1x16xi32>
    tpu.vector_store %arg5[%swap3A_401, %swap3A_402], %swap3A_405 {strides = array<i32>} : memref<3x512xi32, #tpu.memory_space<vmem>>, vector<1x16xi32>,
    %add3A_406 = arith.constant 2000000 : i32
    %add3A_407 = vector.broadcast %add3A_406 : i32 to vector<16xi32>
    %add3A_408 = arith.addi %get3A_396, %add3A_407 : vector<16xi32>
    %swap3A_409 = arith.constant 2 : i32
    %swap3A_410 = arith.index_cast %swap3A_409 : i32 to index
    %swap3A_411 = arith.constant 272 : index
    %swap3A_412 = tpu.vector_load %arg5[%swap3A_410, %swap3A_411] {strides = array<i32>} : memref<3x512xi32, #tpu.memory_space<vmem>>, vector<1x16xi32>,
    %swap3A_413 = vector.shape_cast %swap3A_412 : vector<1x16xi32> to vector<16xi32>
    %swap3A_414 = vector.shape_cast %add3A_408 : vector<16xi32> to vector<1x16xi32>
    tpu.vector_store %arg5[%swap3A_410, %swap3A_411], %swap3A_414 {strides = array<i32>} : memref<3x512xi32, #tpu.memory_space<vmem>>, vector<1x16xi32>,
    %get3A_415 = arith.constant 0 : i32
    %get3A_416 = arith.index_cast %get3A_415 : i32 to index
    %get3A_417 = arith.constant 288 : index
    %get3A_418 = tpu.vector_load %arg5[%get3A_416, %get3A_417] {strides = array<i32>} : memref<3x512xi32, #tpu.memory_space<vmem>>, vector<1x16xi32>,
    %get3A_419 = vector.shape_cast %get3A_418 : vector<1x16xi32> to vector<16xi32>
    %add3A_420 = arith.constant 1000000 : i32
    %add3A_421 = vector.broadcast %add3A_420 : i32 to vector<16xi32>
    %add3A_422 = arith.addi %get3A_419, %add3A_421 : vector<16xi32>
    %swap3A_423 = arith.constant 1 : i32
    %swap3A_424 = arith.index_cast %swap3A_423 : i32 to index
    %swap3A_425 = arith.constant 288 : index
    %swap3A_426 = tpu.vector_load %arg5[%swap3A_424, %swap3A_425] {strides = array<i32>} : memref<3x512xi32, #tpu.memory_space<vmem>>, vector<1x16xi32>,
    %swap3A_427 = vector.shape_cast %swap3A_426 : vector<1x16xi32> to vector<16xi32>
    %swap3A_428 = vector.shape_cast %add3A_422 : vector<16xi32> to vector<1x16xi32>
    tpu.vector_store %arg5[%swap3A_424, %swap3A_425], %swap3A_428 {strides = array<i32>} : memref<3x512xi32, #tpu.memory_space<vmem>>, vector<1x16xi32>,
    %add3A_429 = arith.constant 2000000 : i32
    %add3A_430 = vector.broadcast %add3A_429 : i32 to vector<16xi32>
    %add3A_431 = arith.addi %get3A_419, %add3A_430 : vector<16xi32>
    %swap3A_432 = arith.constant 2 : i32
    %swap3A_433 = arith.index_cast %swap3A_432 : i32 to index
    %swap3A_434 = arith.constant 288 : index
    %swap3A_435 = tpu.vector_load %arg5[%swap3A_433, %swap3A_434] {strides = array<i32>} : memref<3x512xi32, #tpu.memory_space<vmem>>, vector<1x16xi32>,
    %swap3A_436 = vector.shape_cast %swap3A_435 : vector<1x16xi32> to vector<16xi32>
    %swap3A_437 = vector.shape_cast %add3A_431 : vector<16xi32> to vector<1x16xi32>
    tpu.vector_store %arg5[%swap3A_433, %swap3A_434], %swap3A_437 {strides = array<i32>} : memref<3x512xi32, #tpu.memory_space<vmem>>, vector<1x16xi32>,
    %get3A_438 = arith.constant 0 : i32
    %get3A_439 = arith.index_cast %get3A_438 : i32 to index
    %get3A_440 = arith.constant 304 : index
    %get3A_441 = tpu.vector_load %arg5[%get3A_439, %get3A_440] {strides = array<i32>} : memref<3x512xi32, #tpu.memory_space<vmem>>, vector<1x16xi32>,
    %get3A_442 = vector.shape_cast %get3A_441 : vector<1x16xi32> to vector<16xi32>
    %add3A_443 = arith.constant 1000000 : i32
    %add3A_444 = vector.broadcast %add3A_443 : i32 to vector<16xi32>
    %add3A_445 = arith.addi %get3A_442, %add3A_444 : vector<16xi32>
    %swap3A_446 = arith.constant 1 : i32
    %swap3A_447 = arith.index_cast %swap3A_446 : i32 to index
    %swap3A_448 = arith.constant 304 : index
    %swap3A_449 = tpu.vector_load %arg5[%swap3A_447, %swap3A_448] {strides = array<i32>} : memref<3x512xi32, #tpu.memory_space<vmem>>, vector<1x16xi32>,
    %swap3A_450 = vector.shape_cast %swap3A_449 : vector<1x16xi32> to vector<16xi32>
    %swap3A_451 = vector.shape_cast %add3A_445 : vector<16xi32> to vector<1x16xi32>
    tpu.vector_store %arg5[%swap3A_447, %swap3A_448], %swap3A_451 {strides = array<i32>} : memref<3x512xi32, #tpu.memory_space<vmem>>, vector<1x16xi32>,
    %add3A_452 = arith.constant 2000000 : i32
    %add3A_453 = vector.broadcast %add3A_452 : i32 to vector<16xi32>
    %add3A_454 = arith.addi %get3A_442, %add3A_453 : vector<16xi32>
    %swap3A_455 = arith.constant 2 : i32
    %swap3A_456 = arith.index_cast %swap3A_455 : i32 to index
    %swap3A_457 = arith.constant 304 : index
    %swap3A_458 = tpu.vector_load %arg5[%swap3A_456, %swap3A_457] {strides = array<i32>} : memref<3x512xi32, #tpu.memory_space<vmem>>, vector<1x16xi32>,
    %swap3A_459 = vector.shape_cast %swap3A_458 : vector<1x16xi32> to vector<16xi32>
    %swap3A_460 = vector.shape_cast %add3A_454 : vector<16xi32> to vector<1x16xi32>
    tpu.vector_store %arg5[%swap3A_456, %swap3A_457], %swap3A_460 {strides = array<i32>} : memref<3x512xi32, #tpu.memory_space<vmem>>, vector<1x16xi32>,
    %get3A_461 = arith.constant 0 : i32
    %get3A_462 = arith.index_cast %get3A_461 : i32 to index
    %get3A_463 = arith.constant 320 : index
    %get3A_464 = tpu.vector_load %arg5[%get3A_462, %get3A_463] {strides = array<i32>} : memref<3x512xi32, #tpu.memory_space<vmem>>, vector<1x16xi32>,
    %get3A_465 = vector.shape_cast %get3A_464 : vector<1x16xi32> to vector<16xi32>
    %add3A_466 = arith.constant 1000000 : i32
    %add3A_467 = vector.broadcast %add3A_466 : i32 to vector<16xi32>
    %add3A_468 = arith.addi %get3A_465, %add3A_467 : vector<16xi32>
    %swap3A_469 = arith.constant 1 : i32
    %swap3A_470 = arith.index_cast %swap3A_469 : i32 to index
    %swap3A_471 = arith.constant 320 : index
    %swap3A_472 = tpu.vector_load %arg5[%swap3A_470, %swap3A_471] {strides = array<i32>} : memref<3x512xi32, #tpu.memory_space<vmem>>, vector<1x16xi32>,
    %swap3A_473 = vector.shape_cast %swap3A_472 : vector<1x16xi32> to vector<16xi32>
    %swap3A_474 = vector.shape_cast %add3A_468 : vector<16xi32> to vector<1x16xi32>
    tpu.vector_store %arg5[%swap3A_470, %swap3A_471], %swap3A_474 {strides = array<i32>} : memref<3x512xi32, #tpu.memory_space<vmem>>, vector<1x16xi32>,
    %add3A_475 = arith.constant 2000000 : i32
    %add3A_476 = vector.broadcast %add3A_475 : i32 to vector<16xi32>
    %add3A_477 = arith.addi %get3A_465, %add3A_476 : vector<16xi32>
    %swap3A_478 = arith.constant 2 : i32
    %swap3A_479 = arith.index_cast %swap3A_478 : i32 to index
    %swap3A_480 = arith.constant 320 : index
    %swap3A_481 = tpu.vector_load %arg5[%swap3A_479, %swap3A_480] {strides = array<i32>} : memref<3x512xi32, #tpu.memory_space<vmem>>, vector<1x16xi32>,
    %swap3A_482 = vector.shape_cast %swap3A_481 : vector<1x16xi32> to vector<16xi32>
    %swap3A_483 = vector.shape_cast %add3A_477 : vector<16xi32> to vector<1x16xi32>
    tpu.vector_store %arg5[%swap3A_479, %swap3A_480], %swap3A_483 {strides = array<i32>} : memref<3x512xi32, #tpu.memory_space<vmem>>, vector<1x16xi32>,
    %get3A_484 = arith.constant 0 : i32
    %get3A_485 = arith.index_cast %get3A_484 : i32 to index
    %get3A_486 = arith.constant 336 : index
    %get3A_487 = tpu.vector_load %arg5[%get3A_485, %get3A_486] {strides = array<i32>} : memref<3x512xi32, #tpu.memory_space<vmem>>, vector<1x16xi32>,
    %get3A_488 = vector.shape_cast %get3A_487 : vector<1x16xi32> to vector<16xi32>
    %add3A_489 = arith.constant 1000000 : i32
    %add3A_490 = vector.broadcast %add3A_489 : i32 to vector<16xi32>
    %add3A_491 = arith.addi %get3A_488, %add3A_490 : vector<16xi32>
    %swap3A_492 = arith.constant 1 : i32
    %swap3A_493 = arith.index_cast %swap3A_492 : i32 to index
    %swap3A_494 = arith.constant 336 : index
    %swap3A_495 = tpu.vector_load %arg5[%swap3A_493, %swap3A_494] {strides = array<i32>} : memref<3x512xi32, #tpu.memory_space<vmem>>, vector<1x16xi32>,
    %swap3A_496 = vector.shape_cast %swap3A_495 : vector<1x16xi32> to vector<16xi32>
    %swap3A_497 = vector.shape_cast %add3A_491 : vector<16xi32> to vector<1x16xi32>
    tpu.vector_store %arg5[%swap3A_493, %swap3A_494], %swap3A_497 {strides = array<i32>} : memref<3x512xi32, #tpu.memory_space<vmem>>, vector<1x16xi32>,
    %add3A_498 = arith.constant 2000000 : i32
    %add3A_499 = vector.broadcast %add3A_498 : i32 to vector<16xi32>
    %add3A_500 = arith.addi %get3A_488, %add3A_499 : vector<16xi32>
    %swap3A_501 = arith.constant 2 : i32
    %swap3A_502 = arith.index_cast %swap3A_501 : i32 to index
    %swap3A_503 = arith.constant 336 : index
    %swap3A_504 = tpu.vector_load %arg5[%swap3A_502, %swap3A_503] {strides = array<i32>} : memref<3x512xi32, #tpu.memory_space<vmem>>, vector<1x16xi32>,
    %swap3A_505 = vector.shape_cast %swap3A_504 : vector<1x16xi32> to vector<16xi32>
    %swap3A_506 = vector.shape_cast %add3A_500 : vector<16xi32> to vector<1x16xi32>
    tpu.vector_store %arg5[%swap3A_502, %swap3A_503], %swap3A_506 {strides = array<i32>} : memref<3x512xi32, #tpu.memory_space<vmem>>, vector<1x16xi32>,
    %get3A_507 = arith.constant 0 : i32
    %get3A_508 = arith.index_cast %get3A_507 : i32 to index
    %get3A_509 = arith.constant 352 : index
    %get3A_510 = tpu.vector_load %arg5[%get3A_508, %get3A_509] {strides = array<i32>} : memref<3x512xi32, #tpu.memory_space<vmem>>, vector<1x16xi32>,
    %get3A_511 = vector.shape_cast %get3A_510 : vector<1x16xi32> to vector<16xi32>
    %add3A_512 = arith.constant 1000000 : i32
    %add3A_513 = vector.broadcast %add3A_512 : i32 to vector<16xi32>
    %add3A_514 = arith.addi %get3A_511, %add3A_513 : vector<16xi32>
    %swap3A_515 = arith.constant 1 : i32
    %swap3A_516 = arith.index_cast %swap3A_515 : i32 to index
    %swap3A_517 = arith.constant 352 : index
    %swap3A_518 = tpu.vector_load %arg5[%swap3A_516, %swap3A_517] {strides = array<i32>} : memref<3x512xi32, #tpu.memory_space<vmem>>, vector<1x16xi32>,
    %swap3A_519 = vector.shape_cast %swap3A_518 : vector<1x16xi32> to vector<16xi32>
    %swap3A_520 = vector.shape_cast %add3A_514 : vector<16xi32> to vector<1x16xi32>
    tpu.vector_store %arg5[%swap3A_516, %swap3A_517], %swap3A_520 {strides = array<i32>} : memref<3x512xi32, #tpu.memory_space<vmem>>, vector<1x16xi32>,
    %add3A_521 = arith.constant 2000000 : i32
    %add3A_522 = vector.broadcast %add3A_521 : i32 to vector<16xi32>
    %add3A_523 = arith.addi %get3A_511, %add3A_522 : vector<16xi32>
    %swap3A_524 = arith.constant 2 : i32
    %swap3A_525 = arith.index_cast %swap3A_524 : i32 to index
    %swap3A_526 = arith.constant 352 : index
    %swap3A_527 = tpu.vector_load %arg5[%swap3A_525, %swap3A_526] {strides = array<i32>} : memref<3x512xi32, #tpu.memory_space<vmem>>, vector<1x16xi32>,
    %swap3A_528 = vector.shape_cast %swap3A_527 : vector<1x16xi32> to vector<16xi32>
    %swap3A_529 = vector.shape_cast %add3A_523 : vector<16xi32> to vector<1x16xi32>
    tpu.vector_store %arg5[%swap3A_525, %swap3A_526], %swap3A_529 {strides = array<i32>} : memref<3x512xi32, #tpu.memory_space<vmem>>, vector<1x16xi32>,
    %get3A_530 = arith.constant 0 : i32
    %get3A_531 = arith.index_cast %get3A_530 : i32 to index
    %get3A_532 = arith.constant 368 : index
    %get3A_533 = tpu.vector_load %arg5[%get3A_531, %get3A_532] {strides = array<i32>} : memref<3x512xi32, #tpu.memory_space<vmem>>, vector<1x16xi32>,
    %get3A_534 = vector.shape_cast %get3A_533 : vector<1x16xi32> to vector<16xi32>
    %add3A_535 = arith.constant 1000000 : i32
    %add3A_536 = vector.broadcast %add3A_535 : i32 to vector<16xi32>
    %add3A_537 = arith.addi %get3A_534, %add3A_536 : vector<16xi32>
    %swap3A_538 = arith.constant 1 : i32
    %swap3A_539 = arith.index_cast %swap3A_538 : i32 to index
    %swap3A_540 = arith.constant 368 : index
    %swap3A_541 = tpu.vector_load %arg5[%swap3A_539, %swap3A_540] {strides = array<i32>} : memref<3x512xi32, #tpu.memory_space<vmem>>, vector<1x16xi32>,
    %swap3A_542 = vector.shape_cast %swap3A_541 : vector<1x16xi32> to vector<16xi32>
    %swap3A_543 = vector.shape_cast %add3A_537 : vector<16xi32> to vector<1x16xi32>
    tpu.vector_store %arg5[%swap3A_539, %swap3A_540], %swap3A_543 {strides = array<i32>} : memref<3x512xi32, #tpu.memory_space<vmem>>, vector<1x16xi32>,
    %add3A_544 = arith.constant 2000000 : i32
    %add3A_545 = vector.broadcast %add3A_544 : i32 to vector<16xi32>
    %add3A_546 = arith.addi %get3A_534, %add3A_545 : vector<16xi32>
    %swap3A_547 = arith.constant 2 : i32
    %swap3A_548 = arith.index_cast %swap3A_547 : i32 to index
    %swap3A_549 = arith.constant 368 : index
    %swap3A_550 = tpu.vector_load %arg5[%swap3A_548, %swap3A_549] {strides = array<i32>} : memref<3x512xi32, #tpu.memory_space<vmem>>, vector<1x16xi32>,
    %swap3A_551 = vector.shape_cast %swap3A_550 : vector<1x16xi32> to vector<16xi32>
    %swap3A_552 = vector.shape_cast %add3A_546 : vector<16xi32> to vector<1x16xi32>
    tpu.vector_store %arg5[%swap3A_548, %swap3A_549], %swap3A_552 {strides = array<i32>} : memref<3x512xi32, #tpu.memory_space<vmem>>, vector<1x16xi32>,
    %get3A_553 = arith.constant 0 : i32
    %get3A_554 = arith.index_cast %get3A_553 : i32 to index
    %get3A_555 = arith.constant 384 : index
    %get3A_556 = tpu.vector_load %arg5[%get3A_554, %get3A_555] {strides = array<i32>} : memref<3x512xi32, #tpu.memory_space<vmem>>, vector<1x16xi32>,
    %get3A_557 = vector.shape_cast %get3A_556 : vector<1x16xi32> to vector<16xi32>
    %add3A_558 = arith.constant 1000000 : i32
    %add3A_559 = vector.broadcast %add3A_558 : i32 to vector<16xi32>
    %add3A_560 = arith.addi %get3A_557, %add3A_559 : vector<16xi32>
    %swap3A_561 = arith.constant 1 : i32
    %swap3A_562 = arith.index_cast %swap3A_561 : i32 to index
    %swap3A_563 = arith.constant 384 : index
    %swap3A_564 = tpu.vector_load %arg5[%swap3A_562, %swap3A_563] {strides = array<i32>} : memref<3x512xi32, #tpu.memory_space<vmem>>, vector<1x16xi32>,
    %swap3A_565 = vector.shape_cast %swap3A_564 : vector<1x16xi32> to vector<16xi32>
    %swap3A_566 = vector.shape_cast %add3A_560 : vector<16xi32> to vector<1x16xi32>
    tpu.vector_store %arg5[%swap3A_562, %swap3A_563], %swap3A_566 {strides = array<i32>} : memref<3x512xi32, #tpu.memory_space<vmem>>, vector<1x16xi32>,
    %add3A_567 = arith.constant 2000000 : i32
    %add3A_568 = vector.broadcast %add3A_567 : i32 to vector<16xi32>
    %add3A_569 = arith.addi %get3A_557, %add3A_568 : vector<16xi32>
    %swap3A_570 = arith.constant 2 : i32
    %swap3A_571 = arith.index_cast %swap3A_570 : i32 to index
    %swap3A_572 = arith.constant 384 : index
    %swap3A_573 = tpu.vector_load %arg5[%swap3A_571, %swap3A_572] {strides = array<i32>} : memref<3x512xi32, #tpu.memory_space<vmem>>, vector<1x16xi32>,
    %swap3A_574 = vector.shape_cast %swap3A_573 : vector<1x16xi32> to vector<16xi32>
    %swap3A_575 = vector.shape_cast %add3A_569 : vector<16xi32> to vector<1x16xi32>
    tpu.vector_store %arg5[%swap3A_571, %swap3A_572], %swap3A_575 {strides = array<i32>} : memref<3x512xi32, #tpu.memory_space<vmem>>, vector<1x16xi32>,
    %get3A_576 = arith.constant 0 : i32
    %get3A_577 = arith.index_cast %get3A_576 : i32 to index
    %get3A_578 = arith.constant 400 : index
    %get3A_579 = tpu.vector_load %arg5[%get3A_577, %get3A_578] {strides = array<i32>} : memref<3x512xi32, #tpu.memory_space<vmem>>, vector<1x16xi32>,
    %get3A_580 = vector.shape_cast %get3A_579 : vector<1x16xi32> to vector<16xi32>
    %add3A_581 = arith.constant 1000000 : i32
    %add3A_582 = vector.broadcast %add3A_581 : i32 to vector<16xi32>
    %add3A_583 = arith.addi %get3A_580, %add3A_582 : vector<16xi32>
    %swap3A_584 = arith.constant 1 : i32
    %swap3A_585 = arith.index_cast %swap3A_584 : i32 to index
    %swap3A_586 = arith.constant 400 : index
    %swap3A_587 = tpu.vector_load %arg5[%swap3A_585, %swap3A_586] {strides = array<i32>} : memref<3x512xi32, #tpu.memory_space<vmem>>, vector<1x16xi32>,
    %swap3A_588 = vector.shape_cast %swap3A_587 : vector<1x16xi32> to vector<16xi32>
    %swap3A_589 = vector.shape_cast %add3A_583 : vector<16xi32> to vector<1x16xi32>
    tpu.vector_store %arg5[%swap3A_585, %swap3A_586], %swap3A_589 {strides = array<i32>} : memref<3x512xi32, #tpu.memory_space<vmem>>, vector<1x16xi32>,
    %add3A_590 = arith.constant 2000000 : i32
    %add3A_591 = vector.broadcast %add3A_590 : i32 to vector<16xi32>
    %add3A_592 = arith.addi %get3A_580, %add3A_591 : vector<16xi32>
    %swap3A_593 = arith.constant 2 : i32
    %swap3A_594 = arith.index_cast %swap3A_593 : i32 to index
    %swap3A_595 = arith.constant 400 : index
    %swap3A_596 = tpu.vector_load %arg5[%swap3A_594, %swap3A_595] {strides = array<i32>} : memref<3x512xi32, #tpu.memory_space<vmem>>, vector<1x16xi32>,
    %swap3A_597 = vector.shape_cast %swap3A_596 : vector<1x16xi32> to vector<16xi32>
    %swap3A_598 = vector.shape_cast %add3A_592 : vector<16xi32> to vector<1x16xi32>
    tpu.vector_store %arg5[%swap3A_594, %swap3A_595], %swap3A_598 {strides = array<i32>} : memref<3x512xi32, #tpu.memory_space<vmem>>, vector<1x16xi32>,
    %get3A_599 = arith.constant 0 : i32
    %get3A_600 = arith.index_cast %get3A_599 : i32 to index
    %get3A_601 = arith.constant 416 : index
    %get3A_602 = tpu.vector_load %arg5[%get3A_600, %get3A_601] {strides = array<i32>} : memref<3x512xi32, #tpu.memory_space<vmem>>, vector<1x16xi32>,
    %get3A_603 = vector.shape_cast %get3A_602 : vector<1x16xi32> to vector<16xi32>
    %add3A_604 = arith.constant 1000000 : i32
    %add3A_605 = vector.broadcast %add3A_604 : i32 to vector<16xi32>
    %add3A_606 = arith.addi %get3A_603, %add3A_605 : vector<16xi32>
    %swap3A_607 = arith.constant 1 : i32
    %swap3A_608 = arith.index_cast %swap3A_607 : i32 to index
    %swap3A_609 = arith.constant 416 : index
    %swap3A_610 = tpu.vector_load %arg5[%swap3A_608, %swap3A_609] {strides = array<i32>} : memref<3x512xi32, #tpu.memory_space<vmem>>, vector<1x16xi32>,
    %swap3A_611 = vector.shape_cast %swap3A_610 : vector<1x16xi32> to vector<16xi32>
    %swap3A_612 = vector.shape_cast %add3A_606 : vector<16xi32> to vector<1x16xi32>
    tpu.vector_store %arg5[%swap3A_608, %swap3A_609], %swap3A_612 {strides = array<i32>} : memref<3x512xi32, #tpu.memory_space<vmem>>, vector<1x16xi32>,
    %add3A_613 = arith.constant 2000000 : i32
    %add3A_614 = vector.broadcast %add3A_613 : i32 to vector<16xi32>
    %add3A_615 = arith.addi %get3A_603, %add3A_614 : vector<16xi32>
    %swap3A_616 = arith.constant 2 : i32
    %swap3A_617 = arith.index_cast %swap3A_616 : i32 to index
    %swap3A_618 = arith.constant 416 : index
    %swap3A_619 = tpu.vector_load %arg5[%swap3A_617, %swap3A_618] {strides = array<i32>} : memref<3x512xi32, #tpu.memory_space<vmem>>, vector<1x16xi32>,
    %swap3A_620 = vector.shape_cast %swap3A_619 : vector<1x16xi32> to vector<16xi32>
    %swap3A_621 = vector.shape_cast %add3A_615 : vector<16xi32> to vector<1x16xi32>
    tpu.vector_store %arg5[%swap3A_617, %swap3A_618], %swap3A_621 {strides = array<i32>} : memref<3x512xi32, #tpu.memory_space<vmem>>, vector<1x16xi32>,
    %get3A_622 = arith.constant 0 : i32
    %get3A_623 = arith.index_cast %get3A_622 : i32 to index
    %get3A_624 = arith.constant 432 : index
    %get3A_625 = tpu.vector_load %arg5[%get3A_623, %get3A_624] {strides = array<i32>} : memref<3x512xi32, #tpu.memory_space<vmem>>, vector<1x16xi32>,
    %get3A_626 = vector.shape_cast %get3A_625 : vector<1x16xi32> to vector<16xi32>
    %add3A_627 = arith.constant 1000000 : i32
    %add3A_628 = vector.broadcast %add3A_627 : i32 to vector<16xi32>
    %add3A_629 = arith.addi %get3A_626, %add3A_628 : vector<16xi32>
    %swap3A_630 = arith.constant 1 : i32
    %swap3A_631 = arith.index_cast %swap3A_630 : i32 to index
    %swap3A_632 = arith.constant 432 : index
    %swap3A_633 = tpu.vector_load %arg5[%swap3A_631, %swap3A_632] {strides = array<i32>} : memref<3x512xi32, #tpu.memory_space<vmem>>, vector<1x16xi32>,
    %swap3A_634 = vector.shape_cast %swap3A_633 : vector<1x16xi32> to vector<16xi32>
    %swap3A_635 = vector.shape_cast %add3A_629 : vector<16xi32> to vector<1x16xi32>
    tpu.vector_store %arg5[%swap3A_631, %swap3A_632], %swap3A_635 {strides = array<i32>} : memref<3x512xi32, #tpu.memory_space<vmem>>, vector<1x16xi32>,
    %add3A_636 = arith.constant 2000000 : i32
    %add3A_637 = vector.broadcast %add3A_636 : i32 to vector<16xi32>
    %add3A_638 = arith.addi %get3A_626, %add3A_637 : vector<16xi32>
    %swap3A_639 = arith.constant 2 : i32
    %swap3A_640 = arith.index_cast %swap3A_639 : i32 to index
    %swap3A_641 = arith.constant 432 : index
    %swap3A_642 = tpu.vector_load %arg5[%swap3A_640, %swap3A_641] {strides = array<i32>} : memref<3x512xi32, #tpu.memory_space<vmem>>, vector<1x16xi32>,
    %swap3A_643 = vector.shape_cast %swap3A_642 : vector<1x16xi32> to vector<16xi32>
    %swap3A_644 = vector.shape_cast %add3A_638 : vector<16xi32> to vector<1x16xi32>
    tpu.vector_store %arg5[%swap3A_640, %swap3A_641], %swap3A_644 {strides = array<i32>} : memref<3x512xi32, #tpu.memory_space<vmem>>, vector<1x16xi32>,
    %get3A_645 = arith.constant 0 : i32
    %get3A_646 = arith.index_cast %get3A_645 : i32 to index
    %get3A_647 = arith.constant 448 : index
    %get3A_648 = tpu.vector_load %arg5[%get3A_646, %get3A_647] {strides = array<i32>} : memref<3x512xi32, #tpu.memory_space<vmem>>, vector<1x16xi32>,
    %get3A_649 = vector.shape_cast %get3A_648 : vector<1x16xi32> to vector<16xi32>
    %add3A_650 = arith.constant 1000000 : i32
    %add3A_651 = vector.broadcast %add3A_650 : i32 to vector<16xi32>
    %add3A_652 = arith.addi %get3A_649, %add3A_651 : vector<16xi32>
    %swap3A_653 = arith.constant 1 : i32
    %swap3A_654 = arith.index_cast %swap3A_653 : i32 to index
    %swap3A_655 = arith.constant 448 : index
    %swap3A_656 = tpu.vector_load %arg5[%swap3A_654, %swap3A_655] {strides = array<i32>} : memref<3x512xi32, #tpu.memory_space<vmem>>, vector<1x16xi32>,
    %swap3A_657 = vector.shape_cast %swap3A_656 : vector<1x16xi32> to vector<16xi32>
    %swap3A_658 = vector.shape_cast %add3A_652 : vector<16xi32> to vector<1x16xi32>
    tpu.vector_store %arg5[%swap3A_654, %swap3A_655], %swap3A_658 {strides = array<i32>} : memref<3x512xi32, #tpu.memory_space<vmem>>, vector<1x16xi32>,
    %add3A_659 = arith.constant 2000000 : i32
    %add3A_660 = vector.broadcast %add3A_659 : i32 to vector<16xi32>
    %add3A_661 = arith.addi %get3A_649, %add3A_660 : vector<16xi32>
    %swap3A_662 = arith.constant 2 : i32
    %swap3A_663 = arith.index_cast %swap3A_662 : i32 to index
    %swap3A_664 = arith.constant 448 : index
    %swap3A_665 = tpu.vector_load %arg5[%swap3A_663, %swap3A_664] {strides = array<i32>} : memref<3x512xi32, #tpu.memory_space<vmem>>, vector<1x16xi32>,
    %swap3A_666 = vector.shape_cast %swap3A_665 : vector<1x16xi32> to vector<16xi32>
    %swap3A_667 = vector.shape_cast %add3A_661 : vector<16xi32> to vector<1x16xi32>
    tpu.vector_store %arg5[%swap3A_663, %swap3A_664], %swap3A_667 {strides = array<i32>} : memref<3x512xi32, #tpu.memory_space<vmem>>, vector<1x16xi32>,
    %get3A_668 = arith.constant 0 : i32
    %get3A_669 = arith.index_cast %get3A_668 : i32 to index
    %get3A_670 = arith.constant 464 : index
    %get3A_671 = tpu.vector_load %arg5[%get3A_669, %get3A_670] {strides = array<i32>} : memref<3x512xi32, #tpu.memory_space<vmem>>, vector<1x16xi32>,
    %get3A_672 = vector.shape_cast %get3A_671 : vector<1x16xi32> to vector<16xi32>
    %add3A_673 = arith.constant 1000000 : i32
    %add3A_674 = vector.broadcast %add3A_673 : i32 to vector<16xi32>
    %add3A_675 = arith.addi %get3A_672, %add3A_674 : vector<16xi32>
    %swap3A_676 = arith.constant 1 : i32
    %swap3A_677 = arith.index_cast %swap3A_676 : i32 to index
    %swap3A_678 = arith.constant 464 : index
    %swap3A_679 = tpu.vector_load %arg5[%swap3A_677, %swap3A_678] {strides = array<i32>} : memref<3x512xi32, #tpu.memory_space<vmem>>, vector<1x16xi32>,
    %swap3A_680 = vector.shape_cast %swap3A_679 : vector<1x16xi32> to vector<16xi32>
    %swap3A_681 = vector.shape_cast %add3A_675 : vector<16xi32> to vector<1x16xi32>
    tpu.vector_store %arg5[%swap3A_677, %swap3A_678], %swap3A_681 {strides = array<i32>} : memref<3x512xi32, #tpu.memory_space<vmem>>, vector<1x16xi32>,
    %add3A_682 = arith.constant 2000000 : i32
    %add3A_683 = vector.broadcast %add3A_682 : i32 to vector<16xi32>
    %add3A_684 = arith.addi %get3A_672, %add3A_683 : vector<16xi32>
    %swap3A_685 = arith.constant 2 : i32
    %swap3A_686 = arith.index_cast %swap3A_685 : i32 to index
    %swap3A_687 = arith.constant 464 : index
    %swap3A_688 = tpu.vector_load %arg5[%swap3A_686, %swap3A_687] {strides = array<i32>} : memref<3x512xi32, #tpu.memory_space<vmem>>, vector<1x16xi32>,
    %swap3A_689 = vector.shape_cast %swap3A_688 : vector<1x16xi32> to vector<16xi32>
    %swap3A_690 = vector.shape_cast %add3A_684 : vector<16xi32> to vector<1x16xi32>
    tpu.vector_store %arg5[%swap3A_686, %swap3A_687], %swap3A_690 {strides = array<i32>} : memref<3x512xi32, #tpu.memory_space<vmem>>, vector<1x16xi32>,
    %get3A_691 = arith.constant 0 : i32
    %get3A_692 = arith.index_cast %get3A_691 : i32 to index
    %get3A_693 = arith.constant 480 : index
    %get3A_694 = tpu.vector_load %arg5[%get3A_692, %get3A_693] {strides = array<i32>} : memref<3x512xi32, #tpu.memory_space<vmem>>, vector<1x16xi32>,
    %get3A_695 = vector.shape_cast %get3A_694 : vector<1x16xi32> to vector<16xi32>
    %add3A_696 = arith.constant 1000000 : i32
    %add3A_697 = vector.broadcast %add3A_696 : i32 to vector<16xi32>
    %add3A_698 = arith.addi %get3A_695, %add3A_697 : vector<16xi32>
    %swap3A_699 = arith.constant 1 : i32
    %swap3A_700 = arith.index_cast %swap3A_699 : i32 to index
    %swap3A_701 = arith.constant 480 : index
    %swap3A_702 = tpu.vector_load %arg5[%swap3A_700, %swap3A_701] {strides = array<i32>} : memref<3x512xi32, #tpu.memory_space<vmem>>, vector<1x16xi32>,
    %swap3A_703 = vector.shape_cast %swap3A_702 : vector<1x16xi32> to vector<16xi32>
    %swap3A_704 = vector.shape_cast %add3A_698 : vector<16xi32> to vector<1x16xi32>
    tpu.vector_store %arg5[%swap3A_700, %swap3A_701], %swap3A_704 {strides = array<i32>} : memref<3x512xi32, #tpu.memory_space<vmem>>, vector<1x16xi32>,
    %add3A_705 = arith.constant 2000000 : i32
    %add3A_706 = vector.broadcast %add3A_705 : i32 to vector<16xi32>
    %add3A_707 = arith.addi %get3A_695, %add3A_706 : vector<16xi32>
    %swap3A_708 = arith.constant 2 : i32
    %swap3A_709 = arith.index_cast %swap3A_708 : i32 to index
    %swap3A_710 = arith.constant 480 : index
    %swap3A_711 = tpu.vector_load %arg5[%swap3A_709, %swap3A_710] {strides = array<i32>} : memref<3x512xi32, #tpu.memory_space<vmem>>, vector<1x16xi32>,
    %swap3A_712 = vector.shape_cast %swap3A_711 : vector<1x16xi32> to vector<16xi32>
    %swap3A_713 = vector.shape_cast %add3A_707 : vector<16xi32> to vector<1x16xi32>
    tpu.vector_store %arg5[%swap3A_709, %swap3A_710], %swap3A_713 {strides = array<i32>} : memref<3x512xi32, #tpu.memory_space<vmem>>, vector<1x16xi32>,
    %get3A_714 = arith.constant 0 : i32
    %get3A_715 = arith.index_cast %get3A_714 : i32 to index
    %get3A_716 = arith.constant 496 : index
    %get3A_717 = tpu.vector_load %arg5[%get3A_715, %get3A_716] {strides = array<i32>} : memref<3x512xi32, #tpu.memory_space<vmem>>, vector<1x16xi32>,
    %get3A_718 = vector.shape_cast %get3A_717 : vector<1x16xi32> to vector<16xi32>
    %add3A_719 = arith.constant 1000000 : i32
    %add3A_720 = vector.broadcast %add3A_719 : i32 to vector<16xi32>
    %add3A_721 = arith.addi %get3A_718, %add3A_720 : vector<16xi32>
    %swap3A_722 = arith.constant 1 : i32
    %swap3A_723 = arith.index_cast %swap3A_722 : i32 to index
    %swap3A_724 = arith.constant 496 : index
    %swap3A_725 = tpu.vector_load %arg5[%swap3A_723, %swap3A_724] {strides = array<i32>} : memref<3x512xi32, #tpu.memory_space<vmem>>, vector<1x16xi32>,
    %swap3A_726 = vector.shape_cast %swap3A_725 : vector<1x16xi32> to vector<16xi32>
    %swap3A_727 = vector.shape_cast %add3A_721 : vector<16xi32> to vector<1x16xi32>
    tpu.vector_store %arg5[%swap3A_723, %swap3A_724], %swap3A_727 {strides = array<i32>} : memref<3x512xi32, #tpu.memory_space<vmem>>, vector<1x16xi32>,
    %add3A_728 = arith.constant 2000000 : i32
    %add3A_729 = vector.broadcast %add3A_728 : i32 to vector<16xi32>
    %add3A_730 = arith.addi %get3A_718, %add3A_729 : vector<16xi32>
    %swap3A_731 = arith.constant 2 : i32
    %swap3A_732 = arith.index_cast %swap3A_731 : i32 to index
    %swap3A_733 = arith.constant 496 : index
    %swap3A_734 = tpu.vector_load %arg5[%swap3A_732, %swap3A_733] {strides = array<i32>} : memref<3x512xi32, #tpu.memory_space<vmem>>, vector<1x16xi32>,
    %swap3A_735 = vector.shape_cast %swap3A_734 : vector<1x16xi32> to vector<16xi32>
    %swap3A_736 = vector.shape_cast %add3A_730 : vector<16xi32> to vector<1x16xi32>
    tpu.vector_store %arg5[%swap3A_732, %swap3A_733], %swap3A_736 {strides = array<i32>} : memref<3x512xi32, #tpu.memory_space<vmem>>, vector<1x16xi32>,
    %dma_start3A = arith.constant 0 : i32
    %dma_start3A_737 = arith.constant 0 : i32
    %dma_start3A_738 = arith.constant 0 : i32
    %dma_start3A_739 = tpu.memref_slice %arg6[%dma_start3A_737, %dma_start3A_738] : memref<3x512xf32, #tpu.memory_space<vmem>> -> memref<1x512xf32, #tpu.memory_space<vmem>>
    %dma_start3A_740 = tpu.memref_squeeze %dma_start3A_739 : memref<1x512xf32, #tpu.memory_space<vmem>> -> memref<512xf32, #tpu.memory_space<vmem>>
    %dma_start3A_741 = arith.constant 0 : i32
    %dma_start3A_742 = tpu.memref_slice %arg5[%dma_start3A, %dma_start3A_741] : memref<3x512xi32, #tpu.memory_space<vmem>> -> memref<1x512xi32, #tpu.memory_space<vmem>>
    %dma_start3A_743 = tpu.memref_squeeze %dma_start3A_742 : memref<1x512xi32, #tpu.memory_space<vmem>> -> memref<512xi32, #tpu.memory_space<vmem>>
    %dma_start3A_744 = arith.constant 0 : i32
    %dma_start3A_745 = tpu.memref_slice %arg3[%dma_start3A_744] : memref<3000000xf32, #tpu.memory_space<hbm>> -> memref<3000000xf32, #tpu.memory_space<hbm>>
    tpu.enqueue_indirect_dma source(%dma_start3A_745 : memref<3000000xf32, #tpu.memory_space<hbm>>) target(%dma_start3A_740 : memref<512xf32, #tpu.memory_space<vmem>>) offsets(%dma_start3A_743 : memref<512xi32, #tpu.memory_space<vmem>>) semaphore(%arg7 : memref<!tpu.dma_semaphore, #tpu.memory_space<semaphore_mem>>)
    %dma_start3A_746 = arith.constant 1 : i32
    %dma_start3A_747 = arith.constant 1 : i32
    %dma_start3A_748 = arith.constant 0 : i32
    %dma_start3A_749 = tpu.memref_slice %arg6[%dma_start3A_747, %dma_start3A_748] : memref<3x512xf32, #tpu.memory_space<vmem>> -> memref<1x512xf32, #tpu.memory_space<vmem>>
    %dma_start3A_750 = tpu.memref_squeeze %dma_start3A_749 : memref<1x512xf32, #tpu.memory_space<vmem>> -> memref<512xf32, #tpu.memory_space<vmem>>
    %dma_start3A_751 = arith.constant 0 : i32
    %dma_start3A_752 = tpu.memref_slice %arg5[%dma_start3A_746, %dma_start3A_751] : memref<3x512xi32, #tpu.memory_space<vmem>> -> memref<1x512xi32, #tpu.memory_space<vmem>>
    %dma_start3A_753 = tpu.memref_squeeze %dma_start3A_752 : memref<1x512xi32, #tpu.memory_space<vmem>> -> memref<512xi32, #tpu.memory_space<vmem>>
    %dma_start3A_754 = arith.constant 0 : i32
    %dma_start3A_755 = tpu.memref_slice %arg3[%dma_start3A_754] : memref<3000000xf32, #tpu.memory_space<hbm>> -> memref<3000000xf32, #tpu.memory_space<hbm>>
    tpu.enqueue_indirect_dma source(%dma_start3A_755 : memref<3000000xf32, #tpu.memory_space<hbm>>) target(%dma_start3A_750 : memref<512xf32, #tpu.memory_space<vmem>>) offsets(%dma_start3A_753 : memref<512xi32, #tpu.memory_space<vmem>>) semaphore(%arg7 : memref<!tpu.dma_semaphore, #tpu.memory_space<semaphore_mem>>)
    %dma_start3A_756 = arith.constant 2 : i32
    %dma_start3A_757 = arith.constant 2 : i32
    %dma_start3A_758 = arith.constant 0 : i32
    %dma_start3A_759 = tpu.memref_slice %arg6[%dma_start3A_757, %dma_start3A_758] : memref<3x512xf32, #tpu.memory_space<vmem>> -> memref<1x512xf32, #tpu.memory_space<vmem>>
    %dma_start3A_760 = tpu.memref_squeeze %dma_start3A_759 : memref<1x512xf32, #tpu.memory_space<vmem>> -> memref<512xf32, #tpu.memory_space<vmem>>
    %dma_start3A_761 = arith.constant 0 : i32
    %dma_start3A_762 = tpu.memref_slice %arg5[%dma_start3A_756, %dma_start3A_761] : memref<3x512xi32, #tpu.memory_space<vmem>> -> memref<1x512xi32, #tpu.memory_space<vmem>>
    %dma_start3A_763 = tpu.memref_squeeze %dma_start3A_762 : memref<1x512xi32, #tpu.memory_space<vmem>> -> memref<512xi32, #tpu.memory_space<vmem>>
    %dma_start3A_764 = arith.constant 0 : i32
    %dma_start3A_765 = tpu.memref_slice %arg3[%dma_start3A_764] : memref<3000000xf32, #tpu.memory_space<hbm>> -> memref<3000000xf32, #tpu.memory_space<hbm>>
    tpu.enqueue_indirect_dma source(%dma_start3A_765 : memref<3000000xf32, #tpu.memory_space<hbm>>) target(%dma_start3A_760 : memref<512xf32, #tpu.memory_space<vmem>>) offsets(%dma_start3A_763 : memref<512xi32, #tpu.memory_space<vmem>>) semaphore(%arg7 : memref<!tpu.dma_semaphore, #tpu.memory_space<semaphore_mem>>)
    %dma_wait3A = arith.constant 0 : i32
    %dma_wait3A_766 = arith.constant 0 : i32
    %dma_wait3A_767 = arith.constant 0 : i32
    %dma_wait3A_768 = tpu.memref_slice %arg6[%dma_wait3A_766, %dma_wait3A_767] : memref<3x512xf32, #tpu.memory_space<vmem>> -> memref<1x512xf32, #tpu.memory_space<vmem>>
    %dma_wait3A_769 = tpu.memref_squeeze %dma_wait3A_768 : memref<1x512xf32, #tpu.memory_space<vmem>> -> memref<512xf32, #tpu.memory_space<vmem>>
    %dma_wait3A_770 = arith.constant 0 : i32
    %dma_wait3A_771 = tpu.memref_slice %arg5[%dma_wait3A, %dma_wait3A_770] : memref<3x512xi32, #tpu.memory_space<vmem>> -> memref<1x512xi32, #tpu.memory_space<vmem>>
    %dma_wait3A_772 = tpu.memref_squeeze %dma_wait3A_771 : memref<1x512xi32, #tpu.memory_space<vmem>> -> memref<512xi32, #tpu.memory_space<vmem>>
    %dma_wait3A_773 = arith.constant 0 : i32
    %dma_wait3A_774 = tpu.memref_slice %arg3[%dma_wait3A_773] : memref<3000000xf32, #tpu.memory_space<hbm>> -> memref<3000000xf32, #tpu.memory_space<hbm>>
    tpu.wait_indirect_dma semaphore(%arg7 : memref<!tpu.dma_semaphore, #tpu.memory_space<semaphore_mem>>) src(%dma_wait3A_774 : memref<3000000xf32, #tpu.memory_space<hbm>>) dst(%dma_wait3A_769 : memref<512xf32, #tpu.memory_space<vmem>>)
    %dma_wait3A_775 = arith.constant 1 : i32
    %dma_wait3A_776 = arith.constant 1 : i32
    %dma_wait3A_777 = arith.constant 0 : i32
    %dma_wait3A_778 = tpu.memref_slice %arg6[%dma_wait3A_776, %dma_wait3A_777] : memref<3x512xf32, #tpu.memory_space<vmem>> -> memref<1x512xf32, #tpu.memory_space<vmem>>
    %dma_wait3A_779 = tpu.memref_squeeze %dma_wait3A_778 : memref<1x512xf32, #tpu.memory_space<vmem>> -> memref<512xf32, #tpu.memory_space<vmem>>
    %dma_wait3A_780 = arith.constant 0 : i32
    %dma_wait3A_781 = tpu.memref_slice %arg5[%dma_wait3A_775, %dma_wait3A_780] : memref<3x512xi32, #tpu.memory_space<vmem>> -> memref<1x512xi32, #tpu.memory_space<vmem>>
    %dma_wait3A_782 = tpu.memref_squeeze %dma_wait3A_781 : memref<1x512xi32, #tpu.memory_space<vmem>> -> memref<512xi32, #tpu.memory_space<vmem>>
    %dma_wait3A_783 = arith.constant 0 : i32
    %dma_wait3A_784 = tpu.memref_slice %arg3[%dma_wait3A_783] : memref<3000000xf32, #tpu.memory_space<hbm>> -> memref<3000000xf32, #tpu.memory_space<hbm>>
    tpu.wait_indirect_dma semaphore(%arg7 : memref<!tpu.dma_semaphore, #tpu.memory_space<semaphore_mem>>) src(%dma_wait3A_784 : memref<3000000xf32, #tpu.memory_space<hbm>>) dst(%dma_wait3A_779 : memref<512xf32, #tpu.memory_space<vmem>>)
    %dma_wait3A_785 = arith.constant 2 : i32
    %dma_wait3A_786 = arith.constant 2 : i32
    %dma_wait3A_787 = arith.constant 0 : i32
    %dma_wait3A_788 = tpu.memref_slice %arg6[%dma_wait3A_786, %dma_wait3A_787] : memref<3x512xf32, #tpu.memory_space<vmem>> -> memref<1x512xf32, #tpu.memory_space<vmem>>
    %dma_wait3A_789 = tpu.memref_squeeze %dma_wait3A_788 : memref<1x512xf32, #tpu.memory_space<vmem>> -> memref<512xf32, #tpu.memory_space<vmem>>
    %dma_wait3A_790 = arith.constant 0 : i32
    %dma_wait3A_791 = tpu.memref_slice %arg5[%dma_wait3A_785, %dma_wait3A_790] : memref<3x512xi32, #tpu.memory_space<vmem>> -> memref<1x512xi32, #tpu.memory_space<vmem>>
    %dma_wait3A_792 = tpu.memref_squeeze %dma_wait3A_791 : memref<1x512xi32, #tpu.memory_space<vmem>> -> memref<512xi32, #tpu.memory_space<vmem>>
    %dma_wait3A_793 = arith.constant 0 : i32
    %dma_wait3A_794 = tpu.memref_slice %arg3[%dma_wait3A_793] : memref<3000000xf32, #tpu.memory_space<hbm>> -> memref<3000000xf32, #tpu.memory_space<hbm>>
    tpu.wait_indirect_dma semaphore(%arg7 : memref<!tpu.dma_semaphore, #tpu.memory_space<semaphore_mem>>) src(%dma_wait3A_794 : memref<3000000xf32, #tpu.memory_space<hbm>>) dst(%dma_wait3A_789 : memref<512xf32, #tpu.memory_space<vmem>>)
    %run_scoped3A_795 = arith.constant 0 : i32
    %run_scoped3A_796 = arith.constant 0 : i32
    "tpu.region"() ({
      %run_scoped3A_801 = tpu.sem_alloc : memref<!tpu.dma_semaphore, #tpu.memory_space<semaphore_mem>>
      %dma_start3A_802 = arith.constant 0 : i32
      %dma_start3A_803 = tpu.memref_slice %arg6[%run_scoped3A_795, %dma_start3A_802] : memref<3x512xf32, #tpu.memory_space<vmem>> -> memref<1x512xf32, #tpu.memory_space<vmem>>
      %dma_start3A_804 = tpu.memref_squeeze %dma_start3A_803 : memref<1x512xf32, #tpu.memory_space<vmem>> -> memref<512xf32, #tpu.memory_space<vmem>>
      %dma_start3A_805 = tpu.memref_slice %arg4[%run_scoped3A_796, %mul3A_2] : memref<3x16384xf32, #tpu.memory_space<hbm>> -> memref<1x512xf32, #tpu.memory_space<hbm>>
      %dma_start3A_806 = tpu.memref_squeeze %dma_start3A_805 : memref<1x512xf32, #tpu.memory_space<hbm>> -> memref<512xf32, #tpu.memory_space<hbm>>
      %dma_start3A_807 = tpu.memref_slice %arg4[%run_scoped3A_796, %mul3A_2] : memref<3x16384xf32, #tpu.memory_space<hbm>> -> memref<1x512xf32, #tpu.memory_space<hbm>>
      %dma_start3A_808 = tpu.memref_squeeze %dma_start3A_807 : memref<1x512xf32, #tpu.memory_space<hbm>> -> memref<512xf32, #tpu.memory_space<hbm>>
      %dma_start3A_809 = arith.constant 0 : i32
      %dma_start3A_810 = tpu.memref_slice %arg6[%run_scoped3A_795, %dma_start3A_809] : memref<3x512xf32, #tpu.memory_space<vmem>> -> memref<1x512xf32, #tpu.memory_space<vmem>>
      %dma_start3A_811 = tpu.memref_squeeze %dma_start3A_810 : memref<1x512xf32, #tpu.memory_space<vmem>> -> memref<512xf32, #tpu.memory_space<vmem>>
      tpu.enqueue_dma source(%dma_start3A_811 : memref<512xf32, #tpu.memory_space<vmem>>) target(%dma_start3A_808 : memref<512xf32, #tpu.memory_space<hbm>>) target_semaphore(%run_scoped3A_801 : memref<!tpu.dma_semaphore, #tpu.memory_space<semaphore_mem>>)
      %dma_wait3A_812 = arith.constant 0 : i32
      %dma_wait3A_813 = tpu.memref_slice %arg6[%run_scoped3A_795, %dma_wait3A_812] : memref<3x512xf32, #tpu.memory_space<vmem>> -> memref<1x512xf32, #tpu.memory_space<vmem>>
      %dma_wait3A_814 = tpu.memref_squeeze %dma_wait3A_813 : memref<1x512xf32, #tpu.memory_space<vmem>> -> memref<512xf32, #tpu.memory_space<vmem>>
      %dma_wait3A_815 = tpu.memref_slice %arg4[%run_scoped3A_796, %mul3A_2] : memref<3x16384xf32, #tpu.memory_space<hbm>> -> memref<1x512xf32, #tpu.memory_space<hbm>>
      %dma_wait3A_816 = tpu.memref_squeeze %dma_wait3A_815 : memref<1x512xf32, #tpu.memory_space<hbm>> -> memref<512xf32, #tpu.memory_space<hbm>>
      %dma_wait3A_817 = tpu.memref_slice %arg4[%run_scoped3A_796, %mul3A_2] : memref<3x16384xf32, #tpu.memory_space<hbm>> -> memref<1x512xf32, #tpu.memory_space<hbm>>
      %dma_wait3A_818 = tpu.memref_squeeze %dma_wait3A_817 : memref<1x512xf32, #tpu.memory_space<hbm>> -> memref<512xf32, #tpu.memory_space<hbm>>
      %dma_wait3A_819 = arith.constant 0 : i32
      %dma_wait3A_820 = tpu.memref_slice %arg6[%run_scoped3A_795, %dma_wait3A_819] : memref<3x512xf32, #tpu.memory_space<vmem>> -> memref<1x512xf32, #tpu.memory_space<vmem>>
      %dma_wait3A_821 = tpu.memref_squeeze %dma_wait3A_820 : memref<1x512xf32, #tpu.memory_space<vmem>> -> memref<512xf32, #tpu.memory_space<vmem>>
      tpu.wait_dma2 semaphore(%run_scoped3A_801 : memref<!tpu.dma_semaphore, #tpu.memory_space<semaphore_mem>>) src(%dma_wait3A_821 : memref<512xf32, #tpu.memory_space<vmem>>) dst(%dma_wait3A_818 : memref<512xf32, #tpu.memory_space<hbm>>)
      tpu.yield
    }) : () -> ()
    %run_scoped3A_797 = arith.constant 1 : i32
    %run_scoped3A_798 = arith.constant 1 : i32
    "tpu.region"() ({
      %run_scoped3A_801 = tpu.sem_alloc : memref<!tpu.dma_semaphore, #tpu.memory_space<semaphore_mem>>
      %dma_start3A_802 = arith.constant 0 : i32
      %dma_start3A_803 = tpu.memref_slice %arg6[%run_scoped3A_797, %dma_start3A_802] : memref<3x512xf32, #tpu.memory_space<vmem>> -> memref<1x512xf32, #tpu.memory_space<vmem>>
      %dma_start3A_804 = tpu.memref_squeeze %dma_start3A_803 : memref<1x512xf32, #tpu.memory_space<vmem>> -> memref<512xf32, #tpu.memory_space<vmem>>
      %dma_start3A_805 = tpu.memref_slice %arg4[%run_scoped3A_798, %mul3A_2] : memref<3x16384xf32, #tpu.memory_space<hbm>> -> memref<1x512xf32, #tpu.memory_space<hbm>>
      %dma_start3A_806 = tpu.memref_squeeze %dma_start3A_805 : memref<1x512xf32, #tpu.memory_space<hbm>> -> memref<512xf32, #tpu.memory_space<hbm>>
      %dma_start3A_807 = tpu.memref_slice %arg4[%run_scoped3A_798, %mul3A_2] : memref<3x16384xf32, #tpu.memory_space<hbm>> -> memref<1x512xf32, #tpu.memory_space<hbm>>
      %dma_start3A_808 = tpu.memref_squeeze %dma_start3A_807 : memref<1x512xf32, #tpu.memory_space<hbm>> -> memref<512xf32, #tpu.memory_space<hbm>>
      %dma_start3A_809 = arith.constant 0 : i32
      %dma_start3A_810 = tpu.memref_slice %arg6[%run_scoped3A_797, %dma_start3A_809] : memref<3x512xf32, #tpu.memory_space<vmem>> -> memref<1x512xf32, #tpu.memory_space<vmem>>
      %dma_start3A_811 = tpu.memref_squeeze %dma_start3A_810 : memref<1x512xf32, #tpu.memory_space<vmem>> -> memref<512xf32, #tpu.memory_space<vmem>>
      tpu.enqueue_dma source(%dma_start3A_811 : memref<512xf32, #tpu.memory_space<vmem>>) target(%dma_start3A_808 : memref<512xf32, #tpu.memory_space<hbm>>) target_semaphore(%run_scoped3A_801 : memref<!tpu.dma_semaphore, #tpu.memory_space<semaphore_mem>>)
      %dma_wait3A_812 = arith.constant 0 : i32
      %dma_wait3A_813 = tpu.memref_slice %arg6[%run_scoped3A_797, %dma_wait3A_812] : memref<3x512xf32, #tpu.memory_space<vmem>> -> memref<1x512xf32, #tpu.memory_space<vmem>>
      %dma_wait3A_814 = tpu.memref_squeeze %dma_wait3A_813 : memref<1x512xf32, #tpu.memory_space<vmem>> -> memref<512xf32, #tpu.memory_space<vmem>>
      %dma_wait3A_815 = tpu.memref_slice %arg4[%run_scoped3A_798, %mul3A_2] : memref<3x16384xf32, #tpu.memory_space<hbm>> -> memref<1x512xf32, #tpu.memory_space<hbm>>
      %dma_wait3A_816 = tpu.memref_squeeze %dma_wait3A_815 : memref<1x512xf32, #tpu.memory_space<hbm>> -> memref<512xf32, #tpu.memory_space<hbm>>
      %dma_wait3A_817 = tpu.memref_slice %arg4[%run_scoped3A_798, %mul3A_2] : memref<3x16384xf32, #tpu.memory_space<hbm>> -> memref<1x512xf32, #tpu.memory_space<hbm>>
      %dma_wait3A_818 = tpu.memref_squeeze %dma_wait3A_817 : memref<1x512xf32, #tpu.memory_space<hbm>> -> memref<512xf32, #tpu.memory_space<hbm>>
      %dma_wait3A_819 = arith.constant 0 : i32
      %dma_wait3A_820 = tpu.memref_slice %arg6[%run_scoped3A_797, %dma_wait3A_819] : memref<3x512xf32, #tpu.memory_space<vmem>> -> memref<1x512xf32, #tpu.memory_space<vmem>>
      %dma_wait3A_821 = tpu.memref_squeeze %dma_wait3A_820 : memref<1x512xf32, #tpu.memory_space<vmem>> -> memref<512xf32, #tpu.memory_space<vmem>>
      tpu.wait_dma2 semaphore(%run_scoped3A_801 : memref<!tpu.dma_semaphore, #tpu.memory_space<semaphore_mem>>) src(%dma_wait3A_821 : memref<512xf32, #tpu.memory_space<vmem>>) dst(%dma_wait3A_818 : memref<512xf32, #tpu.memory_space<hbm>>)
      tpu.yield
    }) : () -> ()
    %run_scoped3A_799 = arith.constant 2 : i32
    %run_scoped3A_800 = arith.constant 2 : i32
    "tpu.region"() ({
      %run_scoped3A_801 = tpu.sem_alloc : memref<!tpu.dma_semaphore, #tpu.memory_space<semaphore_mem>>
      %dma_start3A_802 = arith.constant 0 : i32
      %dma_start3A_803 = tpu.memref_slice %arg6[%run_scoped3A_799, %dma_start3A_802] : memref<3x512xf32, #tpu.memory_space<vmem>> -> memref<1x512xf32, #tpu.memory_space<vmem>>
      %dma_start3A_804 = tpu.memref_squeeze %dma_start3A_803 : memref<1x512xf32, #tpu.memory_space<vmem>> -> memref<512xf32, #tpu.memory_space<vmem>>
      %dma_start3A_805 = tpu.memref_slice %arg4[%run_scoped3A_800, %mul3A_2] : memref<3x16384xf32, #tpu.memory_space<hbm>> -> memref<1x512xf32, #tpu.memory_space<hbm>>
      %dma_start3A_806 = tpu.memref_squeeze %dma_start3A_805 : memref<1x512xf32, #tpu.memory_space<hbm>> -> memref<512xf32, #tpu.memory_space<hbm>>
      %dma_start3A_807 = tpu.memref_slice %arg4[%run_scoped3A_800, %mul3A_2] : memref<3x16384xf32, #tpu.memory_space<hbm>> -> memref<1x512xf32, #tpu.memory_space<hbm>>
      %dma_start3A_808 = tpu.memref_squeeze %dma_start3A_807 : memref<1x512xf32, #tpu.memory_space<hbm>> -> memref<512xf32, #tpu.memory_space<hbm>>
      %dma_start3A_809 = arith.constant 0 : i32
      %dma_start3A_810 = tpu.memref_slice %arg6[%run_scoped3A_799, %dma_start3A_809] : memref<3x512xf32, #tpu.memory_space<vmem>> -> memref<1x512xf32, #tpu.memory_space<vmem>>
      %dma_start3A_811 = tpu.memref_squeeze %dma_start3A_810 : memref<1x512xf32, #tpu.memory_space<vmem>> -> memref<512xf32, #tpu.memory_space<vmem>>
      tpu.enqueue_dma source(%dma_start3A_811 : memref<512xf32, #tpu.memory_space<vmem>>) target(%dma_start3A_808 : memref<512xf32, #tpu.memory_space<hbm>>) target_semaphore(%run_scoped3A_801 : memref<!tpu.dma_semaphore, #tpu.memory_space<semaphore_mem>>)
      %dma_wait3A_812 = arith.constant 0 : i32
      %dma_wait3A_813 = tpu.memref_slice %arg6[%run_scoped3A_799, %dma_wait3A_812] : memref<3x512xf32, #tpu.memory_space<vmem>> -> memref<1x512xf32, #tpu.memory_space<vmem>>
      %dma_wait3A_814 = tpu.memref_squeeze %dma_wait3A_813 : memref<1x512xf32, #tpu.memory_space<vmem>> -> memref<512xf32, #tpu.memory_space<vmem>>
      %dma_wait3A_815 = tpu.memref_slice %arg4[%run_scoped3A_800, %mul3A_2] : memref<3x16384xf32, #tpu.memory_space<hbm>> -> memref<1x512xf32, #tpu.memory_space<hbm>>
      %dma_wait3A_816 = tpu.memref_squeeze %dma_wait3A_815 : memref<1x512xf32, #tpu.memory_space<hbm>> -> memref<512xf32, #tpu.memory_space<hbm>>
      %dma_wait3A_817 = tpu.memref_slice %arg4[%run_scoped3A_800, %mul3A_2] : memref<3x16384xf32, #tpu.memory_space<hbm>> -> memref<1x512xf32, #tpu.memory_space<hbm>>
      %dma_wait3A_818 = tpu.memref_squeeze %dma_wait3A_817 : memref<1x512xf32, #tpu.memory_space<hbm>> -> memref<512xf32, #tpu.memory_space<hbm>>
      %dma_wait3A_819 = arith.constant 0 : i32
      %dma_wait3A_820 = tpu.memref_slice %arg6[%run_scoped3A_799, %dma_wait3A_819] : memref<3x512xf32, #tpu.memory_space<vmem>> -> memref<1x512xf32, #tpu.memory_space<vmem>>
      %dma_wait3A_821 = tpu.memref_squeeze %dma_wait3A_820 : memref<1x512xf32, #tpu.memory_space<vmem>> -> memref<512xf32, #tpu.memory_space<vmem>>
      tpu.wait_dma2 semaphore(%run_scoped3A_801 : memref<!tpu.dma_semaphore, #tpu.memory_space<semaphore_mem>>) src(%dma_wait3A_821 : memref<512xf32, #tpu.memory_space<vmem>>) dst(%dma_wait3A_818 : memref<512xf32, #tpu.memory_space<hbm>>)
      tpu.yield
    }) : () -> ()
    return
  }
}

#map = affine_map<(d0, d1) -> (0)>
#map1 = affine_map<(d0, d1) -> (0, 0)>
module attributes {stable_mosaic.version = 14 : i64} {
  func.func @gather_kernel(%arg0: i32, %arg1: i32, %arg2: memref<16384xi32, #tpu.memory_space<hbm>>, %arg3: memref<3000000xf32, #tpu.memory_space<hbm>>, %arg4: memref<3x16384xf32, #tpu.memory_space<hbm>>, %arg5: memref<3x512xi32, #tpu.memory_space<vmem>>, %arg6: memref<3x512xf32, #tpu.memory_space<vmem>>, %arg7: memref<!tpu.dma_semaphore, #tpu.memory_space<semaphore_mem>>) attributes {dimension_semantics = [#tpu.dimension_semantics<core_parallel>, #tpu.dimension_semantics<subcore_parallel>], iteration_bounds = array<i64: 2, 16>, scalar_prefetch = 0 : i64, scratch_operands = 3 : i64, tpu.core_type = #tpu.core_type<sc_vector_subcore>, window_params = [{transform_indices = #map}, {transform_indices = #map}, {transform_indices = #map1}]} {
    %mul3A = arith.constant 2 : i32
    %mul3A_0 = arith.muli %arg1, %mul3A : i32
    %add3A = arith.addi %mul3A_0, %arg0 : i32
    %mul3A_1 = arith.constant 512 : i32
    %mul3A_2 = arith.muli %add3A, %mul3A_1 : i32
    %run_scoped3A = arith.constant 0 : i32
    "tpu.region"() ({
      %run_scoped3A_801 = tpu.sem_alloc : memref<!tpu.dma_semaphore, #tpu.memory_space<semaphore_mem>>
      %dma_start3A_802 = arith.constant 0 : i32
      %dma_start3A_803 = tpu.memref_slice %arg5[%run_scoped3A, %dma_start3A_802] : memref<3x512xi32, #tpu.memory_space<vmem>> -> memref<1x512xi32, #tpu.memory_space<vmem>>
      %dma_start3A_804 = tpu.memref_squeeze %dma_start3A_803 : memref<1x512xi32, #tpu.memory_space<vmem>> -> memref<512xi32, #tpu.memory_space<vmem>>
      %dma_start3A_805 = tpu.memref_slice %arg2[%mul3A_2] : memref<16384xi32, #tpu.memory_space<hbm>> -> memref<512xi32, #tpu.memory_space<hbm>>
      %dma_start3A_806 = arith.constant 0 : i32
      %dma_start3A_807 = tpu.memref_slice %arg5[%run_scoped3A, %dma_start3A_806] : memref<3x512xi32, #tpu.memory_space<vmem>> -> memref<1x512xi32, #tpu.memory_space<vmem>>
      %dma_start3A_808 = tpu.memref_squeeze %dma_start3A_807 : memref<1x512xi32, #tpu.memory_space<vmem>> -> memref<512xi32, #tpu.memory_space<vmem>>
      %dma_start3A_809 = tpu.memref_slice %arg2[%mul3A_2] : memref<16384xi32, #tpu.memory_space<hbm>> -> memref<512xi32, #tpu.memory_space<hbm>>
      tpu.enqueue_dma source(%dma_start3A_809 : memref<512xi32, #tpu.memory_space<hbm>>) target(%dma_start3A_808 : memref<512xi32, #tpu.memory_space<vmem>>) target_semaphore(%run_scoped3A_801 : memref<!tpu.dma_semaphore, #tpu.memory_space<semaphore_mem>>)
      %dma_wait3A_810 = arith.constant 0 : i32
      %dma_wait3A_811 = tpu.memref_slice %arg5[%run_scoped3A, %dma_wait3A_810] : memref<3x512xi32, #tpu.memory_space<vmem>> -> memref<1x512xi32, #tpu.memory_space<vmem>>
      %dma_wait3A_812 = tpu.memref_squeeze %dma_wait3A_811 : memref<1x512xi32, #tpu.memory_space<vmem>> -> memref<512xi32, #tpu.memory_space<vmem>>
      %dma_wait3A_813 = tpu.memref_slice %arg2[%mul3A_2] : memref<16384xi32, #tpu.memory_space<hbm>> -> memref<512xi32, #tpu.memory_space<hbm>>
      %dma_wait3A_814 = arith.constant 0 : i32
      %dma_wait3A_815 = tpu.memref_slice %arg5[%run_scoped3A, %dma_wait3A_814] : memref<3x512xi32, #tpu.memory_space<vmem>> -> memref<1x512xi32, #tpu.memory_space<vmem>>
      %dma_wait3A_816 = tpu.memref_squeeze %dma_wait3A_815 : memref<1x512xi32, #tpu.memory_space<vmem>> -> memref<512xi32, #tpu.memory_space<vmem>>
      %dma_wait3A_817 = tpu.memref_slice %arg2[%mul3A_2] : memref<16384xi32, #tpu.memory_space<hbm>> -> memref<512xi32, #tpu.memory_space<hbm>>
      tpu.wait_dma2 semaphore(%run_scoped3A_801 : memref<!tpu.dma_semaphore, #tpu.memory_space<semaphore_mem>>) src(%dma_wait3A_817 : memref<512xi32, #tpu.memory_space<hbm>>) dst(%dma_wait3A_816 : memref<512xi32, #tpu.memory_space<vmem>>)
      tpu.yield
    }) : () -> ()
    %get3A = arith.constant 0 : i32
    %get3A_3 = arith.index_cast %get3A : i32 to index
    %get3A_4 = arith.constant 0 : index
    %get3A_5 = tpu.vector_load %arg5[%get3A_3, %get3A_4] {strides = array<i32>} : memref<3x512xi32, #tpu.memory_space<vmem>>, vector<1x16xi32>,
    %get3A_6 = vector.shape_cast %get3A_5 : vector<1x16xi32> to vector<16xi32>
    %add3A_7 = arith.constant 1000000 : i32
    %add3A_8 = vector.broadcast %add3A_7 : i32 to vector<16xi32>
    %add3A_9 = arith.addi %get3A_6, %add3A_8 : vector<16xi32>
    %swap3A = arith.constant 1 : i32
    %swap3A_10 = arith.index_cast %swap3A : i32 to index
    %swap3A_11 = arith.constant 0 : index
    %swap3A_12 = tpu.vector_load %arg5[%swap3A_10, %swap3A_11] {strides = array<i32>} : memref<3x512xi32, #tpu.memory_space<vmem>>, vector<1x16xi32>,
    %swap3A_13 = vector.shape_cast %swap3A_12 : vector<1x16xi32> to vector<16xi32>
    %swap3A_14 = vector.shape_cast %add3A_9 : vector<16xi32> to vector<1x16xi32>
    tpu.vector_store %arg5[%swap3A_10, %swap3A_11], %swap3A_14 {strides = array<i32>} : memref<3x512xi32, #tpu.memory_space<vmem>>, vector<1x16xi32>,
    %add3A_15 = arith.constant 2000000 : i32
    %add3A_16 = vector.broadcast %add3A_15 : i32 to vector<16xi32>
    %add3A_17 = arith.addi %get3A_6, %add3A_16 : vector<16xi32>
    %swap3A_18 = arith.constant 2 : i32
    %swap3A_19 = arith.index_cast %swap3A_18 : i32 to index
    %swap3A_20 = arith.constant 0 : index
    %swap3A_21 = tpu.vector_load %arg5[%swap3A_19, %swap3A_20] {strides = array<i32>} : memref<3x512xi32, #tpu.memory_space<vmem>>, vector<1x16xi32>,
    %swap3A_22 = vector.shape_cast %swap3A_21 : vector<1x16xi32> to vector<16xi32>
    %swap3A_23 = vector.shape_cast %add3A_17 : vector<16xi32> to vector<1x16xi32>
    tpu.vector_store %arg5[%swap3A_19, %swap3A_20], %swap3A_23 {strides = array<i32>} : memref<3x512xi32, #tpu.memory_space<vmem>>, vector<1x16xi32>,
    %get3A_24 = arith.constant 0 : i32
    %get3A_25 = arith.index_cast %get3A_24 : i32 to index
    %get3A_26 = arith.constant 16 : index
    %get3A_27 = tpu.vector_load %arg5[%get3A_25, %get3A_26] {strides = array<i32>} : memref<3x512xi32, #tpu.memory_space<vmem>>, vector<1x16xi32>,
    %get3A_28 = vector.shape_cast %get3A_27 : vector<1x16xi32> to vector<16xi32>
    %add3A_29 = arith.constant 1000000 : i32
    %add3A_30 = vector.broadcast %add3A_29 : i32 to vector<16xi32>
    %add3A_31 = arith.addi %get3A_28, %add3A_30 : vector<16xi32>
    %swap3A_32 = arith.constant 1 : i32
    %swap3A_33 = arith.index_cast %swap3A_32 : i32 to index
    %swap3A_34 = arith.constant 16 : index
    %swap3A_35 = tpu.vector_load %arg5[%swap3A_33, %swap3A_34] {strides = array<i32>} : memref<3x512xi32, #tpu.memory_space<vmem>>, vector<1x16xi32>,
    %swap3A_36 = vector.shape_cast %swap3A_35 : vector<1x16xi32> to vector<16xi32>
    %swap3A_37 = vector.shape_cast %add3A_31 : vector<16xi32> to vector<1x16xi32>
    tpu.vector_store %arg5[%swap3A_33, %swap3A_34], %swap3A_37 {strides = array<i32>} : memref<3x512xi32, #tpu.memory_space<vmem>>, vector<1x16xi32>,
    %add3A_38 = arith.constant 2000000 : i32
    %add3A_39 = vector.broadcast %add3A_38 : i32 to vector<16xi32>
    %add3A_40 = arith.addi %get3A_28, %add3A_39 : vector<16xi32>
    %swap3A_41 = arith.constant 2 : i32
    %swap3A_42 = arith.index_cast %swap3A_41 : i32 to index
    %swap3A_43 = arith.constant 16 : index
    %swap3A_44 = tpu.vector_load %arg5[%swap3A_42, %swap3A_43] {strides = array<i32>} : memref<3x512xi32, #tpu.memory_space<vmem>>, vector<1x16xi32>,
    %swap3A_45 = vector.shape_cast %swap3A_44 : vector<1x16xi32> to vector<16xi32>
    %swap3A_46 = vector.shape_cast %add3A_40 : vector<16xi32> to vector<1x16xi32>
    tpu.vector_store %arg5[%swap3A_42, %swap3A_43], %swap3A_46 {strides = array<i32>} : memref<3x512xi32, #tpu.memory_space<vmem>>, vector<1x16xi32>,
    %get3A_47 = arith.constant 0 : i32
    %get3A_48 = arith.index_cast %get3A_47 : i32 to index
    %get3A_49 = arith.constant 32 : index
    %get3A_50 = tpu.vector_load %arg5[%get3A_48, %get3A_49] {strides = array<i32>} : memref<3x512xi32, #tpu.memory_space<vmem>>, vector<1x16xi32>,
    %get3A_51 = vector.shape_cast %get3A_50 : vector<1x16xi32> to vector<16xi32>
    %add3A_52 = arith.constant 1000000 : i32
    %add3A_53 = vector.broadcast %add3A_52 : i32 to vector<16xi32>
    %add3A_54 = arith.addi %get3A_51, %add3A_53 : vector<16xi32>
    %swap3A_55 = arith.constant 1 : i32
    %swap3A_56 = arith.index_cast %swap3A_55 : i32 to index
    %swap3A_57 = arith.constant 32 : index
    %swap3A_58 = tpu.vector_load %arg5[%swap3A_56, %swap3A_57] {strides = array<i32>} : memref<3x512xi32, #tpu.memory_space<vmem>>, vector<1x16xi32>,
    %swap3A_59 = vector.shape_cast %swap3A_58 : vector<1x16xi32> to vector<16xi32>
    %swap3A_60 = vector.shape_cast %add3A_54 : vector<16xi32> to vector<1x16xi32>
    tpu.vector_store %arg5[%swap3A_56, %swap3A_57], %swap3A_60 {strides = array<i32>} : memref<3x512xi32, #tpu.memory_space<vmem>>, vector<1x16xi32>,
    %add3A_61 = arith.constant 2000000 : i32
    %add3A_62 = vector.broadcast %add3A_61 : i32 to vector<16xi32>
    %add3A_63 = arith.addi %get3A_51, %add3A_62 : vector<16xi32>
    %swap3A_64 = arith.constant 2 : i32
    %swap3A_65 = arith.index_cast %swap3A_64 : i32 to index
    %swap3A_66 = arith.constant 32 : index
    %swap3A_67 = tpu.vector_load %arg5[%swap3A_65, %swap3A_66] {strides = array<i32>} : memref<3x512xi32, #tpu.memory_space<vmem>>, vector<1x16xi32>,
    %swap3A_68 = vector.shape_cast %swap3A_67 : vector<1x16xi32> to vector<16xi32>
    %swap3A_69 = vector.shape_cast %add3A_63 : vector<16xi32> to vector<1x16xi32>
    tpu.vector_store %arg5[%swap3A_65, %swap3A_66], %swap3A_69 {strides = array<i32>} : memref<3x512xi32, #tpu.memory_space<vmem>>, vector<1x16xi32>,
    %get3A_70 = arith.constant 0 : i32
    %get3A_71 = arith.index_cast %get3A_70 : i32 to index
    %get3A_72 = arith.constant 48 : index
    %get3A_73 = tpu.vector_load %arg5[%get3A_71, %get3A_72] {strides = array<i32>} : memref<3x512xi32, #tpu.memory_space<vmem>>, vector<1x16xi32>,
    %get3A_74 = vector.shape_cast %get3A_73 : vector<1x16xi32> to vector<16xi32>
    %add3A_75 = arith.constant 1000000 : i32
    %add3A_76 = vector.broadcast %add3A_75 : i32 to vector<16xi32>
    %add3A_77 = arith.addi %get3A_74, %add3A_76 : vector<16xi32>
    %swap3A_78 = arith.constant 1 : i32
    %swap3A_79 = arith.index_cast %swap3A_78 : i32 to index
    %swap3A_80 = arith.constant 48 : index
    %swap3A_81 = tpu.vector_load %arg5[%swap3A_79, %swap3A_80] {strides = array<i32>} : memref<3x512xi32, #tpu.memory_space<vmem>>, vector<1x16xi32>,
    %swap3A_82 = vector.shape_cast %swap3A_81 : vector<1x16xi32> to vector<16xi32>
    %swap3A_83 = vector.shape_cast %add3A_77 : vector<16xi32> to vector<1x16xi32>
    tpu.vector_store %arg5[%swap3A_79, %swap3A_80], %swap3A_83 {strides = array<i32>} : memref<3x512xi32, #tpu.memory_space<vmem>>, vector<1x16xi32>,
    %add3A_84 = arith.constant 2000000 : i32
    %add3A_85 = vector.broadcast %add3A_84 : i32 to vector<16xi32>
    %add3A_86 = arith.addi %get3A_74, %add3A_85 : vector<16xi32>
    %swap3A_87 = arith.constant 2 : i32
    %swap3A_88 = arith.index_cast %swap3A_87 : i32 to index
    %swap3A_89 = arith.constant 48 : index
    %swap3A_90 = tpu.vector_load %arg5[%swap3A_88, %swap3A_89] {strides = array<i32>} : memref<3x512xi32, #tpu.memory_space<vmem>>, vector<1x16xi32>,
    %swap3A_91 = vector.shape_cast %swap3A_90 : vector<1x16xi32> to vector<16xi32>
    %swap3A_92 = vector.shape_cast %add3A_86 : vector<16xi32> to vector<1x16xi32>
    tpu.vector_store %arg5[%swap3A_88, %swap3A_89], %swap3A_92 {strides = array<i32>} : memref<3x512xi32, #tpu.memory_space<vmem>>, vector<1x16xi32>,
    %get3A_93 = arith.constant 0 : i32
    %get3A_94 = arith.index_cast %get3A_93 : i32 to index
    %get3A_95 = arith.constant 64 : index
    %get3A_96 = tpu.vector_load %arg5[%get3A_94, %get3A_95] {strides = array<i32>} : memref<3x512xi32, #tpu.memory_space<vmem>>, vector<1x16xi32>,
    %get3A_97 = vector.shape_cast %get3A_96 : vector<1x16xi32> to vector<16xi32>
    %add3A_98 = arith.constant 1000000 : i32
    %add3A_99 = vector.broadcast %add3A_98 : i32 to vector<16xi32>
    %add3A_100 = arith.addi %get3A_97, %add3A_99 : vector<16xi32>
    %swap3A_101 = arith.constant 1 : i32
    %swap3A_102 = arith.index_cast %swap3A_101 : i32 to index
    %swap3A_103 = arith.constant 64 : index
    %swap3A_104 = tpu.vector_load %arg5[%swap3A_102, %swap3A_103] {strides = array<i32>} : memref<3x512xi32, #tpu.memory_space<vmem>>, vector<1x16xi32>,
    %swap3A_105 = vector.shape_cast %swap3A_104 : vector<1x16xi32> to vector<16xi32>
    %swap3A_106 = vector.shape_cast %add3A_100 : vector<16xi32> to vector<1x16xi32>
    tpu.vector_store %arg5[%swap3A_102, %swap3A_103], %swap3A_106 {strides = array<i32>} : memref<3x512xi32, #tpu.memory_space<vmem>>, vector<1x16xi32>,
    %add3A_107 = arith.constant 2000000 : i32
    %add3A_108 = vector.broadcast %add3A_107 : i32 to vector<16xi32>
    %add3A_109 = arith.addi %get3A_97, %add3A_108 : vector<16xi32>
    %swap3A_110 = arith.constant 2 : i32
    %swap3A_111 = arith.index_cast %swap3A_110 : i32 to index
    %swap3A_112 = arith.constant 64 : index
    %swap3A_113 = tpu.vector_load %arg5[%swap3A_111, %swap3A_112] {strides = array<i32>} : memref<3x512xi32, #tpu.memory_space<vmem>>, vector<1x16xi32>,
    %swap3A_114 = vector.shape_cast %swap3A_113 : vector<1x16xi32> to vector<16xi32>
    %swap3A_115 = vector.shape_cast %add3A_109 : vector<16xi32> to vector<1x16xi32>
    tpu.vector_store %arg5[%swap3A_111, %swap3A_112], %swap3A_115 {strides = array<i32>} : memref<3x512xi32, #tpu.memory_space<vmem>>, vector<1x16xi32>,
    %get3A_116 = arith.constant 0 : i32
    %get3A_117 = arith.index_cast %get3A_116 : i32 to index
    %get3A_118 = arith.constant 80 : index
    %get3A_119 = tpu.vector_load %arg5[%get3A_117, %get3A_118] {strides = array<i32>} : memref<3x512xi32, #tpu.memory_space<vmem>>, vector<1x16xi32>,
    %get3A_120 = vector.shape_cast %get3A_119 : vector<1x16xi32> to vector<16xi32>
    %add3A_121 = arith.constant 1000000 : i32
    %add3A_122 = vector.broadcast %add3A_121 : i32 to vector<16xi32>
    %add3A_123 = arith.addi %get3A_120, %add3A_122 : vector<16xi32>
    %swap3A_124 = arith.constant 1 : i32
    %swap3A_125 = arith.index_cast %swap3A_124 : i32 to index
    %swap3A_126 = arith.constant 80 : index
    %swap3A_127 = tpu.vector_load %arg5[%swap3A_125, %swap3A_126] {strides = array<i32>} : memref<3x512xi32, #tpu.memory_space<vmem>>, vector<1x16xi32>,
    %swap3A_128 = vector.shape_cast %swap3A_127 : vector<1x16xi32> to vector<16xi32>
    %swap3A_129 = vector.shape_cast %add3A_123 : vector<16xi32> to vector<1x16xi32>
    tpu.vector_store %arg5[%swap3A_125, %swap3A_126], %swap3A_129 {strides = array<i32>} : memref<3x512xi32, #tpu.memory_space<vmem>>, vector<1x16xi32>,
    %add3A_130 = arith.constant 2000000 : i32
    %add3A_131 = vector.broadcast %add3A_130 : i32 to vector<16xi32>
    %add3A_132 = arith.addi %get3A_120, %add3A_131 : vector<16xi32>
    %swap3A_133 = arith.constant 2 : i32
    %swap3A_134 = arith.index_cast %swap3A_133 : i32 to index
    %swap3A_135 = arith.constant 80 : index
    %swap3A_136 = tpu.vector_load %arg5[%swap3A_134, %swap3A_135] {strides = array<i32>} : memref<3x512xi32, #tpu.memory_space<vmem>>, vector<1x16xi32>,
    %swap3A_137 = vector.shape_cast %swap3A_136 : vector<1x16xi32> to vector<16xi32>
    %swap3A_138 = vector.shape_cast %add3A_132 : vector<16xi32> to vector<1x16xi32>
    tpu.vector_store %arg5[%swap3A_134, %swap3A_135], %swap3A_138 {strides = array<i32>} : memref<3x512xi32, #tpu.memory_space<vmem>>, vector<1x16xi32>,
    %get3A_139 = arith.constant 0 : i32
    %get3A_140 = arith.index_cast %get3A_139 : i32 to index
    %get3A_141 = arith.constant 96 : index
    %get3A_142 = tpu.vector_load %arg5[%get3A_140, %get3A_141] {strides = array<i32>} : memref<3x512xi32, #tpu.memory_space<vmem>>, vector<1x16xi32>,
    %get3A_143 = vector.shape_cast %get3A_142 : vector<1x16xi32> to vector<16xi32>
    %add3A_144 = arith.constant 1000000 : i32
    %add3A_145 = vector.broadcast %add3A_144 : i32 to vector<16xi32>
    %add3A_146 = arith.addi %get3A_143, %add3A_145 : vector<16xi32>
    %swap3A_147 = arith.constant 1 : i32
    %swap3A_148 = arith.index_cast %swap3A_147 : i32 to index
    %swap3A_149 = arith.constant 96 : index
    %swap3A_150 = tpu.vector_load %arg5[%swap3A_148, %swap3A_149] {strides = array<i32>} : memref<3x512xi32, #tpu.memory_space<vmem>>, vector<1x16xi32>,
    %swap3A_151 = vector.shape_cast %swap3A_150 : vector<1x16xi32> to vector<16xi32>
    %swap3A_152 = vector.shape_cast %add3A_146 : vector<16xi32> to vector<1x16xi32>
    tpu.vector_store %arg5[%swap3A_148, %swap3A_149], %swap3A_152 {strides = array<i32>} : memref<3x512xi32, #tpu.memory_space<vmem>>, vector<1x16xi32>,
    %add3A_153 = arith.constant 2000000 : i32
    %add3A_154 = vector.broadcast %add3A_153 : i32 to vector<16xi32>
    %add3A_155 = arith.addi %get3A_143, %add3A_154 : vector<16xi32>
    %swap3A_156 = arith.constant 2 : i32
    %swap3A_157 = arith.index_cast %swap3A_156 : i32 to index
    %swap3A_158 = arith.constant 96 : index
    %swap3A_159 = tpu.vector_load %arg5[%swap3A_157, %swap3A_158] {strides = array<i32>} : memref<3x512xi32, #tpu.memory_space<vmem>>, vector<1x16xi32>,
    %swap3A_160 = vector.shape_cast %swap3A_159 : vector<1x16xi32> to vector<16xi32>
    %swap3A_161 = vector.shape_cast %add3A_155 : vector<16xi32> to vector<1x16xi32>
    tpu.vector_store %arg5[%swap3A_157, %swap3A_158], %swap3A_161 {strides = array<i32>} : memref<3x512xi32, #tpu.memory_space<vmem>>, vector<1x16xi32>,
    %get3A_162 = arith.constant 0 : i32
    %get3A_163 = arith.index_cast %get3A_162 : i32 to index
    %get3A_164 = arith.constant 112 : index
    %get3A_165 = tpu.vector_load %arg5[%get3A_163, %get3A_164] {strides = array<i32>} : memref<3x512xi32, #tpu.memory_space<vmem>>, vector<1x16xi32>,
    %get3A_166 = vector.shape_cast %get3A_165 : vector<1x16xi32> to vector<16xi32>
    %add3A_167 = arith.constant 1000000 : i32
    %add3A_168 = vector.broadcast %add3A_167 : i32 to vector<16xi32>
    %add3A_169 = arith.addi %get3A_166, %add3A_168 : vector<16xi32>
    %swap3A_170 = arith.constant 1 : i32
    %swap3A_171 = arith.index_cast %swap3A_170 : i32 to index
    %swap3A_172 = arith.constant 112 : index
    %swap3A_173 = tpu.vector_load %arg5[%swap3A_171, %swap3A_172] {strides = array<i32>} : memref<3x512xi32, #tpu.memory_space<vmem>>, vector<1x16xi32>,
    %swap3A_174 = vector.shape_cast %swap3A_173 : vector<1x16xi32> to vector<16xi32>
    %swap3A_175 = vector.shape_cast %add3A_169 : vector<16xi32> to vector<1x16xi32>
    tpu.vector_store %arg5[%swap3A_171, %swap3A_172], %swap3A_175 {strides = array<i32>} : memref<3x512xi32, #tpu.memory_space<vmem>>, vector<1x16xi32>,
    %add3A_176 = arith.constant 2000000 : i32
    %add3A_177 = vector.broadcast %add3A_176 : i32 to vector<16xi32>
    %add3A_178 = arith.addi %get3A_166, %add3A_177 : vector<16xi32>
    %swap3A_179 = arith.constant 2 : i32
    %swap3A_180 = arith.index_cast %swap3A_179 : i32 to index
    %swap3A_181 = arith.constant 112 : index
    %swap3A_182 = tpu.vector_load %arg5[%swap3A_180, %swap3A_181] {strides = array<i32>} : memref<3x512xi32, #tpu.memory_space<vmem>>, vector<1x16xi32>,
    %swap3A_183 = vector.shape_cast %swap3A_182 : vector<1x16xi32> to vector<16xi32>
    %swap3A_184 = vector.shape_cast %add3A_178 : vector<16xi32> to vector<1x16xi32>
    tpu.vector_store %arg5[%swap3A_180, %swap3A_181], %swap3A_184 {strides = array<i32>} : memref<3x512xi32, #tpu.memory_space<vmem>>, vector<1x16xi32>,
    %get3A_185 = arith.constant 0 : i32
    %get3A_186 = arith.index_cast %get3A_185 : i32 to index
    %get3A_187 = arith.constant 128 : index
    %get3A_188 = tpu.vector_load %arg5[%get3A_186, %get3A_187] {strides = array<i32>} : memref<3x512xi32, #tpu.memory_space<vmem>>, vector<1x16xi32>,
    %get3A_189 = vector.shape_cast %get3A_188 : vector<1x16xi32> to vector<16xi32>
    %add3A_190 = arith.constant 1000000 : i32
    %add3A_191 = vector.broadcast %add3A_190 : i32 to vector<16xi32>
    %add3A_192 = arith.addi %get3A_189, %add3A_191 : vector<16xi32>
    %swap3A_193 = arith.constant 1 : i32
    %swap3A_194 = arith.index_cast %swap3A_193 : i32 to index
    %swap3A_195 = arith.constant 128 : index
    %swap3A_196 = tpu.vector_load %arg5[%swap3A_194, %swap3A_195] {strides = array<i32>} : memref<3x512xi32, #tpu.memory_space<vmem>>, vector<1x16xi32>,
    %swap3A_197 = vector.shape_cast %swap3A_196 : vector<1x16xi32> to vector<16xi32>
    %swap3A_198 = vector.shape_cast %add3A_192 : vector<16xi32> to vector<1x16xi32>
    tpu.vector_store %arg5[%swap3A_194, %swap3A_195], %swap3A_198 {strides = array<i32>} : memref<3x512xi32, #tpu.memory_space<vmem>>, vector<1x16xi32>,
    %add3A_199 = arith.constant 2000000 : i32
    %add3A_200 = vector.broadcast %add3A_199 : i32 to vector<16xi32>
    %add3A_201 = arith.addi %get3A_189, %add3A_200 : vector<16xi32>
    %swap3A_202 = arith.constant 2 : i32
    %swap3A_203 = arith.index_cast %swap3A_202 : i32 to index
    %swap3A_204 = arith.constant 128 : index
    %swap3A_205 = tpu.vector_load %arg5[%swap3A_203, %swap3A_204] {strides = array<i32>} : memref<3x512xi32, #tpu.memory_space<vmem>>, vector<1x16xi32>,
    %swap3A_206 = vector.shape_cast %swap3A_205 : vector<1x16xi32> to vector<16xi32>
    %swap3A_207 = vector.shape_cast %add3A_201 : vector<16xi32> to vector<1x16xi32>
    tpu.vector_store %arg5[%swap3A_203, %swap3A_204], %swap3A_207 {strides = array<i32>} : memref<3x512xi32, #tpu.memory_space<vmem>>, vector<1x16xi32>,
    %get3A_208 = arith.constant 0 : i32
    %get3A_209 = arith.index_cast %get3A_208 : i32 to index
    %get3A_210 = arith.constant 144 : index
    %get3A_211 = tpu.vector_load %arg5[%get3A_209, %get3A_210] {strides = array<i32>} : memref<3x512xi32, #tpu.memory_space<vmem>>, vector<1x16xi32>,
    %get3A_212 = vector.shape_cast %get3A_211 : vector<1x16xi32> to vector<16xi32>
    %add3A_213 = arith.constant 1000000 : i32
    %add3A_214 = vector.broadcast %add3A_213 : i32 to vector<16xi32>
    %add3A_215 = arith.addi %get3A_212, %add3A_214 : vector<16xi32>
    %swap3A_216 = arith.constant 1 : i32
    %swap3A_217 = arith.index_cast %swap3A_216 : i32 to index
    %swap3A_218 = arith.constant 144 : index
    %swap3A_219 = tpu.vector_load %arg5[%swap3A_217, %swap3A_218] {strides = array<i32>} : memref<3x512xi32, #tpu.memory_space<vmem>>, vector<1x16xi32>,
    %swap3A_220 = vector.shape_cast %swap3A_219 : vector<1x16xi32> to vector<16xi32>
    %swap3A_221 = vector.shape_cast %add3A_215 : vector<16xi32> to vector<1x16xi32>
    tpu.vector_store %arg5[%swap3A_217, %swap3A_218], %swap3A_221 {strides = array<i32>} : memref<3x512xi32, #tpu.memory_space<vmem>>, vector<1x16xi32>,
    %add3A_222 = arith.constant 2000000 : i32
    %add3A_223 = vector.broadcast %add3A_222 : i32 to vector<16xi32>
    %add3A_224 = arith.addi %get3A_212, %add3A_223 : vector<16xi32>
    %swap3A_225 = arith.constant 2 : i32
    %swap3A_226 = arith.index_cast %swap3A_225 : i32 to index
    %swap3A_227 = arith.constant 144 : index
    %swap3A_228 = tpu.vector_load %arg5[%swap3A_226, %swap3A_227] {strides = array<i32>} : memref<3x512xi32, #tpu.memory_space<vmem>>, vector<1x16xi32>,
    %swap3A_229 = vector.shape_cast %swap3A_228 : vector<1x16xi32> to vector<16xi32>
    %swap3A_230 = vector.shape_cast %add3A_224 : vector<16xi32> to vector<1x16xi32>
    tpu.vector_store %arg5[%swap3A_226, %swap3A_227], %swap3A_230 {strides = array<i32>} : memref<3x512xi32, #tpu.memory_space<vmem>>, vector<1x16xi32>,
    %get3A_231 = arith.constant 0 : i32
    %get3A_232 = arith.index_cast %get3A_231 : i32 to index
    %get3A_233 = arith.constant 160 : index
    %get3A_234 = tpu.vector_load %arg5[%get3A_232, %get3A_233] {strides = array<i32>} : memref<3x512xi32, #tpu.memory_space<vmem>>, vector<1x16xi32>,
    %get3A_235 = vector.shape_cast %get3A_234 : vector<1x16xi32> to vector<16xi32>
    %add3A_236 = arith.constant 1000000 : i32
    %add3A_237 = vector.broadcast %add3A_236 : i32 to vector<16xi32>
    %add3A_238 = arith.addi %get3A_235, %add3A_237 : vector<16xi32>
    %swap3A_239 = arith.constant 1 : i32
    %swap3A_240 = arith.index_cast %swap3A_239 : i32 to index
    %swap3A_241 = arith.constant 160 : index
    %swap3A_242 = tpu.vector_load %arg5[%swap3A_240, %swap3A_241] {strides = array<i32>} : memref<3x512xi32, #tpu.memory_space<vmem>>, vector<1x16xi32>,
    %swap3A_243 = vector.shape_cast %swap3A_242 : vector<1x16xi32> to vector<16xi32>
    %swap3A_244 = vector.shape_cast %add3A_238 : vector<16xi32> to vector<1x16xi32>
    tpu.vector_store %arg5[%swap3A_240, %swap3A_241], %swap3A_244 {strides = array<i32>} : memref<3x512xi32, #tpu.memory_space<vmem>>, vector<1x16xi32>,
    %add3A_245 = arith.constant 2000000 : i32
    %add3A_246 = vector.broadcast %add3A_245 : i32 to vector<16xi32>
    %add3A_247 = arith.addi %get3A_235, %add3A_246 : vector<16xi32>
    %swap3A_248 = arith.constant 2 : i32
    %swap3A_249 = arith.index_cast %swap3A_248 : i32 to index
    %swap3A_250 = arith.constant 160 : index
    %swap3A_251 = tpu.vector_load %arg5[%swap3A_249, %swap3A_250] {strides = array<i32>} : memref<3x512xi32, #tpu.memory_space<vmem>>, vector<1x16xi32>,
    %swap3A_252 = vector.shape_cast %swap3A_251 : vector<1x16xi32> to vector<16xi32>
    %swap3A_253 = vector.shape_cast %add3A_247 : vector<16xi32> to vector<1x16xi32>
    tpu.vector_store %arg5[%swap3A_249, %swap3A_250], %swap3A_253 {strides = array<i32>} : memref<3x512xi32, #tpu.memory_space<vmem>>, vector<1x16xi32>,
    %get3A_254 = arith.constant 0 : i32
    %get3A_255 = arith.index_cast %get3A_254 : i32 to index
    %get3A_256 = arith.constant 176 : index
    %get3A_257 = tpu.vector_load %arg5[%get3A_255, %get3A_256] {strides = array<i32>} : memref<3x512xi32, #tpu.memory_space<vmem>>, vector<1x16xi32>,
    %get3A_258 = vector.shape_cast %get3A_257 : vector<1x16xi32> to vector<16xi32>
    %add3A_259 = arith.constant 1000000 : i32
    %add3A_260 = vector.broadcast %add3A_259 : i32 to vector<16xi32>
    %add3A_261 = arith.addi %get3A_258, %add3A_260 : vector<16xi32>
    %swap3A_262 = arith.constant 1 : i32
    %swap3A_263 = arith.index_cast %swap3A_262 : i32 to index
    %swap3A_264 = arith.constant 176 : index
    %swap3A_265 = tpu.vector_load %arg5[%swap3A_263, %swap3A_264] {strides = array<i32>} : memref<3x512xi32, #tpu.memory_space<vmem>>, vector<1x16xi32>,
    %swap3A_266 = vector.shape_cast %swap3A_265 : vector<1x16xi32> to vector<16xi32>
    %swap3A_267 = vector.shape_cast %add3A_261 : vector<16xi32> to vector<1x16xi32>
    tpu.vector_store %arg5[%swap3A_263, %swap3A_264], %swap3A_267 {strides = array<i32>} : memref<3x512xi32, #tpu.memory_space<vmem>>, vector<1x16xi32>,
    %add3A_268 = arith.constant 2000000 : i32
    %add3A_269 = vector.broadcast %add3A_268 : i32 to vector<16xi32>
    %add3A_270 = arith.addi %get3A_258, %add3A_269 : vector<16xi32>
    %swap3A_271 = arith.constant 2 : i32
    %swap3A_272 = arith.index_cast %swap3A_271 : i32 to index
    %swap3A_273 = arith.constant 176 : index
    %swap3A_274 = tpu.vector_load %arg5[%swap3A_272, %swap3A_273] {strides = array<i32>} : memref<3x512xi32, #tpu.memory_space<vmem>>, vector<1x16xi32>,
    %swap3A_275 = vector.shape_cast %swap3A_274 : vector<1x16xi32> to vector<16xi32>
    %swap3A_276 = vector.shape_cast %add3A_270 : vector<16xi32> to vector<1x16xi32>
    tpu.vector_store %arg5[%swap3A_272, %swap3A_273], %swap3A_276 {strides = array<i32>} : memref<3x512xi32, #tpu.memory_space<vmem>>, vector<1x16xi32>,
    %get3A_277 = arith.constant 0 : i32
    %get3A_278 = arith.index_cast %get3A_277 : i32 to index
    %get3A_279 = arith.constant 192 : index
    %get3A_280 = tpu.vector_load %arg5[%get3A_278, %get3A_279] {strides = array<i32>} : memref<3x512xi32, #tpu.memory_space<vmem>>, vector<1x16xi32>,
    %get3A_281 = vector.shape_cast %get3A_280 : vector<1x16xi32> to vector<16xi32>
    %add3A_282 = arith.constant 1000000 : i32
    %add3A_283 = vector.broadcast %add3A_282 : i32 to vector<16xi32>
    %add3A_284 = arith.addi %get3A_281, %add3A_283 : vector<16xi32>
    %swap3A_285 = arith.constant 1 : i32
    %swap3A_286 = arith.index_cast %swap3A_285 : i32 to index
    %swap3A_287 = arith.constant 192 : index
    %swap3A_288 = tpu.vector_load %arg5[%swap3A_286, %swap3A_287] {strides = array<i32>} : memref<3x512xi32, #tpu.memory_space<vmem>>, vector<1x16xi32>,
    %swap3A_289 = vector.shape_cast %swap3A_288 : vector<1x16xi32> to vector<16xi32>
    %swap3A_290 = vector.shape_cast %add3A_284 : vector<16xi32> to vector<1x16xi32>
    tpu.vector_store %arg5[%swap3A_286, %swap3A_287], %swap3A_290 {strides = array<i32>} : memref<3x512xi32, #tpu.memory_space<vmem>>, vector<1x16xi32>,
    %add3A_291 = arith.constant 2000000 : i32
    %add3A_292 = vector.broadcast %add3A_291 : i32 to vector<16xi32>
    %add3A_293 = arith.addi %get3A_281, %add3A_292 : vector<16xi32>
    %swap3A_294 = arith.constant 2 : i32
    %swap3A_295 = arith.index_cast %swap3A_294 : i32 to index
    %swap3A_296 = arith.constant 192 : index
    %swap3A_297 = tpu.vector_load %arg5[%swap3A_295, %swap3A_296] {strides = array<i32>} : memref<3x512xi32, #tpu.memory_space<vmem>>, vector<1x16xi32>,
    %swap3A_298 = vector.shape_cast %swap3A_297 : vector<1x16xi32> to vector<16xi32>
    %swap3A_299 = vector.shape_cast %add3A_293 : vector<16xi32> to vector<1x16xi32>
    tpu.vector_store %arg5[%swap3A_295, %swap3A_296], %swap3A_299 {strides = array<i32>} : memref<3x512xi32, #tpu.memory_space<vmem>>, vector<1x16xi32>,
    %get3A_300 = arith.constant 0 : i32
    %get3A_301 = arith.index_cast %get3A_300 : i32 to index
    %get3A_302 = arith.constant 208 : index
    %get3A_303 = tpu.vector_load %arg5[%get3A_301, %get3A_302] {strides = array<i32>} : memref<3x512xi32, #tpu.memory_space<vmem>>, vector<1x16xi32>,
    %get3A_304 = vector.shape_cast %get3A_303 : vector<1x16xi32> to vector<16xi32>
    %add3A_305 = arith.constant 1000000 : i32
    %add3A_306 = vector.broadcast %add3A_305 : i32 to vector<16xi32>
    %add3A_307 = arith.addi %get3A_304, %add3A_306 : vector<16xi32>
    %swap3A_308 = arith.constant 1 : i32
    %swap3A_309 = arith.index_cast %swap3A_308 : i32 to index
    %swap3A_310 = arith.constant 208 : index
    %swap3A_311 = tpu.vector_load %arg5[%swap3A_309, %swap3A_310] {strides = array<i32>} : memref<3x512xi32, #tpu.memory_space<vmem>>, vector<1x16xi32>,
    %swap3A_312 = vector.shape_cast %swap3A_311 : vector<1x16xi32> to vector<16xi32>
    %swap3A_313 = vector.shape_cast %add3A_307 : vector<16xi32> to vector<1x16xi32>
    tpu.vector_store %arg5[%swap3A_309, %swap3A_310], %swap3A_313 {strides = array<i32>} : memref<3x512xi32, #tpu.memory_space<vmem>>, vector<1x16xi32>,
    %add3A_314 = arith.constant 2000000 : i32
    %add3A_315 = vector.broadcast %add3A_314 : i32 to vector<16xi32>
    %add3A_316 = arith.addi %get3A_304, %add3A_315 : vector<16xi32>
    %swap3A_317 = arith.constant 2 : i32
    %swap3A_318 = arith.index_cast %swap3A_317 : i32 to index
    %swap3A_319 = arith.constant 208 : index
    %swap3A_320 = tpu.vector_load %arg5[%swap3A_318, %swap3A_319] {strides = array<i32>} : memref<3x512xi32, #tpu.memory_space<vmem>>, vector<1x16xi32>,
    %swap3A_321 = vector.shape_cast %swap3A_320 : vector<1x16xi32> to vector<16xi32>
    %swap3A_322 = vector.shape_cast %add3A_316 : vector<16xi32> to vector<1x16xi32>
    tpu.vector_store %arg5[%swap3A_318, %swap3A_319], %swap3A_322 {strides = array<i32>} : memref<3x512xi32, #tpu.memory_space<vmem>>, vector<1x16xi32>,
    %get3A_323 = arith.constant 0 : i32
    %get3A_324 = arith.index_cast %get3A_323 : i32 to index
    %get3A_325 = arith.constant 224 : index
    %get3A_326 = tpu.vector_load %arg5[%get3A_324, %get3A_325] {strides = array<i32>} : memref<3x512xi32, #tpu.memory_space<vmem>>, vector<1x16xi32>,
    %get3A_327 = vector.shape_cast %get3A_326 : vector<1x16xi32> to vector<16xi32>
    %add3A_328 = arith.constant 1000000 : i32
    %add3A_329 = vector.broadcast %add3A_328 : i32 to vector<16xi32>
    %add3A_330 = arith.addi %get3A_327, %add3A_329 : vector<16xi32>
    %swap3A_331 = arith.constant 1 : i32
    %swap3A_332 = arith.index_cast %swap3A_331 : i32 to index
    %swap3A_333 = arith.constant 224 : index
    %swap3A_334 = tpu.vector_load %arg5[%swap3A_332, %swap3A_333] {strides = array<i32>} : memref<3x512xi32, #tpu.memory_space<vmem>>, vector<1x16xi32>,
    %swap3A_335 = vector.shape_cast %swap3A_334 : vector<1x16xi32> to vector<16xi32>
    %swap3A_336 = vector.shape_cast %add3A_330 : vector<16xi32> to vector<1x16xi32>
    tpu.vector_store %arg5[%swap3A_332, %swap3A_333], %swap3A_336 {strides = array<i32>} : memref<3x512xi32, #tpu.memory_space<vmem>>, vector<1x16xi32>,
    %add3A_337 = arith.constant 2000000 : i32
    %add3A_338 = vector.broadcast %add3A_337 : i32 to vector<16xi32>
    %add3A_339 = arith.addi %get3A_327, %add3A_338 : vector<16xi32>
    %swap3A_340 = arith.constant 2 : i32
    %swap3A_341 = arith.index_cast %swap3A_340 : i32 to index
    %swap3A_342 = arith.constant 224 : index
    %swap3A_343 = tpu.vector_load %arg5[%swap3A_341, %swap3A_342] {strides = array<i32>} : memref<3x512xi32, #tpu.memory_space<vmem>>, vector<1x16xi32>,
    %swap3A_344 = vector.shape_cast %swap3A_343 : vector<1x16xi32> to vector<16xi32>
    %swap3A_345 = vector.shape_cast %add3A_339 : vector<16xi32> to vector<1x16xi32>
    tpu.vector_store %arg5[%swap3A_341, %swap3A_342], %swap3A_345 {strides = array<i32>} : memref<3x512xi32, #tpu.memory_space<vmem>>, vector<1x16xi32>,
    %get3A_346 = arith.constant 0 : i32
    %get3A_347 = arith.index_cast %get3A_346 : i32 to index
    %get3A_348 = arith.constant 240 : index
    %get3A_349 = tpu.vector_load %arg5[%get3A_347, %get3A_348] {strides = array<i32>} : memref<3x512xi32, #tpu.memory_space<vmem>>, vector<1x16xi32>,
    %get3A_350 = vector.shape_cast %get3A_349 : vector<1x16xi32> to vector<16xi32>
    %add3A_351 = arith.constant 1000000 : i32
    %add3A_352 = vector.broadcast %add3A_351 : i32 to vector<16xi32>
    %add3A_353 = arith.addi %get3A_350, %add3A_352 : vector<16xi32>
    %swap3A_354 = arith.constant 1 : i32
    %swap3A_355 = arith.index_cast %swap3A_354 : i32 to index
    %swap3A_356 = arith.constant 240 : index
    %swap3A_357 = tpu.vector_load %arg5[%swap3A_355, %swap3A_356] {strides = array<i32>} : memref<3x512xi32, #tpu.memory_space<vmem>>, vector<1x16xi32>,
    %swap3A_358 = vector.shape_cast %swap3A_357 : vector<1x16xi32> to vector<16xi32>
    %swap3A_359 = vector.shape_cast %add3A_353 : vector<16xi32> to vector<1x16xi32>
    tpu.vector_store %arg5[%swap3A_355, %swap3A_356], %swap3A_359 {strides = array<i32>} : memref<3x512xi32, #tpu.memory_space<vmem>>, vector<1x16xi32>,
    %add3A_360 = arith.constant 2000000 : i32
    %add3A_361 = vector.broadcast %add3A_360 : i32 to vector<16xi32>
    %add3A_362 = arith.addi %get3A_350, %add3A_361 : vector<16xi32>
    %swap3A_363 = arith.constant 2 : i32
    %swap3A_364 = arith.index_cast %swap3A_363 : i32 to index
    %swap3A_365 = arith.constant 240 : index
    %swap3A_366 = tpu.vector_load %arg5[%swap3A_364, %swap3A_365] {strides = array<i32>} : memref<3x512xi32, #tpu.memory_space<vmem>>, vector<1x16xi32>,
    %swap3A_367 = vector.shape_cast %swap3A_366 : vector<1x16xi32> to vector<16xi32>
    %swap3A_368 = vector.shape_cast %add3A_362 : vector<16xi32> to vector<1x16xi32>
    tpu.vector_store %arg5[%swap3A_364, %swap3A_365], %swap3A_368 {strides = array<i32>} : memref<3x512xi32, #tpu.memory_space<vmem>>, vector<1x16xi32>,
    %get3A_369 = arith.constant 0 : i32
    %get3A_370 = arith.index_cast %get3A_369 : i32 to index
    %get3A_371 = arith.constant 256 : index
    %get3A_372 = tpu.vector_load %arg5[%get3A_370, %get3A_371] {strides = array<i32>} : memref<3x512xi32, #tpu.memory_space<vmem>>, vector<1x16xi32>,
    %get3A_373 = vector.shape_cast %get3A_372 : vector<1x16xi32> to vector<16xi32>
    %add3A_374 = arith.constant 1000000 : i32
    %add3A_375 = vector.broadcast %add3A_374 : i32 to vector<16xi32>
    %add3A_376 = arith.addi %get3A_373, %add3A_375 : vector<16xi32>
    %swap3A_377 = arith.constant 1 : i32
    %swap3A_378 = arith.index_cast %swap3A_377 : i32 to index
    %swap3A_379 = arith.constant 256 : index
    %swap3A_380 = tpu.vector_load %arg5[%swap3A_378, %swap3A_379] {strides = array<i32>} : memref<3x512xi32, #tpu.memory_space<vmem>>, vector<1x16xi32>,
    %swap3A_381 = vector.shape_cast %swap3A_380 : vector<1x16xi32> to vector<16xi32>
    %swap3A_382 = vector.shape_cast %add3A_376 : vector<16xi32> to vector<1x16xi32>
    tpu.vector_store %arg5[%swap3A_378, %swap3A_379], %swap3A_382 {strides = array<i32>} : memref<3x512xi32, #tpu.memory_space<vmem>>, vector<1x16xi32>,
    %add3A_383 = arith.constant 2000000 : i32
    %add3A_384 = vector.broadcast %add3A_383 : i32 to vector<16xi32>
    %add3A_385 = arith.addi %get3A_373, %add3A_384 : vector<16xi32>
    %swap3A_386 = arith.constant 2 : i32
    %swap3A_387 = arith.index_cast %swap3A_386 : i32 to index
    %swap3A_388 = arith.constant 256 : index
    %swap3A_389 = tpu.vector_load %arg5[%swap3A_387, %swap3A_388] {strides = array<i32>} : memref<3x512xi32, #tpu.memory_space<vmem>>, vector<1x16xi32>,
    %swap3A_390 = vector.shape_cast %swap3A_389 : vector<1x16xi32> to vector<16xi32>
    %swap3A_391 = vector.shape_cast %add3A_385 : vector<16xi32> to vector<1x16xi32>
    tpu.vector_store %arg5[%swap3A_387, %swap3A_388], %swap3A_391 {strides = array<i32>} : memref<3x512xi32, #tpu.memory_space<vmem>>, vector<1x16xi32>,
    %get3A_392 = arith.constant 0 : i32
    %get3A_393 = arith.index_cast %get3A_392 : i32 to index
    %get3A_394 = arith.constant 272 : index
    %get3A_395 = tpu.vector_load %arg5[%get3A_393, %get3A_394] {strides = array<i32>} : memref<3x512xi32, #tpu.memory_space<vmem>>, vector<1x16xi32>,
    %get3A_396 = vector.shape_cast %get3A_395 : vector<1x16xi32> to vector<16xi32>
    %add3A_397 = arith.constant 1000000 : i32
    %add3A_398 = vector.broadcast %add3A_397 : i32 to vector<16xi32>
    %add3A_399 = arith.addi %get3A_396, %add3A_398 : vector<16xi32>
    %swap3A_400 = arith.constant 1 : i32
    %swap3A_401 = arith.index_cast %swap3A_400 : i32 to index
    %swap3A_402 = arith.constant 272 : index
    %swap3A_403 = tpu.vector_load %arg5[%swap3A_401, %swap3A_402] {strides = array<i32>} : memref<3x512xi32, #tpu.memory_space<vmem>>, vector<1x16xi32>,
    %swap3A_404 = vector.shape_cast %swap3A_403 : vector<1x16xi32> to vector<16xi32>
    %swap3A_405 = vector.shape_cast %add3A_399 : vector<16xi32> to vector<1x16xi32>
    tpu.vector_store %arg5[%swap3A_401, %swap3A_402], %swap3A_405 {strides = array<i32>} : memref<3x512xi32, #tpu.memory_space<vmem>>, vector<1x16xi32>,
    %add3A_406 = arith.constant 2000000 : i32
    %add3A_407 = vector.broadcast %add3A_406 : i32 to vector<16xi32>
    %add3A_408 = arith.addi %get3A_396, %add3A_407 : vector<16xi32>
    %swap3A_409 = arith.constant 2 : i32
    %swap3A_410 = arith.index_cast %swap3A_409 : i32 to index
    %swap3A_411 = arith.constant 272 : index
    %swap3A_412 = tpu.vector_load %arg5[%swap3A_410, %swap3A_411] {strides = array<i32>} : memref<3x512xi32, #tpu.memory_space<vmem>>, vector<1x16xi32>,
    %swap3A_413 = vector.shape_cast %swap3A_412 : vector<1x16xi32> to vector<16xi32>
    %swap3A_414 = vector.shape_cast %add3A_408 : vector<16xi32> to vector<1x16xi32>
    tpu.vector_store %arg5[%swap3A_410, %swap3A_411], %swap3A_414 {strides = array<i32>} : memref<3x512xi32, #tpu.memory_space<vmem>>, vector<1x16xi32>,
    %get3A_415 = arith.constant 0 : i32
    %get3A_416 = arith.index_cast %get3A_415 : i32 to index
    %get3A_417 = arith.constant 288 : index
    %get3A_418 = tpu.vector_load %arg5[%get3A_416, %get3A_417] {strides = array<i32>} : memref<3x512xi32, #tpu.memory_space<vmem>>, vector<1x16xi32>,
    %get3A_419 = vector.shape_cast %get3A_418 : vector<1x16xi32> to vector<16xi32>
    %add3A_420 = arith.constant 1000000 : i32
    %add3A_421 = vector.broadcast %add3A_420 : i32 to vector<16xi32>
    %add3A_422 = arith.addi %get3A_419, %add3A_421 : vector<16xi32>
    %swap3A_423 = arith.constant 1 : i32
    %swap3A_424 = arith.index_cast %swap3A_423 : i32 to index
    %swap3A_425 = arith.constant 288 : index
    %swap3A_426 = tpu.vector_load %arg5[%swap3A_424, %swap3A_425] {strides = array<i32>} : memref<3x512xi32, #tpu.memory_space<vmem>>, vector<1x16xi32>,
    %swap3A_427 = vector.shape_cast %swap3A_426 : vector<1x16xi32> to vector<16xi32>
    %swap3A_428 = vector.shape_cast %add3A_422 : vector<16xi32> to vector<1x16xi32>
    tpu.vector_store %arg5[%swap3A_424, %swap3A_425], %swap3A_428 {strides = array<i32>} : memref<3x512xi32, #tpu.memory_space<vmem>>, vector<1x16xi32>,
    %add3A_429 = arith.constant 2000000 : i32
    %add3A_430 = vector.broadcast %add3A_429 : i32 to vector<16xi32>
    %add3A_431 = arith.addi %get3A_419, %add3A_430 : vector<16xi32>
    %swap3A_432 = arith.constant 2 : i32
    %swap3A_433 = arith.index_cast %swap3A_432 : i32 to index
    %swap3A_434 = arith.constant 288 : index
    %swap3A_435 = tpu.vector_load %arg5[%swap3A_433, %swap3A_434] {strides = array<i32>} : memref<3x512xi32, #tpu.memory_space<vmem>>, vector<1x16xi32>,
    %swap3A_436 = vector.shape_cast %swap3A_435 : vector<1x16xi32> to vector<16xi32>
    %swap3A_437 = vector.shape_cast %add3A_431 : vector<16xi32> to vector<1x16xi32>
    tpu.vector_store %arg5[%swap3A_433, %swap3A_434], %swap3A_437 {strides = array<i32>} : memref<3x512xi32, #tpu.memory_space<vmem>>, vector<1x16xi32>,
    %get3A_438 = arith.constant 0 : i32
    %get3A_439 = arith.index_cast %get3A_438 : i32 to index
    %get3A_440 = arith.constant 304 : index
    %get3A_441 = tpu.vector_load %arg5[%get3A_439, %get3A_440] {strides = array<i32>} : memref<3x512xi32, #tpu.memory_space<vmem>>, vector<1x16xi32>,
    %get3A_442 = vector.shape_cast %get3A_441 : vector<1x16xi32> to vector<16xi32>
    %add3A_443 = arith.constant 1000000 : i32
    %add3A_444 = vector.broadcast %add3A_443 : i32 to vector<16xi32>
    %add3A_445 = arith.addi %get3A_442, %add3A_444 : vector<16xi32>
    %swap3A_446 = arith.constant 1 : i32
    %swap3A_447 = arith.index_cast %swap3A_446 : i32 to index
    %swap3A_448 = arith.constant 304 : index
    %swap3A_449 = tpu.vector_load %arg5[%swap3A_447, %swap3A_448] {strides = array<i32>} : memref<3x512xi32, #tpu.memory_space<vmem>>, vector<1x16xi32>,
    %swap3A_450 = vector.shape_cast %swap3A_449 : vector<1x16xi32> to vector<16xi32>
    %swap3A_451 = vector.shape_cast %add3A_445 : vector<16xi32> to vector<1x16xi32>
    tpu.vector_store %arg5[%swap3A_447, %swap3A_448], %swap3A_451 {strides = array<i32>} : memref<3x512xi32, #tpu.memory_space<vmem>>, vector<1x16xi32>,
    %add3A_452 = arith.constant 2000000 : i32
    %add3A_453 = vector.broadcast %add3A_452 : i32 to vector<16xi32>
    %add3A_454 = arith.addi %get3A_442, %add3A_453 : vector<16xi32>
    %swap3A_455 = arith.constant 2 : i32
    %swap3A_456 = arith.index_cast %swap3A_455 : i32 to index
    %swap3A_457 = arith.constant 304 : index
    %swap3A_458 = tpu.vector_load %arg5[%swap3A_456, %swap3A_457] {strides = array<i32>} : memref<3x512xi32, #tpu.memory_space<vmem>>, vector<1x16xi32>,
    %swap3A_459 = vector.shape_cast %swap3A_458 : vector<1x16xi32> to vector<16xi32>
    %swap3A_460 = vector.shape_cast %add3A_454 : vector<16xi32> to vector<1x16xi32>
    tpu.vector_store %arg5[%swap3A_456, %swap3A_457], %swap3A_460 {strides = array<i32>} : memref<3x512xi32, #tpu.memory_space<vmem>>, vector<1x16xi32>,
    %get3A_461 = arith.constant 0 : i32
    %get3A_462 = arith.index_cast %get3A_461 : i32 to index
    %get3A_463 = arith.constant 320 : index
    %get3A_464 = tpu.vector_load %arg5[%get3A_462, %get3A_463] {strides = array<i32>} : memref<3x512xi32, #tpu.memory_space<vmem>>, vector<1x16xi32>,
    %get3A_465 = vector.shape_cast %get3A_464 : vector<1x16xi32> to vector<16xi32>
    %add3A_466 = arith.constant 1000000 : i32
    %add3A_467 = vector.broadcast %add3A_466 : i32 to vector<16xi32>
    %add3A_468 = arith.addi %get3A_465, %add3A_467 : vector<16xi32>
    %swap3A_469 = arith.constant 1 : i32
    %swap3A_470 = arith.index_cast %swap3A_469 : i32 to index
    %swap3A_471 = arith.constant 320 : index
    %swap3A_472 = tpu.vector_load %arg5[%swap3A_470, %swap3A_471] {strides = array<i32>} : memref<3x512xi32, #tpu.memory_space<vmem>>, vector<1x16xi32>,
    %swap3A_473 = vector.shape_cast %swap3A_472 : vector<1x16xi32> to vector<16xi32>
    %swap3A_474 = vector.shape_cast %add3A_468 : vector<16xi32> to vector<1x16xi32>
    tpu.vector_store %arg5[%swap3A_470, %swap3A_471], %swap3A_474 {strides = array<i32>} : memref<3x512xi32, #tpu.memory_space<vmem>>, vector<1x16xi32>,
    %add3A_475 = arith.constant 2000000 : i32
    %add3A_476 = vector.broadcast %add3A_475 : i32 to vector<16xi32>
    %add3A_477 = arith.addi %get3A_465, %add3A_476 : vector<16xi32>
    %swap3A_478 = arith.constant 2 : i32
    %swap3A_479 = arith.index_cast %swap3A_478 : i32 to index
    %swap3A_480 = arith.constant 320 : index
    %swap3A_481 = tpu.vector_load %arg5[%swap3A_479, %swap3A_480] {strides = array<i32>} : memref<3x512xi32, #tpu.memory_space<vmem>>, vector<1x16xi32>,
    %swap3A_482 = vector.shape_cast %swap3A_481 : vector<1x16xi32> to vector<16xi32>
    %swap3A_483 = vector.shape_cast %add3A_477 : vector<16xi32> to vector<1x16xi32>
    tpu.vector_store %arg5[%swap3A_479, %swap3A_480], %swap3A_483 {strides = array<i32>} : memref<3x512xi32, #tpu.memory_space<vmem>>, vector<1x16xi32>,
    %get3A_484 = arith.constant 0 : i32
    %get3A_485 = arith.index_cast %get3A_484 : i32 to index
    %get3A_486 = arith.constant 336 : index
    %get3A_487 = tpu.vector_load %arg5[%get3A_485, %get3A_486] {strides = array<i32>} : memref<3x512xi32, #tpu.memory_space<vmem>>, vector<1x16xi32>,
    %get3A_488 = vector.shape_cast %get3A_487 : vector<1x16xi32> to vector<16xi32>
    %add3A_489 = arith.constant 1000000 : i32
    %add3A_490 = vector.broadcast %add3A_489 : i32 to vector<16xi32>
    %add3A_491 = arith.addi %get3A_488, %add3A_490 : vector<16xi32>
    %swap3A_492 = arith.constant 1 : i32
    %swap3A_493 = arith.index_cast %swap3A_492 : i32 to index
    %swap3A_494 = arith.constant 336 : index
    %swap3A_495 = tpu.vector_load %arg5[%swap3A_493, %swap3A_494] {strides = array<i32>} : memref<3x512xi32, #tpu.memory_space<vmem>>, vector<1x16xi32>,
    %swap3A_496 = vector.shape_cast %swap3A_495 : vector<1x16xi32> to vector<16xi32>
    %swap3A_497 = vector.shape_cast %add3A_491 : vector<16xi32> to vector<1x16xi32>
    tpu.vector_store %arg5[%swap3A_493, %swap3A_494], %swap3A_497 {strides = array<i32>} : memref<3x512xi32, #tpu.memory_space<vmem>>, vector<1x16xi32>,
    %add3A_498 = arith.constant 2000000 : i32
    %add3A_499 = vector.broadcast %add3A_498 : i32 to vector<16xi32>
    %add3A_500 = arith.addi %get3A_488, %add3A_499 : vector<16xi32>
    %swap3A_501 = arith.constant 2 : i32
    %swap3A_502 = arith.index_cast %swap3A_501 : i32 to index
    %swap3A_503 = arith.constant 336 : index
    %swap3A_504 = tpu.vector_load %arg5[%swap3A_502, %swap3A_503] {strides = array<i32>} : memref<3x512xi32, #tpu.memory_space<vmem>>, vector<1x16xi32>,
    %swap3A_505 = vector.shape_cast %swap3A_504 : vector<1x16xi32> to vector<16xi32>
    %swap3A_506 = vector.shape_cast %add3A_500 : vector<16xi32> to vector<1x16xi32>
    tpu.vector_store %arg5[%swap3A_502, %swap3A_503], %swap3A_506 {strides = array<i32>} : memref<3x512xi32, #tpu.memory_space<vmem>>, vector<1x16xi32>,
    %get3A_507 = arith.constant 0 : i32
    %get3A_508 = arith.index_cast %get3A_507 : i32 to index
    %get3A_509 = arith.constant 352 : index
    %get3A_510 = tpu.vector_load %arg5[%get3A_508, %get3A_509] {strides = array<i32>} : memref<3x512xi32, #tpu.memory_space<vmem>>, vector<1x16xi32>,
    %get3A_511 = vector.shape_cast %get3A_510 : vector<1x16xi32> to vector<16xi32>
    %add3A_512 = arith.constant 1000000 : i32
    %add3A_513 = vector.broadcast %add3A_512 : i32 to vector<16xi32>
    %add3A_514 = arith.addi %get3A_511, %add3A_513 : vector<16xi32>
    %swap3A_515 = arith.constant 1 : i32
    %swap3A_516 = arith.index_cast %swap3A_515 : i32 to index
    %swap3A_517 = arith.constant 352 : index
    %swap3A_518 = tpu.vector_load %arg5[%swap3A_516, %swap3A_517] {strides = array<i32>} : memref<3x512xi32, #tpu.memory_space<vmem>>, vector<1x16xi32>,
    %swap3A_519 = vector.shape_cast %swap3A_518 : vector<1x16xi32> to vector<16xi32>
    %swap3A_520 = vector.shape_cast %add3A_514 : vector<16xi32> to vector<1x16xi32>
    tpu.vector_store %arg5[%swap3A_516, %swap3A_517], %swap3A_520 {strides = array<i32>} : memref<3x512xi32, #tpu.memory_space<vmem>>, vector<1x16xi32>,
    %add3A_521 = arith.constant 2000000 : i32
    %add3A_522 = vector.broadcast %add3A_521 : i32 to vector<16xi32>
    %add3A_523 = arith.addi %get3A_511, %add3A_522 : vector<16xi32>
    %swap3A_524 = arith.constant 2 : i32
    %swap3A_525 = arith.index_cast %swap3A_524 : i32 to index
    %swap3A_526 = arith.constant 352 : index
    %swap3A_527 = tpu.vector_load %arg5[%swap3A_525, %swap3A_526] {strides = array<i32>} : memref<3x512xi32, #tpu.memory_space<vmem>>, vector<1x16xi32>,
    %swap3A_528 = vector.shape_cast %swap3A_527 : vector<1x16xi32> to vector<16xi32>
    %swap3A_529 = vector.shape_cast %add3A_523 : vector<16xi32> to vector<1x16xi32>
    tpu.vector_store %arg5[%swap3A_525, %swap3A_526], %swap3A_529 {strides = array<i32>} : memref<3x512xi32, #tpu.memory_space<vmem>>, vector<1x16xi32>,
    %get3A_530 = arith.constant 0 : i32
    %get3A_531 = arith.index_cast %get3A_530 : i32 to index
    %get3A_532 = arith.constant 368 : index
    %get3A_533 = tpu.vector_load %arg5[%get3A_531, %get3A_532] {strides = array<i32>} : memref<3x512xi32, #tpu.memory_space<vmem>>, vector<1x16xi32>,
    %get3A_534 = vector.shape_cast %get3A_533 : vector<1x16xi32> to vector<16xi32>
    %add3A_535 = arith.constant 1000000 : i32
    %add3A_536 = vector.broadcast %add3A_535 : i32 to vector<16xi32>
    %add3A_537 = arith.addi %get3A_534, %add3A_536 : vector<16xi32>
    %swap3A_538 = arith.constant 1 : i32
    %swap3A_539 = arith.index_cast %swap3A_538 : i32 to index
    %swap3A_540 = arith.constant 368 : index
    %swap3A_541 = tpu.vector_load %arg5[%swap3A_539, %swap3A_540] {strides = array<i32>} : memref<3x512xi32, #tpu.memory_space<vmem>>, vector<1x16xi32>,
    %swap3A_542 = vector.shape_cast %swap3A_541 : vector<1x16xi32> to vector<16xi32>
    %swap3A_543 = vector.shape_cast %add3A_537 : vector<16xi32> to vector<1x16xi32>
    tpu.vector_store %arg5[%swap3A_539, %swap3A_540], %swap3A_543 {strides = array<i32>} : memref<3x512xi32, #tpu.memory_space<vmem>>, vector<1x16xi32>,
    %add3A_544 = arith.constant 2000000 : i32
    %add3A_545 = vector.broadcast %add3A_544 : i32 to vector<16xi32>
    %add3A_546 = arith.addi %get3A_534, %add3A_545 : vector<16xi32>
    %swap3A_547 = arith.constant 2 : i32
    %swap3A_548 = arith.index_cast %swap3A_547 : i32 to index
    %swap3A_549 = arith.constant 368 : index
    %swap3A_550 = tpu.vector_load %arg5[%swap3A_548, %swap3A_549] {strides = array<i32>} : memref<3x512xi32, #tpu.memory_space<vmem>>, vector<1x16xi32>,
    %swap3A_551 = vector.shape_cast %swap3A_550 : vector<1x16xi32> to vector<16xi32>
    %swap3A_552 = vector.shape_cast %add3A_546 : vector<16xi32> to vector<1x16xi32>
    tpu.vector_store %arg5[%swap3A_548, %swap3A_549], %swap3A_552 {strides = array<i32>} : memref<3x512xi32, #tpu.memory_space<vmem>>, vector<1x16xi32>,
    %get3A_553 = arith.constant 0 : i32
    %get3A_554 = arith.index_cast %get3A_553 : i32 to index
    %get3A_555 = arith.constant 384 : index
    %get3A_556 = tpu.vector_load %arg5[%get3A_554, %get3A_555] {strides = array<i32>} : memref<3x512xi32, #tpu.memory_space<vmem>>, vector<1x16xi32>,
    %get3A_557 = vector.shape_cast %get3A_556 : vector<1x16xi32> to vector<16xi32>
    %add3A_558 = arith.constant 1000000 : i32
    %add3A_559 = vector.broadcast %add3A_558 : i32 to vector<16xi32>
    %add3A_560 = arith.addi %get3A_557, %add3A_559 : vector<16xi32>
    %swap3A_561 = arith.constant 1 : i32
    %swap3A_562 = arith.index_cast %swap3A_561 : i32 to index
    %swap3A_563 = arith.constant 384 : index
    %swap3A_564 = tpu.vector_load %arg5[%swap3A_562, %swap3A_563] {strides = array<i32>} : memref<3x512xi32, #tpu.memory_space<vmem>>, vector<1x16xi32>,
    %swap3A_565 = vector.shape_cast %swap3A_564 : vector<1x16xi32> to vector<16xi32>
    %swap3A_566 = vector.shape_cast %add3A_560 : vector<16xi32> to vector<1x16xi32>
    tpu.vector_store %arg5[%swap3A_562, %swap3A_563], %swap3A_566 {strides = array<i32>} : memref<3x512xi32, #tpu.memory_space<vmem>>, vector<1x16xi32>,
    %add3A_567 = arith.constant 2000000 : i32
    %add3A_568 = vector.broadcast %add3A_567 : i32 to vector<16xi32>
    %add3A_569 = arith.addi %get3A_557, %add3A_568 : vector<16xi32>
    %swap3A_570 = arith.constant 2 : i32
    %swap3A_571 = arith.index_cast %swap3A_570 : i32 to index
    %swap3A_572 = arith.constant 384 : index
    %swap3A_573 = tpu.vector_load %arg5[%swap3A_571, %swap3A_572] {strides = array<i32>} : memref<3x512xi32, #tpu.memory_space<vmem>>, vector<1x16xi32>,
    %swap3A_574 = vector.shape_cast %swap3A_573 : vector<1x16xi32> to vector<16xi32>
    %swap3A_575 = vector.shape_cast %add3A_569 : vector<16xi32> to vector<1x16xi32>
    tpu.vector_store %arg5[%swap3A_571, %swap3A_572], %swap3A_575 {strides = array<i32>} : memref<3x512xi32, #tpu.memory_space<vmem>>, vector<1x16xi32>,
    %get3A_576 = arith.constant 0 : i32
    %get3A_577 = arith.index_cast %get3A_576 : i32 to index
    %get3A_578 = arith.constant 400 : index
    %get3A_579 = tpu.vector_load %arg5[%get3A_577, %get3A_578] {strides = array<i32>} : memref<3x512xi32, #tpu.memory_space<vmem>>, vector<1x16xi32>,
    %get3A_580 = vector.shape_cast %get3A_579 : vector<1x16xi32> to vector<16xi32>
    %add3A_581 = arith.constant 1000000 : i32
    %add3A_582 = vector.broadcast %add3A_581 : i32 to vector<16xi32>
    %add3A_583 = arith.addi %get3A_580, %add3A_582 : vector<16xi32>
    %swap3A_584 = arith.constant 1 : i32
    %swap3A_585 = arith.index_cast %swap3A_584 : i32 to index
    %swap3A_586 = arith.constant 400 : index
    %swap3A_587 = tpu.vector_load %arg5[%swap3A_585, %swap3A_586] {strides = array<i32>} : memref<3x512xi32, #tpu.memory_space<vmem>>, vector<1x16xi32>,
    %swap3A_588 = vector.shape_cast %swap3A_587 : vector<1x16xi32> to vector<16xi32>
    %swap3A_589 = vector.shape_cast %add3A_583 : vector<16xi32> to vector<1x16xi32>
    tpu.vector_store %arg5[%swap3A_585, %swap3A_586], %swap3A_589 {strides = array<i32>} : memref<3x512xi32, #tpu.memory_space<vmem>>, vector<1x16xi32>,
    %add3A_590 = arith.constant 2000000 : i32
    %add3A_591 = vector.broadcast %add3A_590 : i32 to vector<16xi32>
    %add3A_592 = arith.addi %get3A_580, %add3A_591 : vector<16xi32>
    %swap3A_593 = arith.constant 2 : i32
    %swap3A_594 = arith.index_cast %swap3A_593 : i32 to index
    %swap3A_595 = arith.constant 400 : index
    %swap3A_596 = tpu.vector_load %arg5[%swap3A_594, %swap3A_595] {strides = array<i32>} : memref<3x512xi32, #tpu.memory_space<vmem>>, vector<1x16xi32>,
    %swap3A_597 = vector.shape_cast %swap3A_596 : vector<1x16xi32> to vector<16xi32>
    %swap3A_598 = vector.shape_cast %add3A_592 : vector<16xi32> to vector<1x16xi32>
    tpu.vector_store %arg5[%swap3A_594, %swap3A_595], %swap3A_598 {strides = array<i32>} : memref<3x512xi32, #tpu.memory_space<vmem>>, vector<1x16xi32>,
    %get3A_599 = arith.constant 0 : i32
    %get3A_600 = arith.index_cast %get3A_599 : i32 to index
    %get3A_601 = arith.constant 416 : index
    %get3A_602 = tpu.vector_load %arg5[%get3A_600, %get3A_601] {strides = array<i32>} : memref<3x512xi32, #tpu.memory_space<vmem>>, vector<1x16xi32>,
    %get3A_603 = vector.shape_cast %get3A_602 : vector<1x16xi32> to vector<16xi32>
    %add3A_604 = arith.constant 1000000 : i32
    %add3A_605 = vector.broadcast %add3A_604 : i32 to vector<16xi32>
    %add3A_606 = arith.addi %get3A_603, %add3A_605 : vector<16xi32>
    %swap3A_607 = arith.constant 1 : i32
    %swap3A_608 = arith.index_cast %swap3A_607 : i32 to index
    %swap3A_609 = arith.constant 416 : index
    %swap3A_610 = tpu.vector_load %arg5[%swap3A_608, %swap3A_609] {strides = array<i32>} : memref<3x512xi32, #tpu.memory_space<vmem>>, vector<1x16xi32>,
    %swap3A_611 = vector.shape_cast %swap3A_610 : vector<1x16xi32> to vector<16xi32>
    %swap3A_612 = vector.shape_cast %add3A_606 : vector<16xi32> to vector<1x16xi32>
    tpu.vector_store %arg5[%swap3A_608, %swap3A_609], %swap3A_612 {strides = array<i32>} : memref<3x512xi32, #tpu.memory_space<vmem>>, vector<1x16xi32>,
    %add3A_613 = arith.constant 2000000 : i32
    %add3A_614 = vector.broadcast %add3A_613 : i32 to vector<16xi32>
    %add3A_615 = arith.addi %get3A_603, %add3A_614 : vector<16xi32>
    %swap3A_616 = arith.constant 2 : i32
    %swap3A_617 = arith.index_cast %swap3A_616 : i32 to index
    %swap3A_618 = arith.constant 416 : index
    %swap3A_619 = tpu.vector_load %arg5[%swap3A_617, %swap3A_618] {strides = array<i32>} : memref<3x512xi32, #tpu.memory_space<vmem>>, vector<1x16xi32>,
    %swap3A_620 = vector.shape_cast %swap3A_619 : vector<1x16xi32> to vector<16xi32>
    %swap3A_621 = vector.shape_cast %add3A_615 : vector<16xi32> to vector<1x16xi32>
    tpu.vector_store %arg5[%swap3A_617, %swap3A_618], %swap3A_621 {strides = array<i32>} : memref<3x512xi32, #tpu.memory_space<vmem>>, vector<1x16xi32>,
    %get3A_622 = arith.constant 0 : i32
    %get3A_623 = arith.index_cast %get3A_622 : i32 to index
    %get3A_624 = arith.constant 432 : index
    %get3A_625 = tpu.vector_load %arg5[%get3A_623, %get3A_624] {strides = array<i32>} : memref<3x512xi32, #tpu.memory_space<vmem>>, vector<1x16xi32>,
    %get3A_626 = vector.shape_cast %get3A_625 : vector<1x16xi32> to vector<16xi32>
    %add3A_627 = arith.constant 1000000 : i32
    %add3A_628 = vector.broadcast %add3A_627 : i32 to vector<16xi32>
    %add3A_629 = arith.addi %get3A_626, %add3A_628 : vector<16xi32>
    %swap3A_630 = arith.constant 1 : i32
    %swap3A_631 = arith.index_cast %swap3A_630 : i32 to index
    %swap3A_632 = arith.constant 432 : index
    %swap3A_633 = tpu.vector_load %arg5[%swap3A_631, %swap3A_632] {strides = array<i32>} : memref<3x512xi32, #tpu.memory_space<vmem>>, vector<1x16xi32>,
    %swap3A_634 = vector.shape_cast %swap3A_633 : vector<1x16xi32> to vector<16xi32>
    %swap3A_635 = vector.shape_cast %add3A_629 : vector<16xi32> to vector<1x16xi32>
    tpu.vector_store %arg5[%swap3A_631, %swap3A_632], %swap3A_635 {strides = array<i32>} : memref<3x512xi32, #tpu.memory_space<vmem>>, vector<1x16xi32>,
    %add3A_636 = arith.constant 2000000 : i32
    %add3A_637 = vector.broadcast %add3A_636 : i32 to vector<16xi32>
    %add3A_638 = arith.addi %get3A_626, %add3A_637 : vector<16xi32>
    %swap3A_639 = arith.constant 2 : i32
    %swap3A_640 = arith.index_cast %swap3A_639 : i32 to index
    %swap3A_641 = arith.constant 432 : index
    %swap3A_642 = tpu.vector_load %arg5[%swap3A_640, %swap3A_641] {strides = array<i32>} : memref<3x512xi32, #tpu.memory_space<vmem>>, vector<1x16xi32>,
    %swap3A_643 = vector.shape_cast %swap3A_642 : vector<1x16xi32> to vector<16xi32>
    %swap3A_644 = vector.shape_cast %add3A_638 : vector<16xi32> to vector<1x16xi32>
    tpu.vector_store %arg5[%swap3A_640, %swap3A_641], %swap3A_644 {strides = array<i32>} : memref<3x512xi32, #tpu.memory_space<vmem>>, vector<1x16xi32>,
    %get3A_645 = arith.constant 0 : i32
    %get3A_646 = arith.index_cast %get3A_645 : i32 to index
    %get3A_647 = arith.constant 448 : index
    %get3A_648 = tpu.vector_load %arg5[%get3A_646, %get3A_647] {strides = array<i32>} : memref<3x512xi32, #tpu.memory_space<vmem>>, vector<1x16xi32>,
    %get3A_649 = vector.shape_cast %get3A_648 : vector<1x16xi32> to vector<16xi32>
    %add3A_650 = arith.constant 1000000 : i32
    %add3A_651 = vector.broadcast %add3A_650 : i32 to vector<16xi32>
    %add3A_652 = arith.addi %get3A_649, %add3A_651 : vector<16xi32>
    %swap3A_653 = arith.constant 1 : i32
    %swap3A_654 = arith.index_cast %swap3A_653 : i32 to index
    %swap3A_655 = arith.constant 448 : index
    %swap3A_656 = tpu.vector_load %arg5[%swap3A_654, %swap3A_655] {strides = array<i32>} : memref<3x512xi32, #tpu.memory_space<vmem>>, vector<1x16xi32>,
    %swap3A_657 = vector.shape_cast %swap3A_656 : vector<1x16xi32> to vector<16xi32>
    %swap3A_658 = vector.shape_cast %add3A_652 : vector<16xi32> to vector<1x16xi32>
    tpu.vector_store %arg5[%swap3A_654, %swap3A_655], %swap3A_658 {strides = array<i32>} : memref<3x512xi32, #tpu.memory_space<vmem>>, vector<1x16xi32>,
    %add3A_659 = arith.constant 2000000 : i32
    %add3A_660 = vector.broadcast %add3A_659 : i32 to vector<16xi32>
    %add3A_661 = arith.addi %get3A_649, %add3A_660 : vector<16xi32>
    %swap3A_662 = arith.constant 2 : i32
    %swap3A_663 = arith.index_cast %swap3A_662 : i32 to index
    %swap3A_664 = arith.constant 448 : index
    %swap3A_665 = tpu.vector_load %arg5[%swap3A_663, %swap3A_664] {strides = array<i32>} : memref<3x512xi32, #tpu.memory_space<vmem>>, vector<1x16xi32>,
    %swap3A_666 = vector.shape_cast %swap3A_665 : vector<1x16xi32> to vector<16xi32>
    %swap3A_667 = vector.shape_cast %add3A_661 : vector<16xi32> to vector<1x16xi32>
    tpu.vector_store %arg5[%swap3A_663, %swap3A_664], %swap3A_667 {strides = array<i32>} : memref<3x512xi32, #tpu.memory_space<vmem>>, vector<1x16xi32>,
    %get3A_668 = arith.constant 0 : i32
    %get3A_669 = arith.index_cast %get3A_668 : i32 to index
    %get3A_670 = arith.constant 464 : index
    %get3A_671 = tpu.vector_load %arg5[%get3A_669, %get3A_670] {strides = array<i32>} : memref<3x512xi32, #tpu.memory_space<vmem>>, vector<1x16xi32>,
    %get3A_672 = vector.shape_cast %get3A_671 : vector<1x16xi32> to vector<16xi32>
    %add3A_673 = arith.constant 1000000 : i32
    %add3A_674 = vector.broadcast %add3A_673 : i32 to vector<16xi32>
    %add3A_675 = arith.addi %get3A_672, %add3A_674 : vector<16xi32>
    %swap3A_676 = arith.constant 1 : i32
    %swap3A_677 = arith.index_cast %swap3A_676 : i32 to index
    %swap3A_678 = arith.constant 464 : index
    %swap3A_679 = tpu.vector_load %arg5[%swap3A_677, %swap3A_678] {strides = array<i32>} : memref<3x512xi32, #tpu.memory_space<vmem>>, vector<1x16xi32>,
    %swap3A_680 = vector.shape_cast %swap3A_679 : vector<1x16xi32> to vector<16xi32>
    %swap3A_681 = vector.shape_cast %add3A_675 : vector<16xi32> to vector<1x16xi32>
    tpu.vector_store %arg5[%swap3A_677, %swap3A_678], %swap3A_681 {strides = array<i32>} : memref<3x512xi32, #tpu.memory_space<vmem>>, vector<1x16xi32>,
    %add3A_682 = arith.constant 2000000 : i32
    %add3A_683 = vector.broadcast %add3A_682 : i32 to vector<16xi32>
    %add3A_684 = arith.addi %get3A_672, %add3A_683 : vector<16xi32>
    %swap3A_685 = arith.constant 2 : i32
    %swap3A_686 = arith.index_cast %swap3A_685 : i32 to index
    %swap3A_687 = arith.constant 464 : index
    %swap3A_688 = tpu.vector_load %arg5[%swap3A_686, %swap3A_687] {strides = array<i32>} : memref<3x512xi32, #tpu.memory_space<vmem>>, vector<1x16xi32>,
    %swap3A_689 = vector.shape_cast %swap3A_688 : vector<1x16xi32> to vector<16xi32>
    %swap3A_690 = vector.shape_cast %add3A_684 : vector<16xi32> to vector<1x16xi32>
    tpu.vector_store %arg5[%swap3A_686, %swap3A_687], %swap3A_690 {strides = array<i32>} : memref<3x512xi32, #tpu.memory_space<vmem>>, vector<1x16xi32>,
    %get3A_691 = arith.constant 0 : i32
    %get3A_692 = arith.index_cast %get3A_691 : i32 to index
    %get3A_693 = arith.constant 480 : index
    %get3A_694 = tpu.vector_load %arg5[%get3A_692, %get3A_693] {strides = array<i32>} : memref<3x512xi32, #tpu.memory_space<vmem>>, vector<1x16xi32>,
    %get3A_695 = vector.shape_cast %get3A_694 : vector<1x16xi32> to vector<16xi32>
    %add3A_696 = arith.constant 1000000 : i32
    %add3A_697 = vector.broadcast %add3A_696 : i32 to vector<16xi32>
    %add3A_698 = arith.addi %get3A_695, %add3A_697 : vector<16xi32>
    %swap3A_699 = arith.constant 1 : i32
    %swap3A_700 = arith.index_cast %swap3A_699 : i32 to index
    %swap3A_701 = arith.constant 480 : index
    %swap3A_702 = tpu.vector_load %arg5[%swap3A_700, %swap3A_701] {strides = array<i32>} : memref<3x512xi32, #tpu.memory_space<vmem>>, vector<1x16xi32>,
    %swap3A_703 = vector.shape_cast %swap3A_702 : vector<1x16xi32> to vector<16xi32>
    %swap3A_704 = vector.shape_cast %add3A_698 : vector<16xi32> to vector<1x16xi32>
    tpu.vector_store %arg5[%swap3A_700, %swap3A_701], %swap3A_704 {strides = array<i32>} : memref<3x512xi32, #tpu.memory_space<vmem>>, vector<1x16xi32>,
    %add3A_705 = arith.constant 2000000 : i32
    %add3A_706 = vector.broadcast %add3A_705 : i32 to vector<16xi32>
    %add3A_707 = arith.addi %get3A_695, %add3A_706 : vector<16xi32>
    %swap3A_708 = arith.constant 2 : i32
    %swap3A_709 = arith.index_cast %swap3A_708 : i32 to index
    %swap3A_710 = arith.constant 480 : index
    %swap3A_711 = tpu.vector_load %arg5[%swap3A_709, %swap3A_710] {strides = array<i32>} : memref<3x512xi32, #tpu.memory_space<vmem>>, vector<1x16xi32>,
    %swap3A_712 = vector.shape_cast %swap3A_711 : vector<1x16xi32> to vector<16xi32>
    %swap3A_713 = vector.shape_cast %add3A_707 : vector<16xi32> to vector<1x16xi32>
    tpu.vector_store %arg5[%swap3A_709, %swap3A_710], %swap3A_713 {strides = array<i32>} : memref<3x512xi32, #tpu.memory_space<vmem>>, vector<1x16xi32>,
    %get3A_714 = arith.constant 0 : i32
    %get3A_715 = arith.index_cast %get3A_714 : i32 to index
    %get3A_716 = arith.constant 496 : index
    %get3A_717 = tpu.vector_load %arg5[%get3A_715, %get3A_716] {strides = array<i32>} : memref<3x512xi32, #tpu.memory_space<vmem>>, vector<1x16xi32>,
    %get3A_718 = vector.shape_cast %get3A_717 : vector<1x16xi32> to vector<16xi32>
    %add3A_719 = arith.constant 1000000 : i32
    %add3A_720 = vector.broadcast %add3A_719 : i32 to vector<16xi32>
    %add3A_721 = arith.addi %get3A_718, %add3A_720 : vector<16xi32>
    %swap3A_722 = arith.constant 1 : i32
    %swap3A_723 = arith.index_cast %swap3A_722 : i32 to index
    %swap3A_724 = arith.constant 496 : index
    %swap3A_725 = tpu.vector_load %arg5[%swap3A_723, %swap3A_724] {strides = array<i32>} : memref<3x512xi32, #tpu.memory_space<vmem>>, vector<1x16xi32>,
    %swap3A_726 = vector.shape_cast %swap3A_725 : vector<1x16xi32> to vector<16xi32>
    %swap3A_727 = vector.shape_cast %add3A_721 : vector<16xi32> to vector<1x16xi32>
    tpu.vector_store %arg5[%swap3A_723, %swap3A_724], %swap3A_727 {strides = array<i32>} : memref<3x512xi32, #tpu.memory_space<vmem>>, vector<1x16xi32>,
    %add3A_728 = arith.constant 2000000 : i32
    %add3A_729 = vector.broadcast %add3A_728 : i32 to vector<16xi32>
    %add3A_730 = arith.addi %get3A_718, %add3A_729 : vector<16xi32>
    %swap3A_731 = arith.constant 2 : i32
    %swap3A_732 = arith.index_cast %swap3A_731 : i32 to index
    %swap3A_733 = arith.constant 496 : index
    %swap3A_734 = tpu.vector_load %arg5[%swap3A_732, %swap3A_733] {strides = array<i32>} : memref<3x512xi32, #tpu.memory_space<vmem>>, vector<1x16xi32>,
    %swap3A_735 = vector.shape_cast %swap3A_734 : vector<1x16xi32> to vector<16xi32>
    %swap3A_736 = vector.shape_cast %add3A_730 : vector<16xi32> to vector<1x16xi32>
    tpu.vector_store %arg5[%swap3A_732, %swap3A_733], %swap3A_736 {strides = array<i32>} : memref<3x512xi32, #tpu.memory_space<vmem>>, vector<1x16xi32>,
    %dma_start3A = arith.constant 0 : i32
    %dma_start3A_737 = arith.constant 0 : i32
    %dma_start3A_738 = arith.constant 0 : i32
    %dma_start3A_739 = tpu.memref_slice %arg6[%dma_start3A_737, %dma_start3A_738] : memref<3x512xf32, #tpu.memory_space<vmem>> -> memref<1x512xf32, #tpu.memory_space<vmem>>
    %dma_start3A_740 = tpu.memref_squeeze %dma_start3A_739 : memref<1x512xf32, #tpu.memory_space<vmem>> -> memref<512xf32, #tpu.memory_space<vmem>>
    %dma_start3A_741 = arith.constant 0 : i32
    %dma_start3A_742 = tpu.memref_slice %arg5[%dma_start3A, %dma_start3A_741] : memref<3x512xi32, #tpu.memory_space<vmem>> -> memref<1x512xi32, #tpu.memory_space<vmem>>
    %dma_start3A_743 = tpu.memref_squeeze %dma_start3A_742 : memref<1x512xi32, #tpu.memory_space<vmem>> -> memref<512xi32, #tpu.memory_space<vmem>>
    %dma_start3A_744 = arith.constant 0 : i32
    %dma_start3A_745 = tpu.memref_slice %arg3[%dma_start3A_744] : memref<3000000xf32, #tpu.memory_space<hbm>> -> memref<3000000xf32, #tpu.memory_space<hbm>>
    tpu.enqueue_indirect_dma source(%dma_start3A_745 : memref<3000000xf32, #tpu.memory_space<hbm>>) target(%dma_start3A_740 : memref<512xf32, #tpu.memory_space<vmem>>) offsets(%dma_start3A_743 : memref<512xi32, #tpu.memory_space<vmem>>) semaphore(%arg7 : memref<!tpu.dma_semaphore, #tpu.memory_space<semaphore_mem>>)
    %dma_start3A_746 = arith.constant 1 : i32
    %dma_start3A_747 = arith.constant 1 : i32
    %dma_start3A_748 = arith.constant 0 : i32
    %dma_start3A_749 = tpu.memref_slice %arg6[%dma_start3A_747, %dma_start3A_748] : memref<3x512xf32, #tpu.memory_space<vmem>> -> memref<1x512xf32, #tpu.memory_space<vmem>>
    %dma_start3A_750 = tpu.memref_squeeze %dma_start3A_749 : memref<1x512xf32, #tpu.memory_space<vmem>> -> memref<512xf32, #tpu.memory_space<vmem>>
    %dma_start3A_751 = arith.constant 0 : i32
    %dma_start3A_752 = tpu.memref_slice %arg5[%dma_start3A_746, %dma_start3A_751] : memref<3x512xi32, #tpu.memory_space<vmem>> -> memref<1x512xi32, #tpu.memory_space<vmem>>
    %dma_start3A_753 = tpu.memref_squeeze %dma_start3A_752 : memref<1x512xi32, #tpu.memory_space<vmem>> -> memref<512xi32, #tpu.memory_space<vmem>>
    %dma_start3A_754 = arith.constant 0 : i32
    %dma_start3A_755 = tpu.memref_slice %arg3[%dma_start3A_754] : memref<3000000xf32, #tpu.memory_space<hbm>> -> memref<3000000xf32, #tpu.memory_space<hbm>>
    tpu.enqueue_indirect_dma source(%dma_start3A_755 : memref<3000000xf32, #tpu.memory_space<hbm>>) target(%dma_start3A_750 : memref<512xf32, #tpu.memory_space<vmem>>) offsets(%dma_start3A_753 : memref<512xi32, #tpu.memory_space<vmem>>) semaphore(%arg7 : memref<!tpu.dma_semaphore, #tpu.memory_space<semaphore_mem>>)
    %dma_start3A_756 = arith.constant 2 : i32
    %dma_start3A_757 = arith.constant 2 : i32
    %dma_start3A_758 = arith.constant 0 : i32
    %dma_start3A_759 = tpu.memref_slice %arg6[%dma_start3A_757, %dma_start3A_758] : memref<3x512xf32, #tpu.memory_space<vmem>> -> memref<1x512xf32, #tpu.memory_space<vmem>>
    %dma_start3A_760 = tpu.memref_squeeze %dma_start3A_759 : memref<1x512xf32, #tpu.memory_space<vmem>> -> memref<512xf32, #tpu.memory_space<vmem>>
    %dma_start3A_761 = arith.constant 0 : i32
    %dma_start3A_762 = tpu.memref_slice %arg5[%dma_start3A_756, %dma_start3A_761] : memref<3x512xi32, #tpu.memory_space<vmem>> -> memref<1x512xi32, #tpu.memory_space<vmem>>
    %dma_start3A_763 = tpu.memref_squeeze %dma_start3A_762 : memref<1x512xi32, #tpu.memory_space<vmem>> -> memref<512xi32, #tpu.memory_space<vmem>>
    %dma_start3A_764 = arith.constant 0 : i32
    %dma_start3A_765 = tpu.memref_slice %arg3[%dma_start3A_764] : memref<3000000xf32, #tpu.memory_space<hbm>> -> memref<3000000xf32, #tpu.memory_space<hbm>>
    tpu.enqueue_indirect_dma source(%dma_start3A_765 : memref<3000000xf32, #tpu.memory_space<hbm>>) target(%dma_start3A_760 : memref<512xf32, #tpu.memory_space<vmem>>) offsets(%dma_start3A_763 : memref<512xi32, #tpu.memory_space<vmem>>) semaphore(%arg7 : memref<!tpu.dma_semaphore, #tpu.memory_space<semaphore_mem>>)
    %dma_wait3A = arith.constant 0 : i32
    %dma_wait3A_766 = arith.constant 0 : i32
    %dma_wait3A_767 = arith.constant 0 : i32
    %dma_wait3A_768 = tpu.memref_slice %arg6[%dma_wait3A_766, %dma_wait3A_767] : memref<3x512xf32, #tpu.memory_space<vmem>> -> memref<1x512xf32, #tpu.memory_space<vmem>>
    %dma_wait3A_769 = tpu.memref_squeeze %dma_wait3A_768 : memref<1x512xf32, #tpu.memory_space<vmem>> -> memref<512xf32, #tpu.memory_space<vmem>>
    %dma_wait3A_770 = arith.constant 0 : i32
    %dma_wait3A_771 = tpu.memref_slice %arg5[%dma_wait3A, %dma_wait3A_770] : memref<3x512xi32, #tpu.memory_space<vmem>> -> memref<1x512xi32, #tpu.memory_space<vmem>>
    %dma_wait3A_772 = tpu.memref_squeeze %dma_wait3A_771 : memref<1x512xi32, #tpu.memory_space<vmem>> -> memref<512xi32, #tpu.memory_space<vmem>>
    %dma_wait3A_773 = arith.constant 0 : i32
    %dma_wait3A_774 = tpu.memref_slice %arg3[%dma_wait3A_773] : memref<3000000xf32, #tpu.memory_space<hbm>> -> memref<3000000xf32, #tpu.memory_space<hbm>>
    tpu.wait_indirect_dma semaphore(%arg7 : memref<!tpu.dma_semaphore, #tpu.memory_space<semaphore_mem>>) src(%dma_wait3A_774 : memref<3000000xf32, #tpu.memory_space<hbm>>) dst(%dma_wait3A_769 : memref<512xf32, #tpu.memory_space<vmem>>)
    %dma_wait3A_775 = arith.constant 1 : i32
    %dma_wait3A_776 = arith.constant 1 : i32
    %dma_wait3A_777 = arith.constant 0 : i32
    %dma_wait3A_778 = tpu.memref_slice %arg6[%dma_wait3A_776, %dma_wait3A_777] : memref<3x512xf32, #tpu.memory_space<vmem>> -> memref<1x512xf32, #tpu.memory_space<vmem>>
    %dma_wait3A_779 = tpu.memref_squeeze %dma_wait3A_778 : memref<1x512xf32, #tpu.memory_space<vmem>> -> memref<512xf32, #tpu.memory_space<vmem>>
    %dma_wait3A_780 = arith.constant 0 : i32
    %dma_wait3A_781 = tpu.memref_slice %arg5[%dma_wait3A_775, %dma_wait3A_780] : memref<3x512xi32, #tpu.memory_space<vmem>> -> memref<1x512xi32, #tpu.memory_space<vmem>>
    %dma_wait3A_782 = tpu.memref_squeeze %dma_wait3A_781 : memref<1x512xi32, #tpu.memory_space<vmem>> -> memref<512xi32, #tpu.memory_space<vmem>>
    %dma_wait3A_783 = arith.constant 0 : i32
    %dma_wait3A_784 = tpu.memref_slice %arg3[%dma_wait3A_783] : memref<3000000xf32, #tpu.memory_space<hbm>> -> memref<3000000xf32, #tpu.memory_space<hbm>>
    tpu.wait_indirect_dma semaphore(%arg7 : memref<!tpu.dma_semaphore, #tpu.memory_space<semaphore_mem>>) src(%dma_wait3A_784 : memref<3000000xf32, #tpu.memory_space<hbm>>) dst(%dma_wait3A_779 : memref<512xf32, #tpu.memory_space<vmem>>)
    %dma_wait3A_785 = arith.constant 2 : i32
    %dma_wait3A_786 = arith.constant 2 : i32
    %dma_wait3A_787 = arith.constant 0 : i32
    %dma_wait3A_788 = tpu.memref_slice %arg6[%dma_wait3A_786, %dma_wait3A_787] : memref<3x512xf32, #tpu.memory_space<vmem>> -> memref<1x512xf32, #tpu.memory_space<vmem>>
    %dma_wait3A_789 = tpu.memref_squeeze %dma_wait3A_788 : memref<1x512xf32, #tpu.memory_space<vmem>> -> memref<512xf32, #tpu.memory_space<vmem>>
    %dma_wait3A_790 = arith.constant 0 : i32
    %dma_wait3A_791 = tpu.memref_slice %arg5[%dma_wait3A_785, %dma_wait3A_790] : memref<3x512xi32, #tpu.memory_space<vmem>> -> memref<1x512xi32, #tpu.memory_space<vmem>>
    %dma_wait3A_792 = tpu.memref_squeeze %dma_wait3A_791 : memref<1x512xi32, #tpu.memory_space<vmem>> -> memref<512xi32, #tpu.memory_space<vmem>>
    %dma_wait3A_793 = arith.constant 0 : i32
    %dma_wait3A_794 = tpu.memref_slice %arg3[%dma_wait3A_793] : memref<3000000xf32, #tpu.memory_space<hbm>> -> memref<3000000xf32, #tpu.memory_space<hbm>>
    tpu.wait_indirect_dma semaphore(%arg7 : memref<!tpu.dma_semaphore, #tpu.memory_space<semaphore_mem>>) src(%dma_wait3A_794 : memref<3000000xf32, #tpu.memory_space<hbm>>) dst(%dma_wait3A_789 : memref<512xf32, #tpu.memory_space<vmem>>)
    %run_scoped3A_795 = arith.constant 0 : i32
    %run_scoped3A_796 = arith.constant 0 : i32
    "tpu.region"() ({
      %run_scoped3A_801 = tpu.sem_alloc : memref<!tpu.dma_semaphore, #tpu.memory_space<semaphore_mem>>
      %dma_start3A_802 = arith.constant 0 : i32
      %dma_start3A_803 = tpu.memref_slice %arg6[%run_scoped3A_795, %dma_start3A_802] : memref<3x512xf32, #tpu.memory_space<vmem>> -> memref<1x512xf32, #tpu.memory_space<vmem>>
      %dma_start3A_804 = tpu.memref_squeeze %dma_start3A_803 : memref<1x512xf32, #tpu.memory_space<vmem>> -> memref<512xf32, #tpu.memory_space<vmem>>
      %dma_start3A_805 = tpu.memref_slice %arg4[%run_scoped3A_796, %mul3A_2] : memref<3x16384xf32, #tpu.memory_space<hbm>> -> memref<1x512xf32, #tpu.memory_space<hbm>>
      %dma_start3A_806 = tpu.memref_squeeze %dma_start3A_805 : memref<1x512xf32, #tpu.memory_space<hbm>> -> memref<512xf32, #tpu.memory_space<hbm>>
      %dma_start3A_807 = tpu.memref_slice %arg4[%run_scoped3A_796, %mul3A_2] : memref<3x16384xf32, #tpu.memory_space<hbm>> -> memref<1x512xf32, #tpu.memory_space<hbm>>
      %dma_start3A_808 = tpu.memref_squeeze %dma_start3A_807 : memref<1x512xf32, #tpu.memory_space<hbm>> -> memref<512xf32, #tpu.memory_space<hbm>>
      %dma_start3A_809 = arith.constant 0 : i32
      %dma_start3A_810 = tpu.memref_slice %arg6[%run_scoped3A_795, %dma_start3A_809] : memref<3x512xf32, #tpu.memory_space<vmem>> -> memref<1x512xf32, #tpu.memory_space<vmem>>
      %dma_start3A_811 = tpu.memref_squeeze %dma_start3A_810 : memref<1x512xf32, #tpu.memory_space<vmem>> -> memref<512xf32, #tpu.memory_space<vmem>>
      tpu.enqueue_dma source(%dma_start3A_811 : memref<512xf32, #tpu.memory_space<vmem>>) target(%dma_start3A_808 : memref<512xf32, #tpu.memory_space<hbm>>) target_semaphore(%run_scoped3A_801 : memref<!tpu.dma_semaphore, #tpu.memory_space<semaphore_mem>>)
      %dma_wait3A_812 = arith.constant 0 : i32
      %dma_wait3A_813 = tpu.memref_slice %arg6[%run_scoped3A_795, %dma_wait3A_812] : memref<3x512xf32, #tpu.memory_space<vmem>> -> memref<1x512xf32, #tpu.memory_space<vmem>>
      %dma_wait3A_814 = tpu.memref_squeeze %dma_wait3A_813 : memref<1x512xf32, #tpu.memory_space<vmem>> -> memref<512xf32, #tpu.memory_space<vmem>>
      %dma_wait3A_815 = tpu.memref_slice %arg4[%run_scoped3A_796, %mul3A_2] : memref<3x16384xf32, #tpu.memory_space<hbm>> -> memref<1x512xf32, #tpu.memory_space<hbm>>
      %dma_wait3A_816 = tpu.memref_squeeze %dma_wait3A_815 : memref<1x512xf32, #tpu.memory_space<hbm>> -> memref<512xf32, #tpu.memory_space<hbm>>
      %dma_wait3A_817 = tpu.memref_slice %arg4[%run_scoped3A_796, %mul3A_2] : memref<3x16384xf32, #tpu.memory_space<hbm>> -> memref<1x512xf32, #tpu.memory_space<hbm>>
      %dma_wait3A_818 = tpu.memref_squeeze %dma_wait3A_817 : memref<1x512xf32, #tpu.memory_space<hbm>> -> memref<512xf32, #tpu.memory_space<hbm>>
      %dma_wait3A_819 = arith.constant 0 : i32
      %dma_wait3A_820 = tpu.memref_slice %arg6[%run_scoped3A_795, %dma_wait3A_819] : memref<3x512xf32, #tpu.memory_space<vmem>> -> memref<1x512xf32, #tpu.memory_space<vmem>>
      %dma_wait3A_821 = tpu.memref_squeeze %dma_wait3A_820 : memref<1x512xf32, #tpu.memory_space<vmem>> -> memref<512xf32, #tpu.memory_space<vmem>>
      tpu.wait_dma2 semaphore(%run_scoped3A_801 : memref<!tpu.dma_semaphore, #tpu.memory_space<semaphore_mem>>) src(%dma_wait3A_821 : memref<512xf32, #tpu.memory_space<vmem>>) dst(%dma_wait3A_818 : memref<512xf32, #tpu.memory_space<hbm>>)
      tpu.yield
    }) : () -> ()
    %run_scoped3A_797 = arith.constant 1 : i32
    %run_scoped3A_798 = arith.constant 1 : i32
    "tpu.region"() ({
      %run_scoped3A_801 = tpu.sem_alloc : memref<!tpu.dma_semaphore, #tpu.memory_space<semaphore_mem>>
      %dma_start3A_802 = arith.constant 0 : i32
      %dma_start3A_803 = tpu.memref_slice %arg6[%run_scoped3A_797, %dma_start3A_802] : memref<3x512xf32, #tpu.memory_space<vmem>> -> memref<1x512xf32, #tpu.memory_space<vmem>>
      %dma_start3A_804 = tpu.memref_squeeze %dma_start3A_803 : memref<1x512xf32, #tpu.memory_space<vmem>> -> memref<512xf32, #tpu.memory_space<vmem>>
      %dma_start3A_805 = tpu.memref_slice %arg4[%run_scoped3A_798, %mul3A_2] : memref<3x16384xf32, #tpu.memory_space<hbm>> -> memref<1x512xf32, #tpu.memory_space<hbm>>
      %dma_start3A_806 = tpu.memref_squeeze %dma_start3A_805 : memref<1x512xf32, #tpu.memory_space<hbm>> -> memref<512xf32, #tpu.memory_space<hbm>>
      %dma_start3A_807 = tpu.memref_slice %arg4[%run_scoped3A_798, %mul3A_2] : memref<3x16384xf32, #tpu.memory_space<hbm>> -> memref<1x512xf32, #tpu.memory_space<hbm>>
      %dma_start3A_808 = tpu.memref_squeeze %dma_start3A_807 : memref<1x512xf32, #tpu.memory_space<hbm>> -> memref<512xf32, #tpu.memory_space<hbm>>
      %dma_start3A_809 = arith.constant 0 : i32
      %dma_start3A_810 = tpu.memref_slice %arg6[%run_scoped3A_797, %dma_start3A_809] : memref<3x512xf32, #tpu.memory_space<vmem>> -> memref<1x512xf32, #tpu.memory_space<vmem>>
      %dma_start3A_811 = tpu.memref_squeeze %dma_start3A_810 : memref<1x512xf32, #tpu.memory_space<vmem>> -> memref<512xf32, #tpu.memory_space<vmem>>
      tpu.enqueue_dma source(%dma_start3A_811 : memref<512xf32, #tpu.memory_space<vmem>>) target(%dma_start3A_808 : memref<512xf32, #tpu.memory_space<hbm>>) target_semaphore(%run_scoped3A_801 : memref<!tpu.dma_semaphore, #tpu.memory_space<semaphore_mem>>)
      %dma_wait3A_812 = arith.constant 0 : i32
      %dma_wait3A_813 = tpu.memref_slice %arg6[%run_scoped3A_797, %dma_wait3A_812] : memref<3x512xf32, #tpu.memory_space<vmem>> -> memref<1x512xf32, #tpu.memory_space<vmem>>
      %dma_wait3A_814 = tpu.memref_squeeze %dma_wait3A_813 : memref<1x512xf32, #tpu.memory_space<vmem>> -> memref<512xf32, #tpu.memory_space<vmem>>
      %dma_wait3A_815 = tpu.memref_slice %arg4[%run_scoped3A_798, %mul3A_2] : memref<3x16384xf32, #tpu.memory_space<hbm>> -> memref<1x512xf32, #tpu.memory_space<hbm>>
      %dma_wait3A_816 = tpu.memref_squeeze %dma_wait3A_815 : memref<1x512xf32, #tpu.memory_space<hbm>> -> memref<512xf32, #tpu.memory_space<hbm>>
      %dma_wait3A_817 = tpu.memref_slice %arg4[%run_scoped3A_798, %mul3A_2] : memref<3x16384xf32, #tpu.memory_space<hbm>> -> memref<1x512xf32, #tpu.memory_space<hbm>>
      %dma_wait3A_818 = tpu.memref_squeeze %dma_wait3A_817 : memref<1x512xf32, #tpu.memory_space<hbm>> -> memref<512xf32, #tpu.memory_space<hbm>>
      %dma_wait3A_819 = arith.constant 0 : i32
      %dma_wait3A_820 = tpu.memref_slice %arg6[%run_scoped3A_797, %dma_wait3A_819] : memref<3x512xf32, #tpu.memory_space<vmem>> -> memref<1x512xf32, #tpu.memory_space<vmem>>
      %dma_wait3A_821 = tpu.memref_squeeze %dma_wait3A_820 : memref<1x512xf32, #tpu.memory_space<vmem>> -> memref<512xf32, #tpu.memory_space<vmem>>
      tpu.wait_dma2 semaphore(%run_scoped3A_801 : memref<!tpu.dma_semaphore, #tpu.memory_space<semaphore_mem>>) src(%dma_wait3A_821 : memref<512xf32, #tpu.memory_space<vmem>>) dst(%dma_wait3A_818 : memref<512xf32, #tpu.memory_space<hbm>>)
      tpu.yield
    }) : () -> ()
    %run_scoped3A_799 = arith.constant 2 : i32
    %run_scoped3A_800 = arith.constant 2 : i32
    "tpu.region"() ({
      %run_scoped3A_801 = tpu.sem_alloc : memref<!tpu.dma_semaphore, #tpu.memory_space<semaphore_mem>>
      %dma_start3A_802 = arith.constant 0 : i32
      %dma_start3A_803 = tpu.memref_slice %arg6[%run_scoped3A_799, %dma_start3A_802] : memref<3x512xf32, #tpu.memory_space<vmem>> -> memref<1x512xf32, #tpu.memory_space<vmem>>
      %dma_start3A_804 = tpu.memref_squeeze %dma_start3A_803 : memref<1x512xf32, #tpu.memory_space<vmem>> -> memref<512xf32, #tpu.memory_space<vmem>>
      %dma_start3A_805 = tpu.memref_slice %arg4[%run_scoped3A_800, %mul3A_2] : memref<3x16384xf32, #tpu.memory_space<hbm>> -> memref<1x512xf32, #tpu.memory_space<hbm>>
      %dma_start3A_806 = tpu.memref_squeeze %dma_start3A_805 : memref<1x512xf32, #tpu.memory_space<hbm>> -> memref<512xf32, #tpu.memory_space<hbm>>
      %dma_start3A_807 = tpu.memref_slice %arg4[%run_scoped3A_800, %mul3A_2] : memref<3x16384xf32, #tpu.memory_space<hbm>> -> memref<1x512xf32, #tpu.memory_space<hbm>>
      %dma_start3A_808 = tpu.memref_squeeze %dma_start3A_807 : memref<1x512xf32, #tpu.memory_space<hbm>> -> memref<512xf32, #tpu.memory_space<hbm>>
      %dma_start3A_809 = arith.constant 0 : i32
      %dma_start3A_810 = tpu.memref_slice %arg6[%run_scoped3A_799, %dma_start3A_809] : memref<3x512xf32, #tpu.memory_space<vmem>> -> memref<1x512xf32, #tpu.memory_space<vmem>>
      %dma_start3A_811 = tpu.memref_squeeze %dma_start3A_810 : memref<1x512xf32, #tpu.memory_space<vmem>> -> memref<512xf32, #tpu.memory_space<vmem>>
      tpu.enqueue_dma source(%dma_start3A_811 : memref<512xf32, #tpu.memory_space<vmem>>) target(%dma_start3A_808 : memref<512xf32, #tpu.memory_space<hbm>>) target_semaphore(%run_scoped3A_801 : memref<!tpu.dma_semaphore, #tpu.memory_space<semaphore_mem>>)
      %dma_wait3A_812 = arith.constant 0 : i32
      %dma_wait3A_813 = tpu.memref_slice %arg6[%run_scoped3A_799, %dma_wait3A_812] : memref<3x512xf32, #tpu.memory_space<vmem>> -> memref<1x512xf32, #tpu.memory_space<vmem>>
      %dma_wait3A_814 = tpu.memref_squeeze %dma_wait3A_813 : memref<1x512xf32, #tpu.memory_space<vmem>> -> memref<512xf32, #tpu.memory_space<vmem>>
      %dma_wait3A_815 = tpu.memref_slice %arg4[%run_scoped3A_800, %mul3A_2] : memref<3x16384xf32, #tpu.memory_space<hbm>> -> memref<1x512xf32, #tpu.memory_space<hbm>>
      %dma_wait3A_816 = tpu.memref_squeeze %dma_wait3A_815 : memref<1x512xf32, #tpu.memory_space<hbm>> -> memref<512xf32, #tpu.memory_space<hbm>>
      %dma_wait3A_817 = tpu.memref_slice %arg4[%run_scoped3A_800, %mul3A_2] : memref<3x16384xf32, #tpu.memory_space<hbm>> -> memref<1x512xf32, #tpu.memory_space<hbm>>
      %dma_wait3A_818 = tpu.memref_squeeze %dma_wait3A_817 : memref<1x512xf32, #tpu.memory_space<hbm>> -> memref<512xf32, #tpu.memory_space<hbm>>
      %dma_wait3A_819 = arith.constant 0 : i32
      %dma_wait3A_820 = tpu.memref_slice %arg6[%run_scoped3A_799, %dma_wait3A_819] : memref<3x512xf32, #tpu.memory_space<vmem>> -> memref<1x512xf32, #tpu.memory_space<vmem>>
      %dma_wait3A_821 = tpu.memref_squeeze %dma_wait3A_820 : memref<1x512xf32, #tpu.memory_space<vmem>> -> memref<512xf32, #tpu.memory_space<vmem>>
      tpu.wait_dma2 semaphore(%run_scoped3A_801 : memref<!tpu.dma_semaphore, #tpu.memory_space<semaphore_mem>>) src(%dma_wait3A_821 : memref<512xf32, #tpu.memory_space<vmem>>) dst(%dma_wait3A_818 : memref<512xf32, #tpu.memory_space<hbm>>)
      tpu.yield
    }) : () -> ()
    return
  }
}

module attributes {stable_mosaic.version = 14 : i64} {
  func.func @_mlp_t_body(%arg0: i32, %arg1: memref<3x16384xf32, #tpu.memory_space<vmem>>, %arg2: memref<3x16384xf32, #tpu.memory_space<vmem>>, %arg3: memref<5x16384xf32, #tpu.memory_space<vmem>>, %arg4: memref<3x10xf32, #tpu.memory_space<vmem>>, %arg5: memref<3x10xf32, #tpu.memory_space<vmem>>, %arg6: memref<5x10xf32, #tpu.memory_space<vmem>>, %arg7: memref<10x10xf32, #tpu.memory_space<vmem>>, %arg8: memref<10x10xf32, #tpu.memory_space<vmem>>, %arg9: memref<10x10xf32, #tpu.memory_space<vmem>>, %arg10: memref<10x10xf32, #tpu.memory_space<vmem>>, %arg11: memref<10x10xf32, #tpu.memory_space<vmem>>, %arg12: memref<10x1xf32, #tpu.memory_space<vmem>>, %arg13: memref<10x7xf32, #tpu.memory_space<vmem>>, %arg14: memref<1x16384xf32, #tpu.memory_space<vmem>>) attributes {dimension_semantics = [#tpu.dimension_semantics<arbitrary>], iteration_bounds = array<i64: 1>, scalar_prefetch = 0 : i64, scratch_operands = 0 : i64, tpu.core_type = #tpu.core_type<tc>, window_params = [{transform_indices = @transform_0, window_bounds = array<i64: 3, 16384>}, {transform_indices = @transform_1, window_bounds = array<i64: 3, 16384>}, {transform_indices = @transform_2, window_bounds = array<i64: 5, 16384>}, {pipeline_mode = #tpu.pipeline_mode<synchronous>, transform_indices = @transform_3, window_bounds = array<i64: 3, 10>}, {pipeline_mode = #tpu.pipeline_mode<synchronous>, transform_indices = @transform_4, window_bounds = array<i64: 3, 10>}, {pipeline_mode = #tpu.pipeline_mode<synchronous>, transform_indices = @transform_5, window_bounds = array<i64: 5, 10>}, {pipeline_mode = #tpu.pipeline_mode<synchronous>, transform_indices = @transform_6, window_bounds = array<i64: 10, 10>}, {pipeline_mode = #tpu.pipeline_mode<synchronous>, transform_indices = @transform_7, window_bounds = array<i64: 10, 10>}, {pipeline_mode = #tpu.pipeline_mode<synchronous>, transform_indices = @transform_8, window_bounds = array<i64: 10, 10>}, {pipeline_mode = #tpu.pipeline_mode<synchronous>, transform_indices = @transform_9, window_bounds = array<i64: 10, 10>}, {pipeline_mode = #tpu.pipeline_mode<synchronous>, transform_indices = @transform_10, window_bounds = array<i64: 10, 10>}, {pipeline_mode = #tpu.pipeline_mode<synchronous>, transform_indices = @transform_11, window_bounds = array<i64: 10, 1>}, {pipeline_mode = #tpu.pipeline_mode<synchronous>, transform_indices = @transform_12, window_bounds = array<i64: 10, 7>}, {transform_indices = @transform_13, window_bounds = array<i64: 1, 16384>}]} {
    %get3A = arith.constant 0 : index
    %get3A_0 = arith.constant 0 : index
    %get3A_1 = vector.load %arg13[%get3A, %get3A_0] : memref<10x7xf32, #tpu.memory_space<vmem>>, vector<10x7xf32>
    %get3A_2 = arith.constant 0 : index
    %get3A_3 = arith.constant 0 : index
    %get3A_4 = vector.load %arg4[%get3A_2, %get3A_3] : memref<3x10xf32, #tpu.memory_space<vmem>>, vector<3x10xf32>
    %get3A_5 = arith.constant 0 : index
    %get3A_6 = arith.constant 0 : index
    %get3A_7 = vector.load %arg1[%get3A_5, %get3A_6] : memref<3x16384xf32, #tpu.memory_space<vmem>>, vector<3x16384xf32>
    %dot_general3A = arith.constant dense<0.000000e+00> : vector<10x16384xf32>
    %dot_general3A_8 = tpu.matmul %get3A_4, %get3A_7, %dot_general3A {dimension_numbers = #tpu.dot_dimension_numbers<[0], [0], [1], [1], [0, 1, 1, 1], [], []>, transpose_lhs_hint = false} : vector<3x10xf32>, vector<3x16384xf32>, vector<10x16384xf32> -> vector<10x16384xf32>
    %get3A_9 = arith.constant 0 : index
    %get3A_10 = arith.constant 0 : index
    %get3A_11 = vector.load %arg5[%get3A_9, %get3A_10] : memref<3x10xf32, #tpu.memory_space<vmem>>, vector<3x10xf32>
    %get3A_12 = arith.constant 0 : index
    %get3A_13 = arith.constant 0 : index
    %get3A_14 = vector.load %arg2[%get3A_12, %get3A_13] : memref<3x16384xf32, #tpu.memory_space<vmem>>, vector<3x16384xf32>
    %dot_general3A_15 = arith.constant dense<0.000000e+00> : vector<10x16384xf32>
    %dot_general3A_16 = tpu.matmul %get3A_11, %get3A_14, %dot_general3A_15 {dimension_numbers = #tpu.dot_dimension_numbers<[0], [0], [1], [1], [0, 1, 1, 1], [], []>, transpose_lhs_hint = false} : vector<3x10xf32>, vector<3x16384xf32>, vector<10x16384xf32> -> vector<10x16384xf32>
    %add3A = arith.addf %dot_general3A_8, %dot_general3A_16 : vector<10x16384xf32>
    %get3A_17 = arith.constant 0 : index
    %get3A_18 = arith.constant 0 : index
    %get3A_19 = vector.load %arg6[%get3A_17, %get3A_18] : memref<5x10xf32, #tpu.memory_space<vmem>>, vector<5x10xf32>
    %get3A_20 = arith.constant 0 : index
    %get3A_21 = arith.constant 0 : index
    %get3A_22 = vector.load %arg3[%get3A_20, %get3A_21] : memref<5x16384xf32, #tpu.memory_space<vmem>>, vector<5x16384xf32>
    %dot_general3A_23 = arith.constant dense<0.000000e+00> : vector<10x16384xf32>
    %dot_general3A_24 = tpu.matmul %get3A_19, %get3A_22, %dot_general3A_23 {dimension_numbers = #tpu.dot_dimension_numbers<[0], [0], [1], [1], [0, 1, 1, 1], [], []>, transpose_lhs_hint = false} : vector<5x10xf32>, vector<5x16384xf32>, vector<10x16384xf32> -> vector<10x16384xf32>
    %add3A_25 = arith.addf %add3A, %dot_general3A_24 : vector<10x16384xf32>
    %slice3A = vector.extract_strided_slice %get3A_1 {offsets = [0, 0], sizes = [10, 1], strides = [1, 1]} : vector<10x7xf32> to vector<10x1xf32>
    %add3A_26 = vector.broadcast %slice3A : vector<10x1xf32> to vector<10x16384xf32>
    %add3A_27 = arith.addf %add3A_25, %add3A_26 : vector<10x16384xf32>
    %ge3A = arith.constant 0.000000e+00 : f32
    %ge3A_28 = vector.broadcast %ge3A : f32 to vector<10x16384xf32>
    %ge3A_29 = arith.cmpf oge, %add3A_27, %ge3A_28 : vector<10x16384xf32>
    %mul3A = arith.constant 1.000000e-01 : f32
    %mul3A_30 = vector.broadcast %mul3A : f32 to vector<10x16384xf32>
    %mul3A_31 = arith.mulf %mul3A_30, %add3A_27 : vector<10x16384xf32>
    %select_n3A = arith.select %ge3A_29, %add3A_27, %mul3A_31 : vector<10x16384xi1>, vector<10x16384xf32>
    %get3A_32 = arith.constant 0 : index
    %get3A_33 = arith.constant 0 : index
    %get3A_34 = vector.load %arg7[%get3A_32, %get3A_33] : memref<10x10xf32, #tpu.memory_space<vmem>>, vector<10x10xf32>
    %dot_general3A_35 = arith.constant dense<0.000000e+00> : vector<10x16384xf32>
    %dot_general3A_36 = tpu.matmul %get3A_34, %select_n3A, %dot_general3A_35 {dimension_numbers = #tpu.dot_dimension_numbers<[0], [0], [1], [1], [0, 1, 1, 1], [], []>, transpose_lhs_hint = false} : vector<10x10xf32>, vector<10x16384xf32>, vector<10x16384xf32> -> vector<10x16384xf32>
    %slice3A_37 = vector.extract_strided_slice %get3A_1 {offsets = [0, 1], sizes = [10, 1], strides = [1, 1]} : vector<10x7xf32> to vector<10x1xf32>
    %add3A_38 = vector.broadcast %slice3A_37 : vector<10x1xf32> to vector<10x16384xf32>
    %add3A_39 = arith.addf %dot_general3A_36, %add3A_38 : vector<10x16384xf32>
    %ge3A_40 = arith.constant 0.000000e+00 : f32
    %ge3A_41 = vector.broadcast %ge3A_40 : f32 to vector<10x16384xf32>
    %ge3A_42 = arith.cmpf oge, %add3A_39, %ge3A_41 : vector<10x16384xf32>
    %mul3A_43 = arith.constant 1.000000e-01 : f32
    %mul3A_44 = vector.broadcast %mul3A_43 : f32 to vector<10x16384xf32>
    %mul3A_45 = arith.mulf %mul3A_44, %add3A_39 : vector<10x16384xf32>
    %select_n3A_46 = arith.select %ge3A_42, %add3A_39, %mul3A_45 : vector<10x16384xi1>, vector<10x16384xf32>
    %get3A_47 = arith.constant 0 : index
    %get3A_48 = arith.constant 0 : index
    %get3A_49 = vector.load %arg8[%get3A_47, %get3A_48] : memref<10x10xf32, #tpu.memory_space<vmem>>, vector<10x10xf32>
    %dot_general3A_50 = arith.constant dense<0.000000e+00> : vector<10x16384xf32>
    %dot_general3A_51 = tpu.matmul %get3A_49, %select_n3A_46, %dot_general3A_50 {dimension_numbers = #tpu.dot_dimension_numbers<[0], [0], [1], [1], [0, 1, 1, 1], [], []>, transpose_lhs_hint = false} : vector<10x10xf32>, vector<10x16384xf32>, vector<10x16384xf32> -> vector<10x16384xf32>
    %slice3A_52 = vector.extract_strided_slice %get3A_1 {offsets = [0, 2], sizes = [10, 1], strides = [1, 1]} : vector<10x7xf32> to vector<10x1xf32>
    %add3A_53 = vector.broadcast %slice3A_52 : vector<10x1xf32> to vector<10x16384xf32>
    %add3A_54 = arith.addf %dot_general3A_51, %add3A_53 : vector<10x16384xf32>
    %ge3A_55 = arith.constant 0.000000e+00 : f32
    %ge3A_56 = vector.broadcast %ge3A_55 : f32 to vector<10x16384xf32>
    %ge3A_57 = arith.cmpf oge, %add3A_54, %ge3A_56 : vector<10x16384xf32>
    %mul3A_58 = arith.constant 1.000000e-01 : f32
    %mul3A_59 = vector.broadcast %mul3A_58 : f32 to vector<10x16384xf32>
    %mul3A_60 = arith.mulf %mul3A_59, %add3A_54 : vector<10x16384xf32>
    %select_n3A_61 = arith.select %ge3A_57, %add3A_54, %mul3A_60 : vector<10x16384xi1>, vector<10x16384xf32>
    %get3A_62 = arith.constant 0 : index
    %get3A_63 = arith.constant 0 : index
    %get3A_64 = vector.load %arg9[%get3A_62, %get3A_63] : memref<10x10xf32, #tpu.memory_space<vmem>>, vector<10x10xf32>
    %dot_general3A_65 = arith.constant dense<0.000000e+00> : vector<10x16384xf32>
    %dot_general3A_66 = tpu.matmul %get3A_64, %select_n3A_61, %dot_general3A_65 {dimension_numbers = #tpu.dot_dimension_numbers<[0], [0], [1], [1], [0, 1, 1, 1], [], []>, transpose_lhs_hint = false} : vector<10x10xf32>, vector<10x16384xf32>, vector<10x16384xf32> -> vector<10x16384xf32>
    %slice3A_67 = vector.extract_strided_slice %get3A_1 {offsets = [0, 3], sizes = [10, 1], strides = [1, 1]} : vector<10x7xf32> to vector<10x1xf32>
    %add3A_68 = vector.broadcast %slice3A_67 : vector<10x1xf32> to vector<10x16384xf32>
    %add3A_69 = arith.addf %dot_general3A_66, %add3A_68 : vector<10x16384xf32>
    %get3A_70 = arith.constant 0 : index
    %get3A_71 = arith.constant 0 : index
    %get3A_72 = vector.load %arg10[%get3A_70, %get3A_71] : memref<10x10xf32, #tpu.memory_space<vmem>>, vector<10x10xf32>
    %dot_general3A_73 = arith.constant dense<0.000000e+00> : vector<10x16384xf32>
    %dot_general3A_74 = tpu.matmul %get3A_72, %add3A_69, %dot_general3A_73 {dimension_numbers = #tpu.dot_dimension_numbers<[0], [0], [1], [1], [0, 1, 1, 1], [], []>, transpose_lhs_hint = false} : vector<10x10xf32>, vector<10x16384xf32>, vector<10x16384xf32> -> vector<10x16384xf32>
    %slice3A_75 = vector.extract_strided_slice %get3A_1 {offsets = [0, 4], sizes = [10, 1], strides = [1, 1]} : vector<10x7xf32> to vector<10x1xf32>
    %add3A_76 = vector.broadcast %slice3A_75 : vector<10x1xf32> to vector<10x16384xf32>
    %add3A_77 = arith.addf %dot_general3A_74, %add3A_76 : vector<10x16384xf32>
    %ge3A_78 = arith.constant 0.000000e+00 : f32
    %ge3A_79 = vector.broadcast %ge3A_78 : f32 to vector<10x16384xf32>
    %ge3A_80 = arith.cmpf oge, %add3A_77, %ge3A_79 : vector<10x16384xf32>
    %mul3A_81 = arith.constant 1.000000e-01 : f32
    %mul3A_82 = vector.broadcast %mul3A_81 : f32 to vector<10x16384xf32>
    %mul3A_83 = arith.mulf %mul3A_82, %add3A_77 : vector<10x16384xf32>
    %select_n3A_84 = arith.select %ge3A_80, %add3A_77, %mul3A_83 : vector<10x16384xi1>, vector<10x16384xf32>
    %get3A_85 = arith.constant 0 : index
    %get3A_86 = arith.constant 0 : index
    %get3A_87 = vector.load %arg11[%get3A_85, %get3A_86] : memref<10x10xf32, #tpu.memory_space<vmem>>, vector<10x10xf32>
    %dot_general3A_88 = arith.constant dense<0.000000e+00> : vector<10x16384xf32>
    %dot_general3A_89 = tpu.matmul %get3A_87, %select_n3A_84, %dot_general3A_88 {dimension_numbers = #tpu.dot_dimension_numbers<[0], [0], [1], [1], [0, 1, 1, 1], [], []>, transpose_lhs_hint = false} : vector<10x10xf32>, vector<10x16384xf32>, vector<10x16384xf32> -> vector<10x16384xf32>
    %slice3A_90 = vector.extract_strided_slice %get3A_1 {offsets = [0, 5], sizes = [10, 1], strides = [1, 1]} : vector<10x7xf32> to vector<10x1xf32>
    %add3A_91 = vector.broadcast %slice3A_90 : vector<10x1xf32> to vector<10x16384xf32>
    %add3A_92 = arith.addf %dot_general3A_89, %add3A_91 : vector<10x16384xf32>
    %ge3A_93 = arith.constant 0.000000e+00 : f32
    %ge3A_94 = vector.broadcast %ge3A_93 : f32 to vector<10x16384xf32>
    %ge3A_95 = arith.cmpf oge, %add3A_92, %ge3A_94 : vector<10x16384xf32>
    %mul3A_96 = arith.constant 1.000000e-01 : f32
    %mul3A_97 = vector.broadcast %mul3A_96 : f32 to vector<10x16384xf32>
    %mul3A_98 = arith.mulf %mul3A_97, %add3A_92 : vector<10x16384xf32>
    %select_n3A_99 = arith.select %ge3A_95, %add3A_92, %mul3A_98 : vector<10x16384xi1>, vector<10x16384xf32>
    %get3A_100 = arith.constant 0 : index
    %get3A_101 = arith.constant 0 : index
    %get3A_102 = vector.load %arg12[%get3A_100, %get3A_101] : memref<10x1xf32, #tpu.memory_space<vmem>>, vector<10x1xf32>
    %dot_general3A_103 = arith.constant dense<0.000000e+00> : vector<1x16384xf32>
    %dot_general3A_104 = tpu.matmul %get3A_102, %select_n3A_99, %dot_general3A_103 {dimension_numbers = #tpu.dot_dimension_numbers<[0], [0], [1], [1], [0, 1, 1, 1], [], []>, transpose_lhs_hint = false} : vector<10x1xf32>, vector<10x16384xf32>, vector<1x16384xf32> -> vector<1x16384xf32>
    %slice3A_105 = vector.extract_strided_slice %get3A_1 {offsets = [0, 6], sizes = [1, 1], strides = [1, 1]} : vector<10x7xf32> to vector<1x1xf32>
    %add3A_106 = vector.broadcast %slice3A_105 : vector<1x1xf32> to vector<1x16384xf32>
    %add3A_107 = arith.addf %dot_general3A_104, %add3A_106 : vector<1x16384xf32>
    %neg3A = arith.constant 0.000000e+00 : f32
    %neg3A_108 = vector.broadcast %neg3A : f32 to vector<1x16384xf32>
    %neg3A_109 = arith.subf %neg3A_108, %add3A_107 : vector<1x16384xf32>
    %exp3A = math.exp %neg3A_109 : vector<1x16384xf32>
    %add3A_110 = arith.constant 1.000000e+00 : f32
    %add3A_111 = vector.broadcast %add3A_110 : f32 to vector<1x16384xf32>
    %add3A_112 = arith.addf %add3A_111, %exp3A : vector<1x16384xf32>
    %div3A = arith.constant 5.000000e+00 : f32
    %div3A_113 = vector.broadcast %div3A : f32 to vector<1x16384xf32>
    %div3A_114 = arith.divf %div3A_113, %add3A_112 : vector<1x16384xf32>
    %swap3A = arith.constant 0 : index
    %swap3A_115 = arith.constant 0 : index
    %swap3A_116 = vector.load %arg14[%swap3A, %swap3A_115] : memref<1x16384xf32, #tpu.memory_space<vmem>>, vector<1x16384xf32>
    tpu.vector_store %arg14[%swap3A, %swap3A_115], %div3A_114 {strides = array<i32>} : memref<1x16384xf32, #tpu.memory_space<vmem>>, vector<1x16384xf32>,
    return
  }
  func.func @transform_0(%arg0: i32) -> (i32, i32) {
    %c0_i32 = arith.constant 0 : i32
    %c0_i32_0 = arith.constant 0 : i32
    return %c0_i32, %arg0 : i32, i32
  }
  func.func @transform_1(%arg0: i32) -> (i32, i32) {
    %c0_i32 = arith.constant 0 : i32
    %c0_i32_0 = arith.constant 0 : i32
    return %c0_i32, %arg0 : i32, i32
  }
  func.func @transform_2(%arg0: i32) -> (i32, i32) {
    %c0_i32 = arith.constant 0 : i32
    %c0_i32_0 = arith.constant 0 : i32
    return %c0_i32, %arg0 : i32, i32
  }
  func.func @transform_3(%arg0: i32) -> (i32, i32) {
    %c0_i32 = arith.constant 0 : i32
    %c0_i32_0 = arith.constant 0 : i32
    %c0_i32_1 = arith.constant 0 : i32
    return %c0_i32, %c0_i32_0 : i32, i32
  }
  func.func @transform_4(%arg0: i32) -> (i32, i32) {
    %c0_i32 = arith.constant 0 : i32
    %c0_i32_0 = arith.constant 0 : i32
    %c0_i32_1 = arith.constant 0 : i32
    return %c0_i32, %c0_i32_0 : i32, i32
  }
  func.func @transform_5(%arg0: i32) -> (i32, i32) {
    %c0_i32 = arith.constant 0 : i32
    %c0_i32_0 = arith.constant 0 : i32
    %c0_i32_1 = arith.constant 0 : i32
    return %c0_i32, %c0_i32_0 : i32, i32
  }
  func.func @transform_6(%arg0: i32) -> (i32, i32) {
    %c0_i32 = arith.constant 0 : i32
    %c0_i32_0 = arith.constant 0 : i32
    %c0_i32_1 = arith.constant 0 : i32
    return %c0_i32, %c0_i32_0 : i32, i32
  }
  func.func @transform_7(%arg0: i32) -> (i32, i32) {
    %c0_i32 = arith.constant 0 : i32
    %c0_i32_0 = arith.constant 0 : i32
    %c0_i32_1 = arith.constant 0 : i32
    return %c0_i32, %c0_i32_0 : i32, i32
  }
  func.func @transform_8(%arg0: i32) -> (i32, i32) {
    %c0_i32 = arith.constant 0 : i32
    %c0_i32_0 = arith.constant 0 : i32
    %c0_i32_1 = arith.constant 0 : i32
    return %c0_i32, %c0_i32_0 : i32, i32
  }
  func.func @transform_9(%arg0: i32) -> (i32, i32) {
    %c0_i32 = arith.constant 0 : i32
    %c0_i32_0 = arith.constant 0 : i32
    %c0_i32_1 = arith.constant 0 : i32
    return %c0_i32, %c0_i32_0 : i32, i32
  }
  func.func @transform_10(%arg0: i32) -> (i32, i32) {
    %c0_i32 = arith.constant 0 : i32
    %c0_i32_0 = arith.constant 0 : i32
    %c0_i32_1 = arith.constant 0 : i32
    return %c0_i32, %c0_i32_0 : i32, i32
  }
  func.func @transform_11(%arg0: i32) -> (i32, i32) {
    %c0_i32 = arith.constant 0 : i32
    %c0_i32_0 = arith.constant 0 : i32
    %c0_i32_1 = arith.constant 0 : i32
    return %c0_i32, %c0_i32_0 : i32, i32
  }
  func.func @transform_12(%arg0: i32) -> (i32, i32) {
    %c0_i32 = arith.constant 0 : i32
    %c0_i32_0 = arith.constant 0 : i32
    %c0_i32_1 = arith.constant 0 : i32
    return %c0_i32, %c0_i32_0 : i32, i32
  }
  func.func @transform_13(%arg0: i32) -> (i32, i32) {
    %c0_i32 = arith.constant 0 : i32
    %c0_i32_0 = arith.constant 0 : i32
    return %c0_i32, %arg0 : i32, i32
  }
}

</mosaic_0001>

<sc_bundles>
// kernel: kernel.5.cloned.1.call-start
scs
__scs_entry_jumppad:
0x0: {  	(pc) =	sbr.rel $0x88, $3  }
0x1: {  	(tag) =	ssettag $0x0;
	lr =	simm.s32 $0x1  }
0x2: {  	[smem:$0x3F8F] =	sst lr;
	_ =	strace $0xD0000000  }
0x3: {  	_ = 	snop  }
0x4: {  	_ = 	snop  }
0x5: {  	_ = 	snop  }
0x6: {  	_ = 	snop  }
0x7: {  	_ = 	snop  }
__scs_overlays_trampoline_lowered:
0x8: {  	[smem:$0x3F9E] =	sst s0  }
0x9: {  	[smem:$0x3F9F] =	sst s1  }
0xa: {  	[smem:$0x3FA0] =	sst s2  }
0xb: {  	[smem:$0x3FA1] =	sst s3  }
0xc: {  	[smem:$0x3FA2] =	sst s4  }
0xd: {  	[smem:$0x3FA3] =	sst s5  }
0xe: {  	[smem:$0x3FA4] =	sst s6  }
0xf: {  	[smem:$0x3FA5] =	sst s7  }
0x10: {  	[smem:$0x3FA6] =	sst s8  }
0x11: {  	[smem:$0x3FA7] =	sst s9;
	s0 =	simm.s32 @!p0 $0x0  }
0x12: {  	s1 =	sld [smem:$0x3F8D];
	s0 =	simm.s32 @p0 $0x1  }
0x13: {  	[smem:$0x3FA8] =	sst s0;
	s0 =	simm.s32 @!p1 $0x0  }
0x14: {  	s2 =	sld [smem:$0x3F8C];
	s0 =	simm.s32 @p1 $0x1  }
0x15: {  	[smem:$0x3FA9] =	sst s0;
	s0 =	simm.s32 @!p2 $0x0  }
0x16: {  	s3 =	sld [smem:$0x3FDB];
	s0 =	simm.s32 @p2 $0x1  }
0x17: {  	s4 =	simm.s32 $0x1BF5;
	[smem:$0x3FAB] =	sst s0  }
0x18: {  	s0 =	sld [smem:$0x3F8E];
	_ =	swait.ge [sflag:s4], $0x0  }
0x19: {  	s7 =	sld [smem:$0x3F8F]  }
0x1a: {  	s8 =	sadd.s32 $0xFFFFE003, lr  }
0x1b: {  	s9 =	sadd.s32 $0xFFFFFEF7, lr;
	s5 =	simm.s32 $0xFFFFFFFF;
	p2 =	slt.u32 s8, $0xFFFFF086  }
0x1c: {  	p1 =	slt.u32 s9, $0xF7A;
	s5 =	simm.s32 @!p2 $0x0  }
0x1d: {  	s5 =	simm.s32 @p1 $0x1;
	p0 =	seq.s32 s7, s2  }
0x1e: {  	s7 =	smul.u32 @!p0 $0xF7A, s2;
	p2 =	seq.s32 @!p0 s5, $0x0  }
0x1f: {  	s9 =	smul.u32 $0xF7A, s1;
	s8 =	simm.s32 @!p0 $0x1BF5;
	p2 =	por !p2, p0  }
0x20: {  	[sflag:s8] =	ssyncset.s32 @!p0 $0xFFFFF086;
	s6 =	sadd.s32 @!p0 s3, s7;
	s7 =	simm.s32 @!p0 $0x108  }
0x21: {  	s3 =	sadd.s32 s3, s9;
	s6 =	sadd.s32 @!p0 $0x88, s6;
	s7 =	simm.s32 @p2 $0x1082  }
0x22: {  	[simem:s7], [sflag:s8] =	dma.local @!p0 [hbm:s6], $0xF7A  }
0x23: {  	s9 =	sor.u32 $0xD0000000, s2;
	s6 =	simm.s32 $0x108;
	_ =	swait.ge @!p0 [sflag:s8], $0x0  }
0x24: {  	s3 =	sadd.s32 $0x88, s3;
	s6 =	simm.s32 @!p1 $0x1082;
	[sflag:s4] =	ssyncset.s32 $0xFFFFF086  }
0x25: {  	[simem:s6], [sflag:s4] =	dma.local [hbm:s3], $0xF7A  }
0x26: {  	[smem:$0x3F8F] =	sst s1;
	(tag) =	ssettag s2;
	_ =	strace s9  }
0x27: {  	s1 =	sld [smem:$0x3F9F]  }
0x28: {  	s2 =	sld [smem:$0x3FA0]  }
0x29: {  	s4 =	sld [smem:$0x3FA2]  }
0x2a: {  	p0 =	seq.s32 s5, $0x0;
	s5 =	sld [smem:$0x3FA3]  }
0x2b: {  	s6 =	sld [smem:$0x3FA4]  }
0x2c: {  	s7 =	sld [smem:$0x3FA5]  }
0x2d: {  	s3 =	simm.s32 $0x108;
	s8 =	sld [smem:$0x3FA6]  }
0x2e: {  	s3 =	simm.s32 @!p0 $0x1082;
	s9 =	sld [smem:$0x3FA7]  }
0x2f: {  	lr =	sadd.s32 s0, s3;
	s0 =	sld [smem:$0x3F9E]  }
0x30: {  	s3 =	sld [smem:$0x3FA1]  }
0x31: {  	[smem:$0x3FAA] =	sst s10  }
0x32: {  	s10 =	sld [smem:$0x3FA8];
	_ =	sdelay $0x3  }
0x33: {  	p0 =	seq.s32 s10, $0x1;
	s10 =	sld [smem:$0x3FAA];
	_ =	sdelay $0x3  }
0x34: {  	[smem:$0x3FAA] =	sst s10  }
0x35: {  	s10 =	sld [smem:$0x3FA9];
	_ =	sdelay $0x3  }
0x36: {  	p1 =	seq.s32 s10, $0x1;
	s10 =	sld [smem:$0x3FAA];
	_ =	sdelay $0x3  }
0x37: {  	[smem:$0x3FAA] =	sst s10  }
0x38: {  	s10 =	sld [smem:$0x3FAB]  }
0x39: {  	_ = 	snop;
	(pc) =	sbr.ind lr, $3  }
0x3a: {  	_ = 	snop  }
0x3b: {  	_ = 	snop  }
0x3c: {  	p2 =	seq.s32 s10, $0x1;
	s10 =	sld [smem:$0x3FAA]  }
0x3d: {  	_ =	shalt  }
0x3e: {  	_ =	shalt  }
0x3f: {  	_ =	shalt  }
0x40: {  	_ =	shalt  }
0x41: {  	_ =	shalt  }
0x42: {  	_ =	shalt  }
0x43: {  	_ =	shalt  }
0x44: {  	_ =	shalt  }
0x45: {  	_ =	shalt  }
0x46: {  	_ =	shalt  }
0x47: {  	_ =	shalt  }
0x48: {  	_ =	shalt  }
0x49: {  	_ =	shalt  }
0x4a: {  	_ =	shalt  }
0x4b: {  	_ =	shalt  }
0x4c: {  	_ =	shalt  }
0x4d: {  	_ =	shalt  }
0x4e: {  	_ =	shalt  }
0x4f: {  	_ =	shalt  }
0x50: {  	_ =	shalt  }
0x51: {  	_ =	shalt  }
0x52: {  	_ =	shalt  }
0x53: {  	_ =	shalt  }
0x54: {  	_ =	shalt  }
0x55: {  	_ =	shalt  }
0x56: {  	_ =	shalt  }
0x57: {  	_ =	shalt  }
0x58: {  	_ =	shalt  }
0x59: {  	_ =	shalt  }
0x5a: {  	_ =	shalt  }
0x5b: {  	_ =	shalt  }
0x5c: {  	_ =	shalt  }
0x5d: {  	_ =	shalt  }
0x5e: {  	_ =	shalt  }
0x5f: {  	_ =	shalt  }
0x60: {  	_ =	shalt  }
0x61: {  	_ =	shalt  }
0x62: {  	_ =	shalt  }
0x63: {  	_ =	shalt  }
0x64: {  	_ =	shalt  }
0x65: {  	_ =	shalt  }
0x66: {  	_ =	shalt  }
0x67: {  	_ =	shalt  }
0x68: {  	_ =	shalt  }
0x69: {  	_ =	shalt  }
0x6a: {  	_ =	shalt  }
0x6b: {  	_ =	shalt  }
0x6c: {  	_ =	shalt  }
0x6d: {  	_ =	shalt  }
0x6e: {  	_ =	shalt  }
0x6f: {  	_ =	shalt  }
0x70: {  	_ =	shalt  }
0x71: {  	_ =	shalt  }
0x72: {  	_ =	shalt  }
0x73: {  	_ =	shalt  }
0x74: {  	_ =	shalt  }
0x75: {  	_ =	shalt  }
0x76: {  	_ =	shalt  }
0x77: {  	_ =	shalt  }
0x78: {  	_ =	shalt  }
0x79: {  	_ =	shalt  }
0x7a: {  	_ =	shalt  }
0x7b: {  	_ =	shalt  }
0x7c: {  	_ =	shalt  }
0x7d: {  	_ =	shalt  }
0x7e: {  	_ =	shalt  }
0x7f: {  	_ =	shalt  }
0x80: {  	_ =	shalt  }
0x81: {  	_ =	shalt  }
0x82: {  	_ =	shalt  }
0x83: {  	_ =	shalt  }
0x84: {  	_ =	shalt  }
0x85: {  	_ =	shalt  }
0x86: {  	_ =	shalt  }
0x87: {  	_ =	shalt  }
.Lfunc_end0:
.L_simem_size_0:
called_computation_lowered:
.L_overlay_start_0:
0x88: {  	s2 =	sld [smem:$0x3FD9]  }
0x89: {  	s3 =	sld [smem:$0x3FFE];
	_ =	sdelay $0x1  }
0x8a: {  	s1 =	srdreg.scid  }
0x8b: {  	s0 =	sand.u32 $0x1, s1  }
0x8c: {  	s17 =	sshll.u32 s0, $0xA;
	s2 =	sadd.s32 s3, s2  }
0x8d: {  	s2 =	sadd.s32 s2, s17  }
0x8e: {  	[smem:$0x3FB6] =	sst s2  }
0x8f: {  	_ = 	snop  }
0x90: {  	s2 =	sld [smem:$0x3FD0];
	(tm) =	ssettm $0x1  }
0x91: {  	s18 =	sld [smem:$0x3FFB];
	_ =	sdelay $0x3  }
0x92: {  	_ =	strace s18  }
0x93: {  	s3 =	sld [smem:$0x3FFC];
	_ =	sdelay $0x3  }
0x94: {  	_ =	strace s3  }
0x95: {  	s3 =	sld [smem:$0x3FFD];
	_ =	sdelay $0x3  }
0x96: {  	_ =	strace s3  }
0x97: {  	_ =	strace $0x8FFFFFFF  }
0x98: {  	s19 =	sld [smem:$0x3FDB];
	_ =	sdelay $0x1  }
0x99: {  	s4 =	simm.s32 $_scs_section_size  }
0x9a: {  	s5 =	simm.s32 $_size__tile_overlayer_lowered;
	s6 =	simm.s32 $_tile_overlayer_lowered  }
0x9b: {  	s22 =	simm.s32 $0x1BFF;
	s21 =	sshll.u32 s6, $0x1;
	s3 =	sadd.s32 s4, s19  }
0x9c: {  	s7 =	simm.s32 $0x0;
	s20 =	sshll.u32 s5, $0x1;
	s5 =	sadd.s32 s21, s3  }
0x9d: {  	[timem:s7], [sflag:s22] =	dma.local [hbm:s5], s20  }
0x9e: {  	_ =	swait.ge [sflag:s22], s20  }
0x9f: {  	s4 =	ssub.s32 $0x0, s20;
	[sflag:s22] =	ssyncset.done $0x0  }
0xa0: {  	[sflag:s22] =	ssyncadd.s32 s4;
	_ =	sdelay $0x1  }
0xa1: {  	s23 =	simm.s32 $0x1B8B  }
0xa2: {  	_ =	swait.ge [sflag:s23], $0x1  }
0xa3: {  	[sflag:s23] =	ssyncset.done $0x0  }
0xa4: {  	s25 =	simm.s32 $0x1B8E;
	s24 =	sld [smem:$0x3FFE];
	[sflag:s23] =	ssyncadd.s32 $0xFFFFFFFF  }
0xa5: {  	s26 =	simm.s32 $execute0_lowered;
	[smem:$0x3FD2] =	sst s25  }
0xa6: {  	s5 =	sshll.u32 s26, $0x1;
	_ =	strace $0x80000046;
	[dreg:$0x1] =	wrdreg $0xFFFFFFFF  }
0xa7: {  	s28 =	simm.s32 $_size_execute0_lowered;
	s3 =	sadd.s32 s3, s5;
	[dreg:$0x0] =	wrdreg $0x0  }
0xa8: {  	s5 =	sshll.u32 s28, $0x1;
	[dreg:$0x2] =	wrdreg s3  }
0xa9: {  	[dreg:$0x3] =	wrdreg s5  }
0xaa: {  	[dreg:$0x4] =	wrdreg $0xC0  }
0xab: {  	_ =	task [dreg:s7], $0x5FFFF  }
0xac: {  	[dreg:$0x1] =	wrdreg $0xFFFFFFFF  }
0xad: {  	[dreg:$0x0] =	wrdreg $0x60  }
0xae: {  	[dreg:$0x2] =	wrdreg s2  }
0xaf: {  	[dreg:$0x3] =	wrdreg s24  }
0xb0: {  	[dreg:$0x4] =	wrdreg $0x9  }
0xb1: {  	_ =	task.clear_ibuf [dreg:s7], $0x5FFFF;
	_ =	strace $0x90000046  }
0xb2: {  	s29 =	simm.s32 $0x9;
	_ =	strace $0x80000048  }
0xb3: {  	_ =	swait.ge [sflag:s29], $0x1  }
0xb4: {  	[sflag:s29] =	ssyncadd.s32 $0xFFFFFFFF  }
0xb5: {  	_ =	strace $0x90000048  }
0xb6: {  	_ =	sfence  }
0xb7: {  	s30 =	sld [smem:$0x0];
	_ =	sdelay $0x2  }
0xb8: {  	s31 =	sshll.u32 s1, $0xD;
	s1 =	sshrl.u32 s1, $0x2  }
0xb9: {  	s3 =	sand.u32 $0x4000, s31;
	s1 =	sadd.s32 s1, s30  }
0xba: {  	s0 =	sor.u32 s3, s0;
	s1 =	sshll.u32 s1, $0x11  }
0xbb: {  	s0 =	sor.u32 s1, s0  }
0xbc: {  	s0 =	sadd.s32 $0x8F2B, s0  }
0xbd: {  	[sflag:s0] =	ssyncadd.remote.s32 $0x1  }
0xbe: {  	_ =	sfence.sel $0xFFFF  }
0xbf: {  	[dreg:$0x0] =	wrdreg $0xFFFFFFFF;
	(pc) =	sbr.abs _section_cstart, $3  }
0xc0: {  	[dreg:$0x1] =	wrdreg $0xFFFFFFFF  }
0xc1: {  	_ =	task.clear_ibuf [dreg:s7], $0x2FFFF;
	_ =	strace $0x9FFFFFFF  }
0xc2: {  	(tm) =	ssettm $0x7FFFFFFF  }
0xc3: {  	_ =	shalt  }
tec
execute0_lowered:
.L_overlay_start_1:
0x0: {  	(tag) =	ssettag $0x1  }
0x1: {  	s3 =	rddreg [dreg:$0x0]  }
0x2: {  	s4 =	rddreg [dreg:$0x1];
	s2 =	srdreg.scid  }
0x3: {  	s0 =	rddreg [dreg:$0x2];
	s1 =	stileid.u32;
	s5 =	sand.u32 $0x1, s2  }
0x4: {  	s2 =	simm.s32 $0x0;
	s6 =	sshll.u32 s1, $0x7;
	s7 =	sshll.u32 s5, $0x6  }
0x5: {  	[smem:$0x7FF] =	sst s2;
	s6 =	sor.u32 s7, s6  }
0x6: {  	_ =	strace $0x80000047;
	s8 =	sadd.s32 s3, s6;
	s3 =	simm.s32 $0x2  }
0x7: {  	[tilespmem:s2], [sflag:$0x2] =	stream.linear.gather [hbm4b:s8+s2], $0x200, $0x38;
	[tilespmem:$0xC00] =	vst v63  }
0x8: {  	_ =	swait.ge [sflag:s3], $0x200  }
0x9: {  	[sflag:s3] =	ssyncset.done $0x0  }
0xa: {  	[sflag:s3] =	ssyncadd.s32 $0xFFFFFE00  }
0xb: {  	v0 =	vld [tilespmem:$0x1F0];
	_ =	sdelay $0x1  }
0xc: {  	v1 =	vld [tilespmem:$0x1E0]  }
0xd: {  	v2 =	vld [tilespmem:$0x60];
	_ =	sdelay $0x1  }
0xe: {  	v3 =	vadd.s32 $0xF4240, v0  }
0xf: {  	v4 =	vld [tilespmem:$0x50];
	v0 =	vadd.s32 $0x1E8480, v0;
	[tilespmem:$0x3F0] =	vst v3  }
0x10: {  	v5 =	vadd.s32 $0xF4240, v1;
	v3 =	vld [tilespmem:$0x0];
	[tilespmem:$0x5F0] =	vst v0  }
0x11: {  	v6 =	vadd.s32 $0x1E8480, v2;
	v0 =	vld [tilespmem:$0x10];
	[tilespmem:$0x3E0] =	vst v5  }
0x12: {  	v2 =	vadd.s32 $0xF4240, v2;
	[tilespmem:$0x460] =	vst v6  }
0x13: {  	v1 =	vadd.s32 $0x1E8480, v1;
	v5 =	vld [tilespmem:$0xB0];
	[tilespmem:$0x260] =	vst v2  }
0x14: {  	v2 =	vadd.s32 $0x1E8480, v4;
	[tilespmem:$0x5E0] =	vst v1  }
0x15: {  	[tilespmem:$0x450] =	vst v2;
	v1 =	vadd.s32 $0x1E8480, v3  }
0x16: {  	v2 =	vld [tilespmem:$0x40];
	v6 =	vadd.s32 $0x1E8480, v0;
	[tilespmem:$0x400] =	vst v1  }
0x17: {  	v0 =	vadd.s32 $0xF4240, v0;
	[tilespmem:$0x410] =	vst v6  }
0x18: {  	v7 =	vld [tilespmem:$0x80];
	v1 =	vadd.s32 $0xF4240, v5;
	[tilespmem:$0x210] =	vst v0  }
0x19: {  	v6 =	vld [tilespmem:$0xA0];
	v5 =	vadd.s32 $0x1E8480, v5;
	[tilespmem:$0x2B0] =	vst v1  }
0x1a: {  	v8 =	vld [tilespmem:$0x70];
	v0 =	vadd.s32 $0xF4240, v3;
	[tilespmem:$0x4B0] =	vst v5  }
0x1b: {  	v3 =	vld [tilespmem:$0x90];
	v5 =	vadd.s32 $0xF4240, v2;
	[tilespmem:$0x200] =	vst v0  }
0x1c: {  	v10 =	vld [tilespmem:$0x100];
	v0 =	vadd.s32 $0xF4240, v4;
	[tilespmem:$0x240] =	vst v5  }
0x1d: {  	v1 =	vld [tilespmem:$0x30];
	v2 =	vadd.s32 $0x1E8480, v2;
	[tilespmem:$0x250] =	vst v0  }
0x1e: {  	v9 =	vld [tilespmem:$0x110];
	[tilespmem:$0x440] =	vst v2;
	v4 =	vadd.s32 $0xF4240, v6  }
0x1f: {  	s30 =	ssub.s32 $0x2, s5;
	v13 =	vld [tilespmem:$0xF0];
	v0 =	vadd.s32 $0x1E8480, v6;
	[tilespmem:$0x2A0] =	vst v4  }
0x20: {  	s31 =	sshrl.u32 s30, $0x1;
	v14 =	vld [tilespmem:$0xD0];
	v2 =	vadd.s32 $0xF4240, v3;
	[tilespmem:$0x4A0] =	vst v0  }
0x21: {  	s10 =	ssub.s32 s30, s31;
	v5 =	vld [tilespmem:$0x20];
	v0 =	vadd.s32 $0x1E8480, v3;
	[tilespmem:$0x290] =	vst v2  }
0x22: {  	s15 =	smax.u32 s10, $0x1;
	v15 =	vld [tilespmem:$0xC0];
	v12 =	vadd.s32 $0xF4240, v10;
	v11 =	vadd.s32 $0x1E8480, v1;
	[tilespmem:$0x490] =	vst v0  }
0x23: {  	s12 =	simm.s32 $0x200;
	p0 =	sne.s32 s15, $0x1;
	v16 =	vadd.s32 $0x1E8480, v10;
	v6 =	vadd.s32 $0xF4240, v7;
	v3 =	vld [tilespmem:$0xE0];
	v2 =	vadd.s32 $0x1E8480, v7;
	[tilespmem:$0x430] =	vst v11  }
.Ltmp0:
0x24: {  	s14 =	simm.s32 $0x400;
	v4 =	vadd.s32 $0xF4240, v8;
	v8 =	vadd.s32 $0x1E8480, v8;
	v0 =	vadd.s32 $0xF4240, v1;
	[tilespmem:$0x480] =	vst v2;
	(pc) =	sbr.rel @!p0 .LBB2_2-.Ltmp0, $4  }
0x25: {  	s11 =	simm.s32 $0xA00;
	s7 =	sadd.s32 $0x4000, s4;
	s9 =	sadd.s32 s6, s4;
	v1 =	vadd.s32 $0x1E8480, v9;
	v11 =	vadd.s32 $0xF4240, v13;
	v13 =	vadd.s32 $0x1E8480, v13;
	[tilespmem:$0x230] =	vst v0  }
0x26: {  	s5 =	sadd.s32 $0x5FA00, s9;
	s6 =	sadd.s32 $0x60200, s9;
	v0 =	vadd.s32 $0xF4240, v5;
	[tilespmem:$0x510] =	vst v1;
	v1 =	vadd.s32 $0x1E8480, v5;
	v5 =	vadd.s32 $0xF4240, v9  }
0x27: {  	s4 =	sadd.s32 $0x60A00, s9;
	s9 =	simm.s32 $0x600;
	v2 =	vadd.s32 $0x1E8480, v15;
	v9 =	vadd.s32 $0x1E8480, v14;
	[tilespmem:$0x310] =	vst v5;
	v5 =	vadd.s32 $0xF4240, v15  }
0x28: {  	s13 =	simm.s32 $0x1;
	s10 =	simm.s32 $0x800;
	s15 =	sadd.s32 $0xFFFFFFFF, s15;
	[tilespmem:$0x500] =	vst v16;
	v7 =	vadd.s32 $0xF4240, v3;
	v10 =	vadd.s32 $0x1E8480, v3;
	v3 =	vadd.s32 $0xF4240, v14;
	v14 =	vld [tilespmem:$0x180]  }
.LBB2_1:
0x29: {  	p0 =	sne.s32 s15, $0x1;
	s15 =	sadd.s32 $0xFFFFFFFF, s15;
	[tilespmem:$0x280] =	vst v6;
	v6 =	vld [tilespmem:$0x170]  }
0x2a: {  	[tilespmem:$0x300] =	vst v12;
	v12 =	vld [tilespmem:$0x160]  }
0x2b: {  	[tilespmem:$0x470] =	vst v8;
	v8 =	vld [tilespmem:$0x150]  }
0x2c: {  	[tilespmem:$0x4F0] =	vst v13;
	v13 =	vld [tilespmem:$0x140]  }
0x2d: {  	[tilespmem:$0x270] =	vst v4;
	v4 =	vld [tilespmem:$0x130];
	v15 =	vadd.s32 $0xF4240, v14;
	v14 =	vadd.s32 $0x1E8480, v14  }
0x2e: {  	[tilespmem:$0x2F0] =	vst v11;
	v11 =	vld [tilespmem:$0x120];
	v16 =	vadd.s32 $0xF4240, v6;
	v6 =	vadd.s32 $0x1E8480, v6  }
0x2f: {  	v17 =	vadd.s32 $0xF4240, v12;
	v12 =	vadd.s32 $0x1E8480, v12;
	[tilespmem:$0x580] =	vst v14  }
0x30: {  	[tilespmem:$0x420] =	vst v1;
	v1 =	vadd.s32 $0xF4240, v8;
	v8 =	vadd.s32 $0x1E8480, v8  }
0x31: {  	v14 =	vadd.s32 $0xF4240, v13;
	v13 =	vadd.s32 $0x1E8480, v13;
	[tilespmem:$0x380] =	vst v15  }
0x32: {  	[tilespmem:$0x4E0] =	vst v10;
	v10 =	vadd.s32 $0xF4240, v4;
	v4 =	vadd.s32 $0x1E8480, v4  }
0x33: {  	[tilespmem:$0x220] =	vst v0;
	v0 =	vadd.s32 $0xF4240, v11;
	v11 =	vadd.s32 $0x1E8480, v11  }
0x34: {  	[tilespmem:$0x570] =	vst v6  }
0x35: {  	[tilespmem:$0x370] =	vst v16  }
0x36: {  	[tilespmem:$0x2E0] =	vst v7  }
0x37: {  	[tilespmem:$0x560] =	vst v12  }
0x38: {  	[tilespmem:$0x4D0] =	vst v9  }
0x39: {  	[tilespmem:$0x360] =	vst v17  }
0x3a: {  	[tilespmem:$0x2D0] =	vst v3;
	v3 =	vld [tilespmem:$0x1B0]  }
0x3b: {  	[tilespmem:$0x550] =	vst v8;
	v6 =	vld [tilespmem:$0x1A0]  }
0x3c: {  	[tilespmem:$0x2C0] =	vst v5;
	v5 =	vld [tilespmem:$0x190]  }
0x3d: {  	[tilespmem:$0x4C0] =	vst v2  }
0x3e: {  	[tilespmem:$0x350] =	vst v1  }
0x3f: {  	[tilespmem:$0x540] =	vst v13;
	v1 =	vadd.s32 $0xF4240, v3;
	v2 =	vadd.s32 $0x1E8480, v3  }
0x40: {  	[tilespmem:$0x340] =	vst v14;
	v3 =	vadd.s32 $0xF4240, v6;
	v6 =	vadd.s32 $0x1E8480, v6  }
0x41: {  	v7 =	vadd.s32 $0xF4240, v5;
	v5 =	vadd.s32 $0x1E8480, v5;
	[tilespmem:$0x3B0] =	vst v1;
	v1 =	vld [tilespmem:$0x1D0]  }
0x42: {  	[tilespmem:$0x530] =	vst v4;
	v4 =	vld [tilespmem:$0x1C0]  }
0x43: {  	[tilespmem:$0x5B0] =	vst v2  }
0x44: {  	[tilespmem:$0x330] =	vst v10  }
0x45: {  	[tilespmem:$0x5A0] =	vst v6  }
0x46: {  	[tilespmem:$0x520] =	vst v11;
	v2 =	vadd.s32 $0xF4240, v1;
	v1 =	vadd.s32 $0x1E8480, v1  }
0x47: {  	[tilespmem:$0x3A0] =	vst v3;
	v3 =	vadd.s32 $0xF4240, v4;
	v4 =	vadd.s32 $0x1E8480, v4  }
0x48: {  	[tilespmem:$0x5D0] =	vst v1  }
0x49: {  	[tilespmem:$0x320] =	vst v0  }
0x4a: {  	[tilespmem:$0x3D0] =	vst v2  }
0x4b: {  	[tilespmem:$0x590] =	vst v5  }
0x4c: {  	[tilespmem:$0x5C0] =	vst v4  }
0x4d: {  	[tilespmem:$0x390] =	vst v7  }
0x4e: {  	[tilespmem:$0x3C0] =	vst v3  }
0x4f: {  	[tilespmem:s9], [sflag:$0x1] =	stream.indirect.gather [hbm4b:s7+s12], $0x1, s2, s12, $0xb8;
	[tilespmem:$0xC00] =	vst v63  }
0x50: {  	_ = 	snop  }
0x51: {  	[tilespmem:s10], [sflag:$0x1] =	stream.indirect.gather [hbm4b:s7+s12], $0x1, s12, s12, $0xb8;
	[tilespmem:$0xC00] =	vst v63  }
0x52: {  	_ = 	snop  }
0x53: {  	[tilespmem:s11], [sflag:$0x1] =	stream.indirect.gather [hbm4b:s7+s12], $0x1, s14, s12, $0xb8;
	[tilespmem:$0xC00] =	vst v63  }
0x54: {  	_ =	swait.ge [sflag:s13], $0x200  }
0x55: {  	[sflag:s13] =	ssyncset.done $0x0  }
0x56: {  	[sflag:s13] =	ssyncadd.s32 $0xFFFFFE00  }
0x57: {  	_ =	swait.ge [sflag:s13], $0x200  }
0x58: {  	[sflag:s13] =	ssyncset.done $0x0  }
0x59: {  	[sflag:s13] =	ssyncadd.s32 $0xFFFFFE00  }
0x5a: {  	_ =	swait.ge [sflag:s13], $0x200  }
0x5b: {  	[sflag:s13] =	ssyncset.done $0x0  }
0x5c: {  	[sflag:s13] =	ssyncadd.s32 $0xFFFFFE00  }
0x5d: {  	[hbm4b:s5+s2] =	stream.linear.scatter [tilespmem:s9], [sflag:$0x2], $0x200, $0x38;
	[tilespmem:$0xC00] =	vst v63  }
0x5e: {  	_ =	swait.ge [sflag:s3], $0x200  }
0x5f: {  	[sflag:s3] =	ssyncset.done $0x0  }
0x60: {  	[sflag:s3] =	ssyncadd.s32 $0xFFFFFE00  }
0x61: {  	[hbm4b:s6+s2] =	stream.linear.scatter [tilespmem:s10], [sflag:$0x2], $0x200, $0x38;
	[tilespmem:$0xC00] =	vst v63  }
0x62: {  	_ =	swait.ge [sflag:s3], $0x200  }
0x63: {  	[sflag:s3] =	ssyncset.done $0x0  }
0x64: {  	[sflag:s3] =	ssyncadd.s32 $0xFFFFFE00  }
0x65: {  	[hbm4b:s4+s2] =	stream.linear.scatter [tilespmem:s11], [sflag:$0x2], $0x200, $0x38;
	[tilespmem:$0xC00] =	vst v63  }
0x66: {  	_ =	swait.ge [sflag:s3], $0x200  }
0x67: {  	[sflag:s3] =	ssyncset.done $0x0  }
0x68: {  	[sflag:s3] =	ssyncadd.s32 $0xFFFFFE00  }
0x69: {  	[tilespmem:s2], [sflag:$0x2] =	stream.linear.gather [hbm4b:s8+s2], $0x200, $0x38;
	[tilespmem:$0xC00] =	vst v63  }
0x6a: {  	_ =	swait.ge [sflag:s3], $0x200  }
0x6b: {  	[sflag:s3] =	ssyncset.done $0x0  }
0x6c: {  	[sflag:s3] =	ssyncadd.s32 $0xFFFFFE00  }
0x6d: {  	v0 =	vld [tilespmem:$0x1F0]  }
0x6e: {  	v1 =	vld [tilespmem:$0x1E0]  }
0x6f: {  	v2 =	vld [tilespmem:$0x50]  }
0x70: {  	v3 =	vld [tilespmem:$0x60]  }
0x71: {  	v4 =	vld [tilespmem:$0x10]  }
0x72: {  	v5 =	vld [tilespmem:$0x0];
	v6 =	vadd.s32 $0xF4240, v0;
	v0 =	vadd.s32 $0x1E8480, v0  }
0x73: {  	v7 =	vld [tilespmem:$0x40];
	v8 =	vadd.s32 $0xF4240, v1;
	v1 =	vadd.s32 $0x1E8480, v1;
	[tilespmem:$0x3F0] =	vst v6  }
0x74: {  	v6 =	vld [tilespmem:$0x30];
	[tilespmem:$0x5F0] =	vst v0  }
0x75: {  	v0 =	vadd.s32 $0xF4240, v3;
	v3 =	vadd.s32 $0x1E8480, v3;
	v9 =	vld [tilespmem:$0xB0];
	[tilespmem:$0x3E0] =	vst v8  }
0x76: {  	v8 =	vadd.s32 $0xF4240, v4;
	v4 =	vadd.s32 $0x1E8480, v4;
	[tilespmem:$0x460] =	vst v3;
	v3 =	vld [tilespmem:$0xA0]  }
0x77: {  	v11 =	vadd.s32 $0xF4240, v2;
	v2 =	vadd.s32 $0x1E8480, v2;
	v10 =	vadd.s32 $0xF4240, v5;
	[tilespmem:$0x260] =	vst v0;
	v0 =	vld [tilespmem:$0x90]  }
0x78: {  	v5 =	vadd.s32 $0x1E8480, v5;
	v12 =	vadd.s32 $0xF4240, v7;
	v7 =	vadd.s32 $0x1E8480, v7;
	v13 =	vld [tilespmem:$0x80];
	[tilespmem:$0x5E0] =	vst v1  }
0x79: {  	v14 =	vadd.s32 $0xF4240, v6;
	v15 =	vadd.s32 $0x1E8480, v6;
	[tilespmem:$0x450] =	vst v2;
	v1 =	vld [tilespmem:$0x70]  }
0x7a: {  	[tilespmem:$0x400] =	vst v5;
	v2 =	vld [tilespmem:$0x20];
	v5 =	vadd.s32 $0xF4240, v9;
	v9 =	vadd.s32 $0x1E8480, v9  }
0x7b: {  	[tilespmem:$0x410] =	vst v4;
	v16 =	vadd.s32 $0xF4240, v3;
	v3 =	vadd.s32 $0x1E8480, v3  }
0x7c: {  	v17 =	vadd.s32 $0xF4240, v0;
	v18 =	vadd.s32 $0x1E8480, v0;
	[tilespmem:$0x2B0] =	vst v5  }
0x7d: {  	[tilespmem:$0x210] =	vst v8;
	v6 =	vadd.s32 $0xF4240, v13;
	v5 =	vadd.s32 $0x1E8480, v13  }
0x7e: {  	v4 =	vadd.s32 $0xF4240, v1;
	v8 =	vadd.s32 $0x1E8480, v1;
	[tilespmem:$0x4B0] =	vst v9  }
0x7f: {  	[tilespmem:$0x200] =	vst v10;
	v0 =	vadd.s32 $0xF4240, v2;
	v1 =	vadd.s32 $0x1E8480, v2  }
0x80: {  	[tilespmem:$0x240] =	vst v12  }
0x81: {  	[tilespmem:$0x250] =	vst v11;
	v2 =	vld [tilespmem:$0x110]  }
0x82: {  	[tilespmem:$0x2A0] =	vst v16;
	v9 =	vld [tilespmem:$0x100]  }
0x83: {  	[tilespmem:$0x4A0] =	vst v3;
	v3 =	vld [tilespmem:$0xF0]  }
0x84: {  	[tilespmem:$0x440] =	vst v7;
	v10 =	vld [tilespmem:$0xE0]  }
0x85: {  	[tilespmem:$0x490] =	vst v18;
	v16 =	vld [tilespmem:$0xD0]  }
0x86: {  	[tilespmem:$0x290] =	vst v17;
	v17 =	vld [tilespmem:$0xC0];
	v18 =	vadd.s32 $0xF4240, v2;
	v2 =	vadd.s32 $0x1E8480, v2  }
0x87: {  	[tilespmem:$0x230] =	vst v14;
	v12 =	vadd.s32 $0xF4240, v9;
	v14 =	vadd.s32 $0x1E8480, v9  }
.Ltmp1:
0x88: {  	v11 =	vadd.s32 $0xF4240, v3;
	v13 =	vadd.s32 $0x1E8480, v3;
	[tilespmem:$0x510] =	vst v2;
	(pc) =	sbr.rel @p0 .LBB2_1-.Ltmp1, $4  }
0x89: {  	[tilespmem:$0x430] =	vst v15;
	v7 =	vadd.s32 $0xF4240, v10;
	v10 =	vadd.s32 $0x1E8480, v10  }
0x8a: {  	v3 =	vadd.s32 $0xF4240, v16;
	v9 =	vadd.s32 $0x1E8480, v16;
	[tilespmem:$0x310] =	vst v18  }
0x8b: {  	[tilespmem:$0x480] =	vst v5;
	v5 =	vadd.s32 $0xF4240, v17;
	v2 =	vadd.s32 $0x1E8480, v17  }
0x8c: {  	[tilespmem:$0x500] =	vst v14;
	v14 =	vld [tilespmem:$0x180]  }
.LBB2_2:
0x8d: {  	[tilespmem:$0x280] =	vst v6  }
0x8e: {  	[tilespmem:$0x300] =	vst v12  }
0x8f: {  	[tilespmem:$0x470] =	vst v8  }
0x90: {  	[tilespmem:$0x4F0] =	vst v13  }
0x91: {  	[tilespmem:$0x270] =	vst v4  }
0x92: {  	[tilespmem:$0x2F0] =	vst v11  }
0x93: {  	[tilespmem:$0x420] =	vst v1  }
0x94: {  	[tilespmem:$0x4E0] =	vst v10  }
0x95: {  	[tilespmem:$0x220] =	vst v0  }
0x96: {  	[tilespmem:$0x2E0] =	vst v7  }
0x97: {  	v33 =	vld [tilespmem:$0x170];
	[tilespmem:$0x4D0] =	vst v9  }
0x98: {  	[tilespmem:$0x2D0] =	vst v3  }
0x99: {  	v36 =	vld [tilespmem:$0x160];
	[tilespmem:$0x2C0] =	vst v5  }
0x9a: {  	[tilespmem:$0x4C0] =	vst v2;
	v34 =	vadd.s32 $0x1E8480, v14  }
0x9b: {  	v39 =	vld [tilespmem:$0x150];
	v35 =	vadd.s32 $0xF4240, v14;
	[tilespmem:$0x580] =	vst v34  }
0x9c: {  	[tilespmem:$0x380] =	vst v35;
	v37 =	vadd.s32 $0x1E8480, v33  }
0x9d: {  	v42 =	vld [tilespmem:$0x140];
	v38 =	vadd.s32 $0xF4240, v33;
	[tilespmem:$0x570] =	vst v37  }
0x9e: {  	v40 =	vadd.s32 $0x1E8480, v36;
	[tilespmem:$0x370] =	vst v38  }
0x9f: {  	v44 =	vld [tilespmem:$0x1B0];
	v41 =	vadd.s32 $0xF4240, v36;
	[tilespmem:$0x560] =	vst v40  }
0xa0: {  	v45 =	vld [tilespmem:$0x130];
	v43 =	vadd.s32 $0x1E8480, v39;
	[tilespmem:$0x360] =	vst v41  }
0xa1: {  	v4 =	vadd.s32 $0xF4240, v39;
	[tilespmem:$0x550] =	vst v43  }
0xa2: {  	v46 =	vadd.s32 $0x1E8480, v42;
	[tilespmem:$0x350] =	vst v4  }
0xa3: {  	v47 =	vld [tilespmem:$0x1A0];
	v1 =	vadd.s32 $0xF4240, v42;
	[tilespmem:$0x540] =	vst v46  }
0xa4: {  	v48 =	vld [tilespmem:$0x120];
	v49 =	vadd.s32 $0xF4240, v44;
	[tilespmem:$0x340] =	vst v1  }
0xa5: {  	v50 =	vadd.s32 $0x1E8480, v45;
	[tilespmem:$0x3B0] =	vst v49  }
0xa6: {  	v51 =	vld [tilespmem:$0x1D0];
	v3 =	vadd.s32 $0x1E8480, v44;
	[tilespmem:$0x530] =	vst v50  }
0xa7: {  	v0 =	vadd.s32 $0xF4240, v45;
	[tilespmem:$0x5B0] =	vst v3  }
0xa8: {  	v52 =	vadd.s32 $0x1E8480, v47;
	[tilespmem:$0x330] =	vst v0  }
0xa9: {  	v54 =	vld [tilespmem:$0x190];
	v53 =	vadd.s32 $0x1E8480, v48;
	[tilespmem:$0x5A0] =	vst v52  }
0xaa: {  	v56 =	vld [tilespmem:$0x1C0];
	v55 =	vadd.s32 $0xF4240, v47;
	[tilespmem:$0x520] =	vst v53  }
0xab: {  	v57 =	vadd.s32 $0x1E8480, v51;
	[tilespmem:$0x3A0] =	vst v55  }
0xac: {  	v58 =	vadd.s32 $0xF4240, v48;
	[tilespmem:$0x5D0] =	vst v57  }
0xad: {  	v59 =	vadd.s32 $0xF4240, v51;
	[tilespmem:$0x320] =	vst v58  }
0xae: {  	v60 =	vadd.s32 $0x1E8480, v54;
	[tilespmem:$0x3D0] =	vst v59  }
0xaf: {  	v61 =	vadd.s32 $0x1E8480, v56;
	[tilespmem:$0x590] =	vst v60  }
0xb0: {  	v62 =	vadd.s32 $0xF4240, v54;
	[tilespmem:$0x5C0] =	vst v61  }
0xb1: {  	v63 =	vadd.s32 $0xF4240, v56;
	[tilespmem:$0x390] =	vst v62  }
0xb2: {  	[tilespmem:$0x3C0] =	vst v63  }
0xb3: {  	[tilespmem:s9], [sflag:$0x1] =	stream.indirect.gather [hbm4b:s7+s12], $0x1, s2, s12, $0xb8;
	[tilespmem:$0xC00] =	vst v63  }
0xb4: {  	_ = 	snop  }
0xb5: {  	[tilespmem:s10], [sflag:$0x1] =	stream.indirect.gather [hbm4b:s7+s12], $0x1, s12, s12, $0xb8;
	[tilespmem:$0xC00] =	vst v63  }
0xb6: {  	_ = 	snop  }
0xb7: {  	[tilespmem:s11], [sflag:$0x1] =	stream.indirect.gather [hbm4b:s7+s12], $0x1, s14, s12, $0xb8;
	[tilespmem:$0xC00] =	vst v63  }
0xb8: {  	_ =	swait.ge [sflag:s13], $0x200  }
0xb9: {  	[sflag:s13] =	ssyncset.done $0x0  }
0xba: {  	[sflag:s13] =	ssyncadd.s32 $0xFFFFFE00  }
0xbb: {  	_ =	swait.ge [sflag:s13], $0x200  }
0xbc: {  	[sflag:s13] =	ssyncset.done $0x0  }
0xbd: {  	[sflag:s13] =	ssyncadd.s32 $0xFFFFFE00  }
0xbe: {  	_ =	swait.ge [sflag:s13], $0x200  }
0xbf: {  	[sflag:s13] =	ssyncset.done $0x0  }
0xc0: {  	[sflag:s13] =	ssyncadd.s32 $0xFFFFFE00  }
0xc1: {  	[hbm4b:s5+s2] =	stream.linear.scatter [tilespmem:s9], [sflag:$0x2], $0x200, $0x38;
	[tilespmem:$0xC00] =	vst v63  }
0xc2: {  	_ =	swait.ge [sflag:s3], $0x200  }
0xc3: {  	[sflag:s3] =	ssyncset.done $0x0  }
0xc4: {  	[sflag:s3] =	ssyncadd.s32 $0xFFFFFE00  }
0xc5: {  	[hbm4b:s6+s2] =	stream.linear.scatter [tilespmem:s10], [sflag:$0x2], $0x200, $0x38;
	[tilespmem:$0xC00] =	vst v63  }
0xc6: {  	_ =	swait.ge [sflag:s3], $0x200  }
0xc7: {  	[sflag:s3] =	ssyncset.done $0x0  }
0xc8: {  	[sflag:s3] =	ssyncadd.s32 $0xFFFFFE00  }
0xc9: {  	[hbm4b:s4+s2] =	stream.linear.scatter [tilespmem:s11], [sflag:$0x2], $0x200, $0x38;
	[tilespmem:$0xC00] =	vst v63  }
0xca: {  	_ =	swait.ge [sflag:s3], $0x200  }
0xcb: {  	[sflag:s3] =	ssyncset.done $0x0  }
0xcc: {  	[sflag:s3] =	ssyncadd.s32 $0xFFFFFE00  }
0xcd: {  	_ =	sfence.sel $0x180000  }
0xce: {  	[bflag:$0x0] =	sbarrier.arrive $0xFFFF  }
0xcf: {  	p0 =	sne.s32 s1, $0x0;
	_ =	strace $0x90000047  }
0xd0: {  	s0 =	sadd.s32 @!p0 $0x100000, s0;
	[bflag:$0x2] =	sbarrier.arrive $0xFFFF  }
0xd1: {  	[sflag:s0] =	ssyncadd.tile.s32 @!p0 $0x1;
	_ =	shalt  }
.Lfunc_end2:
_tile_overlayer_lowered:
.L_overlay_start_2:
0xd2: {  	(tag) =	ssettag $0x2  }
0xd3: {  	s0 =	rddreg [dreg:$0x0];
	s2 =	stileid.u32  }
0xd4: {  	s1 =	rddreg [dreg:$0x1];
	p0 =	sne.s32 s2, $0x0  }
0xd5: {  	s3 =	rddreg [dreg:$0x2];
	[bflag:$0x3] =	sbarrier.arrive $0xFFFF;
	s2 =	simm.s32 @!p0 $0x1C02  }
0xd6: {  	[timem:s3], [sflag:s2] =	dma.local @!p0 [hbm:s0], s1  }
0xd7: {  	s0 =	simm.s32 @!p0 $0x2  }
0xd8: {  	_ =	swait.ge @!p0 [sflag:s0], s1  }
0xd9: {  	s1 =	ssub.s32 @!p0 $0x0, s1;
	[sflag:s0] =	ssyncset.done @!p0 $0x0  }
0xda: {  	[sflag:s0] =	ssyncadd.s32 @!p0 s1  }
0xdb: {  	[bflag:$0x3] =	sbarrier.arrive $0xFFFF  }
0xdc: {  	_ =	shalt  }

// kernel: kernel.8.cloned.1.call-start
scs
__scs_entry_jumppad:
0x0: {  	(pc) =	sbr.rel $0x88, $3  }
0x1: {  	(tag) =	ssettag $0x0;
	lr =	simm.s32 $0x1  }
0x2: {  	[smem:$0x3F8F] =	sst lr;
	_ =	strace $0xD0000000  }
0x3: {  	_ = 	snop  }
0x4: {  	_ = 	snop  }
0x5: {  	_ = 	snop  }
0x6: {  	_ = 	snop  }
0x7: {  	_ = 	snop  }
__scs_overlays_trampoline_lowered:
0x8: {  	[smem:$0x3F9E] =	sst s0  }
0x9: {  	[smem:$0x3F9F] =	sst s1  }
0xa: {  	[smem:$0x3FA0] =	sst s2  }
0xb: {  	[smem:$0x3FA1] =	sst s3  }
0xc: {  	[smem:$0x3FA2] =	sst s4  }
0xd: {  	[smem:$0x3FA3] =	sst s5  }
0xe: {  	[smem:$0x3FA4] =	sst s6  }
0xf: {  	[smem:$0x3FA5] =	sst s7  }
0x10: {  	[smem:$0x3FA6] =	sst s8  }
0x11: {  	[smem:$0x3FA7] =	sst s9;
	s0 =	simm.s32 @!p0 $0x0  }
0x12: {  	s1 =	sld [smem:$0x3F8D];
	s0 =	simm.s32 @p0 $0x1  }
0x13: {  	[smem:$0x3FA8] =	sst s0;
	s0 =	simm.s32 @!p1 $0x0  }
0x14: {  	s2 =	sld [smem:$0x3F8C];
	s0 =	simm.s32 @p1 $0x1  }
0x15: {  	[smem:$0x3FA9] =	sst s0;
	s0 =	simm.s32 @!p2 $0x0  }
0x16: {  	s3 =	sld [smem:$0x3FDB];
	s0 =	simm.s32 @p2 $0x1  }
0x17: {  	s4 =	simm.s32 $0x1BF5;
	[smem:$0x3FAB] =	sst s0  }
0x18: {  	s0 =	sld [smem:$0x3F8E];
	_ =	swait.ge [sflag:s4], $0x0  }
0x19: {  	s7 =	sld [smem:$0x3F8F]  }
0x1a: {  	s8 =	sadd.s32 $0xFFFFE003, lr  }
0x1b: {  	s9 =	sadd.s32 $0xFFFFFEF7, lr;
	s5 =	simm.s32 $0xFFFFFFFF;
	p2 =	slt.u32 s8, $0xFFFFF086  }
0x1c: {  	p1 =	slt.u32 s9, $0xF7A;
	s5 =	simm.s32 @!p2 $0x0  }
0x1d: {  	s5 =	simm.s32 @p1 $0x1;
	p0 =	seq.s32 s7, s2  }
0x1e: {  	s7 =	smul.u32 @!p0 $0xF7A, s2;
	p2 =	seq.s32 @!p0 s5, $0x0  }
0x1f: {  	s9 =	smul.u32 $0xF7A, s1;
	s8 =	simm.s32 @!p0 $0x1BF5;
	p2 =	por !p2, p0  }
0x20: {  	[sflag:s8] =	ssyncset.s32 @!p0 $0xFFFFF086;
	s6 =	sadd.s32 @!p0 s3, s7;
	s7 =	simm.s32 @!p0 $0x108  }
0x21: {  	s3 =	sadd.s32 s3, s9;
	s6 =	sadd.s32 @!p0 $0x88, s6;
	s7 =	simm.s32 @p2 $0x1082  }
0x22: {  	[simem:s7], [sflag:s8] =	dma.local @!p0 [hbm:s6], $0xF7A  }
0x23: {  	s9 =	sor.u32 $0xD0000000, s2;
	s6 =	simm.s32 $0x108;
	_ =	swait.ge @!p0 [sflag:s8], $0x0  }
0x24: {  	s3 =	sadd.s32 $0x88, s3;
	s6 =	simm.s32 @!p1 $0x1082;
	[sflag:s4] =	ssyncset.s32 $0xFFFFF086  }
0x25: {  	[simem:s6], [sflag:s4] =	dma.local [hbm:s3], $0xF7A  }
0x26: {  	[smem:$0x3F8F] =	sst s1;
	(tag) =	ssettag s2;
	_ =	strace s9  }
0x27: {  	s1 =	sld [smem:$0x3F9F]  }
0x28: {  	s2 =	sld [smem:$0x3FA0]  }
0x29: {  	s4 =	sld [smem:$0x3FA2]  }
0x2a: {  	p0 =	seq.s32 s5, $0x0;
	s5 =	sld [smem:$0x3FA3]  }
0x2b: {  	s6 =	sld [smem:$0x3FA4]  }
0x2c: {  	s7 =	sld [smem:$0x3FA5]  }
0x2d: {  	s3 =	simm.s32 $0x108;
	s8 =	sld [smem:$0x3FA6]  }
0x2e: {  	s3 =	simm.s32 @!p0 $0x1082;
	s9 =	sld [smem:$0x3FA7]  }
0x2f: {  	lr =	sadd.s32 s0, s3;
	s0 =	sld [smem:$0x3F9E]  }
0x30: {  	s3 =	sld [smem:$0x3FA1]  }
0x31: {  	[smem:$0x3FAA] =	sst s10  }
0x32: {  	s10 =	sld [smem:$0x3FA8];
	_ =	sdelay $0x3  }
0x33: {  	p0 =	seq.s32 s10, $0x1;
	s10 =	sld [smem:$0x3FAA];
	_ =	sdelay $0x3  }
0x34: {  	[smem:$0x3FAA] =	sst s10  }
0x35: {  	s10 =	sld [smem:$0x3FA9];
	_ =	sdelay $0x3  }
0x36: {  	p1 =	seq.s32 s10, $0x1;
	s10 =	sld [smem:$0x3FAA];
	_ =	sdelay $0x3  }
0x37: {  	[smem:$0x3FAA] =	sst s10  }
0x38: {  	s10 =	sld [smem:$0x3FAB]  }
0x39: {  	_ = 	snop;
	(pc) =	sbr.ind lr, $3  }
0x3a: {  	_ = 	snop  }
0x3b: {  	_ = 	snop  }
0x3c: {  	p2 =	seq.s32 s10, $0x1;
	s10 =	sld [smem:$0x3FAA]  }
0x3d: {  	_ =	shalt  }
0x3e: {  	_ =	shalt  }
0x3f: {  	_ =	shalt  }
0x40: {  	_ =	shalt  }
0x41: {  	_ =	shalt  }
0x42: {  	_ =	shalt  }
0x43: {  	_ =	shalt  }
0x44: {  	_ =	shalt  }
0x45: {  	_ =	shalt  }
0x46: {  	_ =	shalt  }
0x47: {  	_ =	shalt  }
0x48: {  	_ =	shalt  }
0x49: {  	_ =	shalt  }
0x4a: {  	_ =	shalt  }
0x4b: {  	_ =	shalt  }
0x4c: {  	_ =	shalt  }
0x4d: {  	_ =	shalt  }
0x4e: {  	_ =	shalt  }
0x4f: {  	_ =	shalt  }
0x50: {  	_ =	shalt  }
0x51: {  	_ =	shalt  }
0x52: {  	_ =	shalt  }
0x53: {  	_ =	shalt  }
0x54: {  	_ =	shalt  }
0x55: {  	_ =	shalt  }
0x56: {  	_ =	shalt  }
0x57: {  	_ =	shalt  }
0x58: {  	_ =	shalt  }
0x59: {  	_ =	shalt  }
0x5a: {  	_ =	shalt  }
0x5b: {  	_ =	shalt  }
0x5c: {  	_ =	shalt  }
0x5d: {  	_ =	shalt  }
0x5e: {  	_ =	shalt  }
0x5f: {  	_ =	shalt  }
0x60: {  	_ =	shalt  }
0x61: {  	_ =	shalt  }
0x62: {  	_ =	shalt  }
0x63: {  	_ =	shalt  }
0x64: {  	_ =	shalt  }
0x65: {  	_ =	shalt  }
0x66: {  	_ =	shalt  }
0x67: {  	_ =	shalt  }
0x68: {  	_ =	shalt  }
0x69: {  	_ =	shalt  }
0x6a: {  	_ =	shalt  }
0x6b: {  	_ =	shalt  }
0x6c: {  	_ =	shalt  }
0x6d: {  	_ =	shalt  }
0x6e: {  	_ =	shalt  }
0x6f: {  	_ =	shalt  }
0x70: {  	_ =	shalt  }
0x71: {  	_ =	shalt  }
0x72: {  	_ =	shalt  }
0x73: {  	_ =	shalt  }
0x74: {  	_ =	shalt  }
0x75: {  	_ =	shalt  }
0x76: {  	_ =	shalt  }
0x77: {  	_ =	shalt  }
0x78: {  	_ =	shalt  }
0x79: {  	_ =	shalt  }
0x7a: {  	_ =	shalt  }
0x7b: {  	_ =	shalt  }
0x7c: {  	_ =	shalt  }
0x7d: {  	_ =	shalt  }
0x7e: {  	_ =	shalt  }
0x7f: {  	_ =	shalt  }
0x80: {  	_ =	shalt  }
0x81: {  	_ =	shalt  }
0x82: {  	_ =	shalt  }
0x83: {  	_ =	shalt  }
0x84: {  	_ =	shalt  }
0x85: {  	_ =	shalt  }
0x86: {  	_ =	shalt  }
0x87: {  	_ =	shalt  }
.Lfunc_end0:
.L_simem_size_0:
called_computation.1_lowered:
.L_overlay_start_0:
0x88: {  	s2 =	sld [smem:$0x3FD9]  }
0x89: {  	s3 =	sld [smem:$0x3FFE];
	_ =	sdelay $0x1  }
0x8a: {  	s1 =	srdreg.scid  }
0x8b: {  	s0 =	sand.u32 $0x1, s1  }
0x8c: {  	s17 =	sshll.u32 s0, $0xA;
	s2 =	sadd.s32 s3, s2  }
0x8d: {  	s2 =	sadd.s32 s2, s17  }
0x8e: {  	[smem:$0x3FB6] =	sst s2  }
0x8f: {  	_ = 	snop  }
0x90: {  	(tm) =	ssettm $0x1  }
0x91: {  	s18 =	sld [smem:$0x3FFB];
	_ =	sdelay $0x3  }
0x92: {  	_ =	strace s18  }
0x93: {  	s2 =	sld [smem:$0x3FFC];
	_ =	sdelay $0x3  }
0x94: {  	_ =	strace s2  }
0x95: {  	s2 =	sld [smem:$0x3FFD];
	_ =	sdelay $0x3  }
0x96: {  	_ =	strace s2  }
0x97: {  	_ =	strace $0x8FFFFFFF  }
0x98: {  	s19 =	sld [smem:$0x3FDB];
	_ =	sdelay $0x1  }
0x99: {  	s20 =	simm.s32 $_scs_section_size  }
0x9a: {  	s4 =	simm.s32 $_size__tile_overlayer_lowered;
	s5 =	simm.s32 $_tile_overlayer_lowered  }
0x9b: {  	s6 =	simm.s32 $0x1BFF;
	s21 =	sshll.u32 s5, $0x1;
	s3 =	sadd.s32 s20, s19  }
0x9c: {  	s22 =	simm.s32 $0x0;
	s4 =	sshll.u32 s4, $0x1;
	s5 =	sadd.s32 s21, s3  }
0x9d: {  	[timem:s22], [sflag:s6] =	dma.local [hbm:s5], s4  }
0x9e: {  	_ =	swait.ge [sflag:s6], s4  }
0x9f: {  	s4 =	ssub.s32 $0x0, s4;
	[sflag:s6] =	ssyncset.done $0x0  }
0xa0: {  	[sflag:s6] =	ssyncadd.s32 s4;
	_ =	sdelay $0x1  }
0xa1: {  	s23 =	simm.s32 $0x1B8B  }
0xa2: {  	_ =	swait.ge [sflag:s23], $0x1  }
0xa3: {  	[sflag:s23] =	ssyncset.done $0x0  }
0xa4: {  	[sflag:s23] =	ssyncadd.s32 $0xFFFFFFFF  }
0xa5: {  	s4 =	sld [smem:$0x0]  }
0xa6: {  	s5 =	sand.u32 $0xFFFFFFFE, s1  }
0xa7: {  	p0 =	sne.s32 s1, s5  }
0xa8: {  	s5 =	sshll.u32 @p0 s5, $0xE  }
0xa9: {  	s5 =	sadd.s32 @p0 $0x11B8D, s5;
	s6 =	sshll.u32 @p0 s4, $0x11  }
0xaa: {  	s5 =	sor.u32 @p0 s6, s5  }
0xab: {  	[sflag:s5] =	ssyncadd.remote.s32 @p0 $0x1;
	_ =	sdelay $0x1  }
0xac: {  	s5 =	simm.s32 @p0 $0x1B8D  }
0xad: {  	_ =	swait.eq @p0 [sflag:s5], $0x1  }
0xae: {  	[sflag:s5] =	ssyncadd.s32 @p0 $0xFFFFFFFF  }
0xaf: {  	s6 =	sshll.u32 @!p0 s1, $0xE  }
0xb0: {  	s6 =	sor.u32 @!p0 $0x4000, s6;
	s5 =	simm.s32 @!p0 $0x1B8D  }
0xb1: {  	s4 =	sshll.u32 @!p0 s4, $0x11;
	s6 =	sadd.s32 @!p0 $0x11B8D, s6;
	_ =	swait.eq @!p0 [sflag:s5], $0x1  }
0xb2: {  	s4 =	sor.u32 @!p0 s4, s6;
	[sflag:s5] =	ssyncadd.s32 @!p0 $0xFFFFFFFF  }
0xb3: {  	s25 =	simm.s32 $0x1B8E;
	s24 =	sld [smem:$0x3FFE];
	[sflag:s4] =	ssyncadd.remote.s32 @!p0 $0x1  }
0xb4: {  	s26 =	simm.s32 $execute0_lowered;
	[smem:$0x3FD2] =	sst s25  }
0xb5: {  	s5 =	sshll.u32 s26, $0x1;
	_ =	strace $0x80000049;
	[dreg:$0x1] =	wrdreg $0xFFFFFFFF  }
0xb6: {  	s28 =	simm.s32 $_size_execute0_lowered;
	s3 =	sadd.s32 s3, s5;
	[dreg:$0x0] =	wrdreg $0x0  }
0xb7: {  	s5 =	sshll.u32 s28, $0x1;
	[dreg:$0x2] =	wrdreg s3  }
0xb8: {  	[dreg:$0x3] =	wrdreg s5  }
0xb9: {  	[dreg:$0x4] =	wrdreg $0xC0  }
0xba: {  	_ =	task [dreg:s22], $0x5FFFF  }
0xbb: {  	[dreg:$0x1] =	wrdreg $0xFFFFFFFF  }
0xbc: {  	[dreg:$0x0] =	wrdreg $0x60  }
0xbd: {  	[dreg:$0x2] =	wrdreg s24  }
0xbe: {  	[dreg:$0x3] =	wrdreg $0xA  }
0xbf: {  	_ =	task.clear_ibuf [dreg:s22], $0x4FFFF;
	_ =	strace $0x90000049  }
0xc0: {  	s29 =	simm.s32 $0xA;
	_ =	strace $0x8000004B  }
0xc1: {  	_ =	swait.ge [sflag:s29], $0x1  }
0xc2: {  	[sflag:s29] =	ssyncadd.s32 $0xFFFFFFFF  }
0xc3: {  	_ =	strace $0x9000004B  }
0xc4: {  	_ =	sfence  }
0xc5: {  	s30 =	sld [smem:$0x0];
	_ =	sdelay $0x2  }
0xc6: {  	s31 =	sshll.u32 s1, $0xD;
	s1 =	sshrl.u32 s1, $0x2  }
0xc7: {  	s4 =	sand.u32 $0x4000, s31;
	s1 =	sadd.s32 s1, s30  }
0xc8: {  	s0 =	sor.u32 s4, s0;
	s1 =	sshll.u32 s1, $0x11  }
0xc9: {  	s0 =	sor.u32 s1, s0  }
0xca: {  	s0 =	sadd.s32 $0x8F2B, s0  }
0xcb: {  	[sflag:s0] =	ssyncadd.remote.s32 $0x1  }
0xcc: {  	_ =	sfence.sel $0xFFFF  }
0xcd: {  	[dreg:$0x0] =	wrdreg $0xFFFFFFFF;
	(pc) =	sbr.abs _section_cstart, $3  }
0xce: {  	[dreg:$0x1] =	wrdreg $0xFFFFFFFF  }
0xcf: {  	_ =	task.clear_ibuf [dreg:s22], $0x2FFFF;
	_ =	strace $0x9FFFFFFF  }
0xd0: {  	(tm) =	ssettm $0x7FFFFFFF  }
0xd1: {  	_ =	shalt  }
tec
execute0_lowered:
.L_overlay_start_1:
0x0: {  	(tag) =	ssettag $0x1  }
0x1: {  	s1 =	srdreg.scid  }
0x2: {  	s0 =	stileid.u32;
	s6 =	sand.u32 $0x1, s1  }
0x3: {  	s5 =	rddreg [dreg:$0x0];
	s3 =	sshll.u32 s0, $0x7;
	s4 =	sshll.u32 s6, $0x6  }
0x4: {  	s2 =	simm.s32 $0x0;
	s1 =	rddreg [dreg:$0x1];
	s3 =	sor.u32 s4, s3  }
0x5: {  	[smem:$0x7FF] =	sst s2;
	s4 =	sadd.s32 s3, s5  }
0x6: {  	_ =	strace $0x8000004A;
	s3 =	simm.s32 $0x2;
	s8 =	sadd.s32 $0x3800, s4  }
0x7: {  	[tilespmem:s2], [sflag:$0x2] =	stream.linear.gather [hbm4b:s8+s2], $0x200, $0x38;
	[tilespmem:$0xC00] =	vst v63  }
0x8: {  	_ =	swait.ge [sflag:s3], $0x200  }
0x9: {  	[sflag:s3] =	ssyncset.done $0x0  }
0xa: {  	[sflag:s3] =	ssyncadd.s32 $0xFFFFFE00  }
0xb: {  	v0 =	vld [tilespmem:$0x1F0];
	_ =	sdelay $0x1  }
0xc: {  	v1 =	vld [tilespmem:$0x1E0]  }
0xd: {  	v2 =	vld [tilespmem:$0x60];
	_ =	sdelay $0x1  }
0xe: {  	v3 =	vadd.s32 $0xF4240, v0  }
0xf: {  	v4 =	vld [tilespmem:$0x50];
	v0 =	vadd.s32 $0x1E8480, v0;
	[tilespmem:$0x3F0] =	vst v3  }
0x10: {  	v5 =	vadd.s32 $0xF4240, v1;
	v3 =	vld [tilespmem:$0x0];
	[tilespmem:$0x5F0] =	vst v0  }
0x11: {  	v6 =	vadd.s32 $0x1E8480, v2;
	v0 =	vld [tilespmem:$0x10];
	[tilespmem:$0x3E0] =	vst v5  }
0x12: {  	v2 =	vadd.s32 $0xF4240, v2;
	[tilespmem:$0x460] =	vst v6  }
0x13: {  	v1 =	vadd.s32 $0x1E8480, v1;
	v5 =	vld [tilespmem:$0xB0];
	[tilespmem:$0x260] =	vst v2  }
0x14: {  	v2 =	vadd.s32 $0x1E8480, v4;
	[tilespmem:$0x5E0] =	vst v1  }
0x15: {  	[tilespmem:$0x450] =	vst v2;
	v1 =	vadd.s32 $0x1E8480, v3  }
0x16: {  	v2 =	vld [tilespmem:$0x40];
	v6 =	vadd.s32 $0x1E8480, v0;
	[tilespmem:$0x400] =	vst v1  }
0x17: {  	v0 =	vadd.s32 $0xF4240, v0;
	[tilespmem:$0x410] =	vst v6  }
0x18: {  	v7 =	vld [tilespmem:$0x80];
	v1 =	vadd.s32 $0xF4240, v5;
	[tilespmem:$0x210] =	vst v0  }
0x19: {  	v6 =	vld [tilespmem:$0xA0];
	v5 =	vadd.s32 $0x1E8480, v5;
	[tilespmem:$0x2B0] =	vst v1  }
0x1a: {  	v8 =	vld [tilespmem:$0x70];
	v0 =	vadd.s32 $0xF4240, v3;
	[tilespmem:$0x4B0] =	vst v5  }
0x1b: {  	v3 =	vld [tilespmem:$0x90];
	v5 =	vadd.s32 $0xF4240, v2;
	[tilespmem:$0x200] =	vst v0  }
0x1c: {  	v10 =	vld [tilespmem:$0x100];
	v0 =	vadd.s32 $0xF4240, v4;
	[tilespmem:$0x240] =	vst v5  }
0x1d: {  	v1 =	vld [tilespmem:$0x30];
	v2 =	vadd.s32 $0x1E8480, v2;
	[tilespmem:$0x250] =	vst v0  }
0x1e: {  	v9 =	vld [tilespmem:$0x110];
	[tilespmem:$0x440] =	vst v2;
	v4 =	vadd.s32 $0xF4240, v6  }
0x1f: {  	s6 =	ssub.s32 $0x2, s6;
	v13 =	vld [tilespmem:$0xF0];
	v0 =	vadd.s32 $0x1E8480, v6;
	[tilespmem:$0x2A0] =	vst v4  }
0x20: {  	s9 =	sshrl.u32 s6, $0x1;
	v14 =	vld [tilespmem:$0xD0];
	v2 =	vadd.s32 $0xF4240, v3;
	[tilespmem:$0x4A0] =	vst v0  }
0x21: {  	s9 =	ssub.s32 s6, s9;
	v5 =	vld [tilespmem:$0x20];
	v0 =	vadd.s32 $0x1E8480, v3;
	[tilespmem:$0x290] =	vst v2  }
0x22: {  	s15 =	smax.u32 s9, $0x1;
	v15 =	vld [tilespmem:$0xC0];
	v12 =	vadd.s32 $0xF4240, v10;
	v11 =	vadd.s32 $0x1E8480, v1;
	[tilespmem:$0x490] =	vst v0  }
0x23: {  	s12 =	simm.s32 $0x200;
	p0 =	sne.s32 s15, $0x1;
	v16 =	vadd.s32 $0x1E8480, v10;
	v6 =	vadd.s32 $0xF4240, v7;
	v3 =	vld [tilespmem:$0xE0];
	v2 =	vadd.s32 $0x1E8480, v7;
	[tilespmem:$0x430] =	vst v11  }
.Ltmp0:
0x24: {  	s10 =	simm.s32 $0x800;
	v4 =	vadd.s32 $0xF4240, v8;
	v8 =	vadd.s32 $0x1E8480, v8;
	v0 =	vadd.s32 $0xF4240, v1;
	[tilespmem:$0x480] =	vst v2;
	(pc) =	sbr.rel @!p0 .LBB2_2-.Ltmp0, $4  }
0x25: {  	s14 =	simm.s32 $0x400;
	s11 =	simm.s32 $0xA00;
	v1 =	vadd.s32 $0x1E8480, v9;
	v11 =	vadd.s32 $0xF4240, v13;
	v13 =	vadd.s32 $0x1E8480, v13;
	[tilespmem:$0x230] =	vst v0  }
0x26: {  	s7 =	sadd.s32 $0x61200, s5;
	s5 =	sadd.s32 $0xBCC00, s4;
	v0 =	vadd.s32 $0xF4240, v5;
	[tilespmem:$0x510] =	vst v1;
	v1 =	vadd.s32 $0x1E8480, v5;
	v5 =	vadd.s32 $0xF4240, v9  }
0x27: {  	s6 =	sadd.s32 $0xBD400, s4;
	s4 =	sadd.s32 $0xBDC00, s4;
	v2 =	vadd.s32 $0x1E8480, v15;
	v9 =	vadd.s32 $0x1E8480, v14;
	[tilespmem:$0x310] =	vst v5;
	v5 =	vadd.s32 $0xF4240, v15  }
0x28: {  	s13 =	simm.s32 $0x1;
	s9 =	simm.s32 $0x600;
	s15 =	sadd.s32 $0xFFFFFFFF, s15;
	[tilespmem:$0x500] =	vst v16;
	v7 =	vadd.s32 $0xF4240, v3;
	v10 =	vadd.s32 $0x1E8480, v3;
	v3 =	vadd.s32 $0xF4240, v14;
	v14 =	vld [tilespmem:$0x180]  }
.LBB2_1:
0x29: {  	p0 =	sne.s32 s15, $0x1;
	s15 =	sadd.s32 $0xFFFFFFFF, s15;
	[tilespmem:$0x280] =	vst v6;
	v6 =	vld [tilespmem:$0x170]  }
0x2a: {  	[tilespmem:$0x300] =	vst v12;
	v12 =	vld [tilespmem:$0x160]  }
0x2b: {  	[tilespmem:$0x470] =	vst v8;
	v8 =	vld [tilespmem:$0x150]  }
0x2c: {  	[tilespmem:$0x4F0] =	vst v13;
	v13 =	vld [tilespmem:$0x140]  }
0x2d: {  	[tilespmem:$0x270] =	vst v4;
	v4 =	vld [tilespmem:$0x130];
	v15 =	vadd.s32 $0xF4240, v14;
	v14 =	vadd.s32 $0x1E8480, v14  }
0x2e: {  	[tilespmem:$0x2F0] =	vst v11;
	v11 =	vld [tilespmem:$0x120];
	v16 =	vadd.s32 $0xF4240, v6;
	v6 =	vadd.s32 $0x1E8480, v6  }
0x2f: {  	v17 =	vadd.s32 $0xF4240, v12;
	v12 =	vadd.s32 $0x1E8480, v12;
	[tilespmem:$0x580] =	vst v14  }
0x30: {  	[tilespmem:$0x420] =	vst v1;
	v1 =	vadd.s32 $0xF4240, v8;
	v8 =	vadd.s32 $0x1E8480, v8  }
0x31: {  	v14 =	vadd.s32 $0xF4240, v13;
	v13 =	vadd.s32 $0x1E8480, v13;
	[tilespmem:$0x380] =	vst v15  }
0x32: {  	[tilespmem:$0x4E0] =	vst v10;
	v10 =	vadd.s32 $0xF4240, v4;
	v4 =	vadd.s32 $0x1E8480, v4  }
0x33: {  	[tilespmem:$0x220] =	vst v0;
	v0 =	vadd.s32 $0xF4240, v11;
	v11 =	vadd.s32 $0x1E8480, v11  }
0x34: {  	[tilespmem:$0x570] =	vst v6  }
0x35: {  	[tilespmem:$0x370] =	vst v16  }
0x36: {  	[tilespmem:$0x2E0] =	vst v7  }
0x37: {  	[tilespmem:$0x560] =	vst v12  }
0x38: {  	[tilespmem:$0x4D0] =	vst v9  }
0x39: {  	[tilespmem:$0x360] =	vst v17  }
0x3a: {  	[tilespmem:$0x2D0] =	vst v3;
	v3 =	vld [tilespmem:$0x1B0]  }
0x3b: {  	[tilespmem:$0x550] =	vst v8;
	v6 =	vld [tilespmem:$0x1A0]  }
0x3c: {  	[tilespmem:$0x2C0] =	vst v5;
	v5 =	vld [tilespmem:$0x190]  }
0x3d: {  	[tilespmem:$0x4C0] =	vst v2  }
0x3e: {  	[tilespmem:$0x350] =	vst v1  }
0x3f: {  	[tilespmem:$0x540] =	vst v13;
	v1 =	vadd.s32 $0xF4240, v3;
	v2 =	vadd.s32 $0x1E8480, v3  }
0x40: {  	[tilespmem:$0x340] =	vst v14;
	v3 =	vadd.s32 $0xF4240, v6;
	v6 =	vadd.s32 $0x1E8480, v6  }
0x41: {  	v7 =	vadd.s32 $0xF4240, v5;
	v5 =	vadd.s32 $0x1E8480, v5;
	[tilespmem:$0x3B0] =	vst v1;
	v1 =	vld [tilespmem:$0x1D0]  }
0x42: {  	[tilespmem:$0x530] =	vst v4;
	v4 =	vld [tilespmem:$0x1C0]  }
0x43: {  	[tilespmem:$0x5B0] =	vst v2  }
0x44: {  	[tilespmem:$0x330] =	vst v10  }
0x45: {  	[tilespmem:$0x5A0] =	vst v6  }
0x46: {  	[tilespmem:$0x520] =	vst v11;
	v2 =	vadd.s32 $0xF4240, v1;
	v1 =	vadd.s32 $0x1E8480, v1  }
0x47: {  	[tilespmem:$0x3A0] =	vst v3;
	v3 =	vadd.s32 $0xF4240, v4;
	v4 =	vadd.s32 $0x1E8480, v4  }
0x48: {  	[tilespmem:$0x5D0] =	vst v1  }
0x49: {  	[tilespmem:$0x320] =	vst v0  }
0x4a: {  	[tilespmem:$0x3D0] =	vst v2  }
0x4b: {  	[tilespmem:$0x590] =	vst v5  }
0x4c: {  	[tilespmem:$0x5C0] =	vst v4  }
0x4d: {  	[tilespmem:$0x390] =	vst v7  }
0x4e: {  	[tilespmem:$0x3C0] =	vst v3  }
0x4f: {  	[tilespmem:s9], [sflag:$0x1] =	stream.indirect.gather [hbm4b:s7+s12], $0x1, s2, s12, $0xb8;
	[tilespmem:$0xC00] =	vst v63  }
0x50: {  	_ = 	snop  }
0x51: {  	[tilespmem:s10], [sflag:$0x1] =	stream.indirect.gather [hbm4b:s7+s12], $0x1, s12, s12, $0xb8;
	[tilespmem:$0xC00] =	vst v63  }
0x52: {  	_ = 	snop  }
0x53: {  	[tilespmem:s11], [sflag:$0x1] =	stream.indirect.gather [hbm4b:s7+s12], $0x1, s14, s12, $0xb8;
	[tilespmem:$0xC00] =	vst v63  }
0x54: {  	_ =	swait.ge [sflag:s13], $0x200  }
0x55: {  	[sflag:s13] =	ssyncset.done $0x0  }
0x56: {  	[sflag:s13] =	ssyncadd.s32 $0xFFFFFE00  }
0x57: {  	_ =	swait.ge [sflag:s13], $0x200  }
0x58: {  	[sflag:s13] =	ssyncset.done $0x0  }
0x59: {  	[sflag:s13] =	ssyncadd.s32 $0xFFFFFE00  }
0x5a: {  	_ =	swait.ge [sflag:s13], $0x200  }
0x5b: {  	[sflag:s13] =	ssyncset.done $0x0  }
0x5c: {  	[sflag:s13] =	ssyncadd.s32 $0xFFFFFE00  }
0x5d: {  	[hbm4b:s5+s2] =	stream.linear.scatter [tilespmem:s9], [sflag:$0x2], $0x200, $0x38;
	[tilespmem:$0xC00] =	vst v63  }
0x5e: {  	_ =	swait.ge [sflag:s3], $0x200  }
0x5f: {  	[sflag:s3] =	ssyncset.done $0x0  }
0x60: {  	[sflag:s3] =	ssyncadd.s32 $0xFFFFFE00  }
0x61: {  	[hbm4b:s6+s2] =	stream.linear.scatter [tilespmem:s10], [sflag:$0x2], $0x200, $0x38;
	[tilespmem:$0xC00] =	vst v63  }
0x62: {  	_ =	swait.ge [sflag:s3], $0x200  }
0x63: {  	[sflag:s3] =	ssyncset.done $0x0  }
0x64: {  	[sflag:s3] =	ssyncadd.s32 $0xFFFFFE00  }
0x65: {  	[hbm4b:s4+s2] =	stream.linear.scatter [tilespmem:s11], [sflag:$0x2], $0x200, $0x38;
	[tilespmem:$0xC00] =	vst v63  }
0x66: {  	_ =	swait.ge [sflag:s3], $0x200  }
0x67: {  	[sflag:s3] =	ssyncset.done $0x0  }
0x68: {  	[sflag:s3] =	ssyncadd.s32 $0xFFFFFE00  }
0x69: {  	[tilespmem:s2], [sflag:$0x2] =	stream.linear.gather [hbm4b:s8+s2], $0x200, $0x38;
	[tilespmem:$0xC00] =	vst v63  }
0x6a: {  	_ =	swait.ge [sflag:s3], $0x200  }
0x6b: {  	[sflag:s3] =	ssyncset.done $0x0  }
0x6c: {  	[sflag:s3] =	ssyncadd.s32 $0xFFFFFE00  }
0x6d: {  	v0 =	vld [tilespmem:$0x1F0]  }
0x6e: {  	v1 =	vld [tilespmem:$0x1E0]  }
0x6f: {  	v2 =	vld [tilespmem:$0x50]  }
0x70: {  	v3 =	vld [tilespmem:$0x60]  }
0x71: {  	v4 =	vld [tilespmem:$0x10]  }
0x72: {  	v5 =	vld [tilespmem:$0x0];
	v6 =	vadd.s32 $0xF4240, v0;
	v0 =	vadd.s32 $0x1E8480, v0  }
0x73: {  	v7 =	vld [tilespmem:$0x40];
	v8 =	vadd.s32 $0xF4240, v1;
	v1 =	vadd.s32 $0x1E8480, v1;
	[tilespmem:$0x3F0] =	vst v6  }
0x74: {  	v6 =	vld [tilespmem:$0x30];
	[tilespmem:$0x5F0] =	vst v0  }
0x75: {  	v0 =	vadd.s32 $0xF4240, v3;
	v3 =	vadd.s32 $0x1E8480, v3;
	v9 =	vld [tilespmem:$0xB0];
	[tilespmem:$0x3E0] =	vst v8  }
0x76: {  	v8 =	vadd.s32 $0xF4240, v4;
	v4 =	vadd.s32 $0x1E8480, v4;
	[tilespmem:$0x460] =	vst v3;
	v3 =	vld [tilespmem:$0xA0]  }
0x77: {  	v11 =	vadd.s32 $0xF4240, v2;
	v2 =	vadd.s32 $0x1E8480, v2;
	v10 =	vadd.s32 $0xF4240, v5;
	[tilespmem:$0x260] =	vst v0;
	v0 =	vld [tilespmem:$0x90]  }
0x78: {  	v5 =	vadd.s32 $0x1E8480, v5;
	v12 =	vadd.s32 $0xF4240, v7;
	v7 =	vadd.s32 $0x1E8480, v7;
	v13 =	vld [tilespmem:$0x80];
	[tilespmem:$0x5E0] =	vst v1  }
0x79: {  	v14 =	vadd.s32 $0xF4240, v6;
	v15 =	vadd.s32 $0x1E8480, v6;
	[tilespmem:$0x450] =	vst v2;
	v1 =	vld [tilespmem:$0x70]  }
0x7a: {  	[tilespmem:$0x400] =	vst v5;
	v2 =	vld [tilespmem:$0x20];
	v5 =	vadd.s32 $0xF4240, v9;
	v9 =	vadd.s32 $0x1E8480, v9  }
0x7b: {  	[tilespmem:$0x410] =	vst v4;
	v16 =	vadd.s32 $0xF4240, v3;
	v3 =	vadd.s32 $0x1E8480, v3  }
0x7c: {  	v17 =	vadd.s32 $0xF4240, v0;
	v18 =	vadd.s32 $0x1E8480, v0;
	[tilespmem:$0x2B0] =	vst v5  }
0x7d: {  	[tilespmem:$0x210] =	vst v8;
	v6 =	vadd.s32 $0xF4240, v13;
	v5 =	vadd.s32 $0x1E8480, v13  }
0x7e: {  	v4 =	vadd.s32 $0xF4240, v1;
	v8 =	vadd.s32 $0x1E8480, v1;
	[tilespmem:$0x4B0] =	vst v9  }
0x7f: {  	[tilespmem:$0x200] =	vst v10;
	v0 =	vadd.s32 $0xF4240, v2;
	v1 =	vadd.s32 $0x1E8480, v2  }
0x80: {  	[tilespmem:$0x240] =	vst v12  }
0x81: {  	[tilespmem:$0x250] =	vst v11;
	v2 =	vld [tilespmem:$0x110]  }
0x82: {  	[tilespmem:$0x2A0] =	vst v16;
	v9 =	vld [tilespmem:$0x100]  }
0x83: {  	[tilespmem:$0x4A0] =	vst v3;
	v3 =	vld [tilespmem:$0xF0]  }
0x84: {  	[tilespmem:$0x440] =	vst v7;
	v10 =	vld [tilespmem:$0xE0]  }
0x85: {  	[tilespmem:$0x490] =	vst v18;
	v16 =	vld [tilespmem:$0xD0]  }
0x86: {  	[tilespmem:$0x290] =	vst v17;
	v17 =	vld [tilespmem:$0xC0];
	v18 =	vadd.s32 $0xF4240, v2;
	v2 =	vadd.s32 $0x1E8480, v2  }
0x87: {  	[tilespmem:$0x230] =	vst v14;
	v12 =	vadd.s32 $0xF4240, v9;
	v14 =	vadd.s32 $0x1E8480, v9  }
.Ltmp1:
0x88: {  	v11 =	vadd.s32 $0xF4240, v3;
	v13 =	vadd.s32 $0x1E8480, v3;
	[tilespmem:$0x510] =	vst v2;
	(pc) =	sbr.rel @p0 .LBB2_1-.Ltmp1, $4  }
0x89: {  	[tilespmem:$0x430] =	vst v15;
	v7 =	vadd.s32 $0xF4240, v10;
	v10 =	vadd.s32 $0x1E8480, v10  }
0x8a: {  	v3 =	vadd.s32 $0xF4240, v16;
	v9 =	vadd.s32 $0x1E8480, v16;
	[tilespmem:$0x310] =	vst v18  }
0x8b: {  	[tilespmem:$0x480] =	vst v5;
	v5 =	vadd.s32 $0xF4240, v17;
	v2 =	vadd.s32 $0x1E8480, v17  }
0x8c: {  	[tilespmem:$0x500] =	vst v14;
	v14 =	vld [tilespmem:$0x180]  }
.LBB2_2:
0x8d: {  	[tilespmem:$0x280] =	vst v6  }
0x8e: {  	[tilespmem:$0x300] =	vst v12  }
0x8f: {  	[tilespmem:$0x470] =	vst v8  }
0x90: {  	[tilespmem:$0x4F0] =	vst v13  }
0x91: {  	[tilespmem:$0x270] =	vst v4  }
0x92: {  	[tilespmem:$0x2F0] =	vst v11  }
0x93: {  	[tilespmem:$0x420] =	vst v1  }
0x94: {  	[tilespmem:$0x4E0] =	vst v10  }
0x95: {  	[tilespmem:$0x220] =	vst v0  }
0x96: {  	[tilespmem:$0x2E0] =	vst v7  }
0x97: {  	v33 =	vld [tilespmem:$0x170];
	[tilespmem:$0x4D0] =	vst v9  }
0x98: {  	[tilespmem:$0x2D0] =	vst v3  }
0x99: {  	v36 =	vld [tilespmem:$0x160];
	[tilespmem:$0x2C0] =	vst v5  }
0x9a: {  	[tilespmem:$0x4C0] =	vst v2;
	v34 =	vadd.s32 $0x1E8480, v14  }
0x9b: {  	v39 =	vld [tilespmem:$0x150];
	v35 =	vadd.s32 $0xF4240, v14;
	[tilespmem:$0x580] =	vst v34  }
0x9c: {  	[tilespmem:$0x380] =	vst v35;
	v37 =	vadd.s32 $0x1E8480, v33  }
0x9d: {  	v42 =	vld [tilespmem:$0x140];
	v38 =	vadd.s32 $0xF4240, v33;
	[tilespmem:$0x570] =	vst v37  }
0x9e: {  	v40 =	vadd.s32 $0x1E8480, v36;
	[tilespmem:$0x370] =	vst v38  }
0x9f: {  	v44 =	vld [tilespmem:$0x1B0];
	v41 =	vadd.s32 $0xF4240, v36;
	[tilespmem:$0x560] =	vst v40  }
0xa0: {  	v45 =	vld [tilespmem:$0x130];
	v43 =	vadd.s32 $0x1E8480, v39;
	[tilespmem:$0x360] =	vst v41  }
0xa1: {  	v4 =	vadd.s32 $0xF4240, v39;
	[tilespmem:$0x550] =	vst v43  }
0xa2: {  	v46 =	vadd.s32 $0x1E8480, v42;
	[tilespmem:$0x350] =	vst v4  }
0xa3: {  	v47 =	vld [tilespmem:$0x1A0];
	v1 =	vadd.s32 $0xF4240, v42;
	[tilespmem:$0x540] =	vst v46  }
0xa4: {  	v48 =	vld [tilespmem:$0x120];
	v49 =	vadd.s32 $0xF4240, v44;
	[tilespmem:$0x340] =	vst v1  }
0xa5: {  	v50 =	vadd.s32 $0x1E8480, v45;
	[tilespmem:$0x3B0] =	vst v49  }
0xa6: {  	v51 =	vld [tilespmem:$0x1D0];
	v3 =	vadd.s32 $0x1E8480, v44;
	[tilespmem:$0x530] =	vst v50  }
0xa7: {  	v0 =	vadd.s32 $0xF4240, v45;
	[tilespmem:$0x5B0] =	vst v3  }
0xa8: {  	v52 =	vadd.s32 $0x1E8480, v47;
	[tilespmem:$0x330] =	vst v0  }
0xa9: {  	v54 =	vld [tilespmem:$0x190];
	v53 =	vadd.s32 $0x1E8480, v48;
	[tilespmem:$0x5A0] =	vst v52  }
0xaa: {  	v56 =	vld [tilespmem:$0x1C0];
	v55 =	vadd.s32 $0xF4240, v47;
	[tilespmem:$0x520] =	vst v53  }
0xab: {  	v57 =	vadd.s32 $0x1E8480, v51;
	[tilespmem:$0x3A0] =	vst v55  }
0xac: {  	v58 =	vadd.s32 $0xF4240, v48;
	[tilespmem:$0x5D0] =	vst v57  }
0xad: {  	v59 =	vadd.s32 $0xF4240, v51;
	[tilespmem:$0x320] =	vst v58  }
0xae: {  	v60 =	vadd.s32 $0x1E8480, v54;
	[tilespmem:$0x3D0] =	vst v59  }
0xaf: {  	v61 =	vadd.s32 $0x1E8480, v56;
	[tilespmem:$0x590] =	vst v60  }
0xb0: {  	v62 =	vadd.s32 $0xF4240, v54;
	[tilespmem:$0x5C0] =	vst v61  }
0xb1: {  	v63 =	vadd.s32 $0xF4240, v56;
	[tilespmem:$0x390] =	vst v62  }
0xb2: {  	[tilespmem:$0x3C0] =	vst v63  }
0xb3: {  	[tilespmem:s9], [sflag:$0x1] =	stream.indirect.gather [hbm4b:s7+s12], $0x1, s2, s12, $0xb8;
	[tilespmem:$0xC00] =	vst v63  }
0xb4: {  	_ = 	snop  }
0xb5: {  	[tilespmem:s10], [sflag:$0x1] =	stream.indirect.gather [hbm4b:s7+s12], $0x1, s12, s12, $0xb8;
	[tilespmem:$0xC00] =	vst v63  }
0xb6: {  	_ = 	snop  }
0xb7: {  	[tilespmem:s11], [sflag:$0x1] =	stream.indirect.gather [hbm4b:s7+s12], $0x1, s14, s12, $0xb8;
	[tilespmem:$0xC00] =	vst v63  }
0xb8: {  	_ =	swait.ge [sflag:s13], $0x200  }
0xb9: {  	[sflag:s13] =	ssyncset.done $0x0  }
0xba: {  	[sflag:s13] =	ssyncadd.s32 $0xFFFFFE00  }
0xbb: {  	_ =	swait.ge [sflag:s13], $0x200  }
0xbc: {  	[sflag:s13] =	ssyncset.done $0x0  }
0xbd: {  	[sflag:s13] =	ssyncadd.s32 $0xFFFFFE00  }
0xbe: {  	_ =	swait.ge [sflag:s13], $0x200  }
0xbf: {  	[sflag:s13] =	ssyncset.done $0x0  }
0xc0: {  	[sflag:s13] =	ssyncadd.s32 $0xFFFFFE00  }
0xc1: {  	[hbm4b:s5+s2] =	stream.linear.scatter [tilespmem:s9], [sflag:$0x2], $0x200, $0x38;
	[tilespmem:$0xC00] =	vst v63  }
0xc2: {  	_ =	swait.ge [sflag:s3], $0x200  }
0xc3: {  	[sflag:s3] =	ssyncset.done $0x0  }
0xc4: {  	[sflag:s3] =	ssyncadd.s32 $0xFFFFFE00  }
0xc5: {  	[hbm4b:s6+s2] =	stream.linear.scatter [tilespmem:s10], [sflag:$0x2], $0x200, $0x38;
	[tilespmem:$0xC00] =	vst v63  }
0xc6: {  	_ =	swait.ge [sflag:s3], $0x200  }
0xc7: {  	[sflag:s3] =	ssyncset.done $0x0  }
0xc8: {  	[sflag:s3] =	ssyncadd.s32 $0xFFFFFE00  }
0xc9: {  	[hbm4b:s4+s2] =	stream.linear.scatter [tilespmem:s11], [sflag:$0x2], $0x200, $0x38;
	[tilespmem:$0xC00] =	vst v63  }
0xca: {  	_ =	swait.ge [sflag:s3], $0x200  }
0xcb: {  	[sflag:s3] =	ssyncset.done $0x0  }
0xcc: {  	[sflag:s3] =	ssyncadd.s32 $0xFFFFFE00  }
0xcd: {  	_ =	sfence.sel $0x180000  }
0xce: {  	[bflag:$0x0] =	sbarrier.arrive $0xFFFF  }
0xcf: {  	p0 =	sne.s32 s0, $0x0;
	_ =	strace $0x9000004A  }
0xd0: {  	s0 =	sadd.s32 @!p0 $0x100000, s1;
	[bflag:$0x2] =	sbarrier.arrive $0xFFFF  }
0xd1: {  	[sflag:s0] =	ssyncadd.tile.s32 @!p0 $0x1;
	_ =	shalt  }
.Lfunc_end2:
_tile_overlayer_lowered:
.L_overlay_start_2:
0xd2: {  	(tag) =	ssettag $0x2  }
0xd3: {  	s0 =	rddreg [dreg:$0x0];
	s2 =	stileid.u32  }
0xd4: {  	s1 =	rddreg [dreg:$0x1];
	p0 =	sne.s32 s2, $0x0  }
0xd5: {  	s3 =	rddreg [dreg:$0x2];
	[bflag:$0x3] =	sbarrier.arrive $0xFFFF;
	s2 =	simm.s32 @!p0 $0x1C02  }
0xd6: {  	[timem:s3], [sflag:s2] =	dma.local @!p0 [hbm:s0], s1  }
0xd7: {  	s0 =	simm.s32 @!p0 $0x2  }
0xd8: {  	_ =	swait.ge @!p0 [sflag:s0], s1  }
0xd9: {  	s1 =	ssub.s32 @!p0 $0x0, s1;
	[sflag:s0] =	ssyncset.done @!p0 $0x0  }
0xda: {  	[sflag:s0] =	ssyncadd.s32 @!p0 s1  }
0xdb: {  	[bflag:$0x3] =	sbarrier.arrive $0xFFFF  }
0xdc: {  	_ =	shalt  }

</sc_bundles>
